<compile_context>
chip_gen: v7x
topology: tpu7x:2x2x1
jax: 0.10.2.dev20260603
libtpu: 0.0.44.dev20260713+nightly
codegen_flags: <defaults>
</compile_context>

<pallas_src>
import functools

import jax
import jax.numpy as jnp
from jax import lax
from jax.experimental import pallas as pl
from jax.experimental.pallas import tpu as pltpu
from jax.experimental.pallas import tpu_sc as plsc

N = 16384
NNZ = 268435
D_IN = 1024
D_OUT = 32

NC = 2
NS = 16
NW = NC * NS
CH = 128
CHUNKS = -(-NNZ // (NW * CH))
PER_W = CHUNKS * CH
NNZ_PAD = NW * PER_W
RPS = N // NS


def _matmul(b, W, bias2d):
    m_blk = 2048

    def body(b_ref, w_ref, bias_ref, o_ref):
        o_ref[...] = (
            jnp.dot(b_ref[...], w_ref[...], preferred_element_type=jnp.float32)
            + bias_ref[...]
        )

    return pl.pallas_call(
        body,
        grid=(N // m_blk,),
        in_specs=[
            pl.BlockSpec((m_blk, D_IN), lambda i: (i, 0)),
            pl.BlockSpec((D_IN, D_OUT), lambda i: (0, 0)),
            pl.BlockSpec((1, D_OUT), lambda i: (0, 0)),
        ],
        out_specs=pl.BlockSpec((m_blk, D_OUT), lambda i: (i, 0)),
        out_shape=jax.ShapeDtypeStruct((N, D_OUT), jnp.float32),
    )(b, W, bias2d)


RW = N // NW


def _combine(partials):
    mesh = plsc.VectorSubcoreMesh(core_axis_name="c", subcore_axis_name="s")

    @functools.partial(
        pl.kernel,
        out_type=jax.ShapeDtypeStruct((N, D_OUT), jnp.float32),
        mesh=mesh,
        compiler_params=pltpu.CompilerParams(use_tc_tiling_on_sc=False),
        scratch_types=[
            pltpu.VMEM((RW, D_OUT), jnp.float32),
            pltpu.VMEM((RW, D_OUT), jnp.float32),
            pltpu.SemaphoreType.DMA,
            pltpu.SemaphoreType.DMA,
        ],
    )
    def k(p_hbm, out_hbm, t0, t1, s0, s1):
        cid = lax.axis_index("c")
        sid = lax.axis_index("s")
        base = (cid * NS + sid) * RW
        c0 = pltpu.async_copy(p_hbm.at[pl.ds(base, RW)], t0, s0)
        c1 = pltpu.async_copy(p_hbm.at[pl.ds(N + base, RW)], t1, s1)
        c0.wait()
        c1.wait()

        def add(i, _):
            t0[i, pl.ds(0, 16)] = t0[i, pl.ds(0, 16)] + t1[i, pl.ds(0, 16)]
            t0[i, pl.ds(16, 16)] = t0[i, pl.ds(16, 16)] + t1[i, pl.ds(16, 16)]
            return 0

        lax.fori_loop(0, RW, add, 0, unroll=4)
        pltpu.sync_copy(t0, out_hbm.at[pl.ds(base, RW)])

    return k(partials)


NB = 3


VALID_LAST = NNZ - (NW - 1) * PER_W
FULL_LAST = (VALID_LAST // CH) * CH
REM_LAST = VALID_LAST - FULL_LAST
ZSTART = (VALID_LAST // 16) * 16
ZCNT = PER_W - ZSTART


def _sc_spmm(cols1d, rows1d, vals1d, b_fc):
    mesh = plsc.VectorSubcoreMesh(core_axis_name="c", subcore_axis_name="s")

    @functools.partial(
        pl.kernel,
        out_type=jax.ShapeDtypeStruct((NC * N, D_OUT), jnp.float32),
        mesh=mesh,
        compiler_params=pltpu.CompilerParams(use_tc_tiling_on_sc=False),
        scratch_types=[
            pltpu.VMEM((PER_W,), jnp.int32),
            pltpu.VMEM((PER_W,), jnp.int32),
            pltpu.VMEM((PER_W,), jnp.float32),
            pltpu.VMEM((CH, D_OUT), jnp.float32),
            pltpu.VMEM((CH, D_OUT), jnp.float32),
            pltpu.VMEM((CH, D_OUT), jnp.float32),
            pltpu.VMEM_SHARED((N, D_OUT), jnp.float32),
            pltpu.VMEM_SHARED((N, D_OUT), jnp.float32),
            pltpu.SemaphoreType.DMA,
            pltpu.SemaphoreType.DMA,
            pltpu.SemaphoreType.DMA,
            pltpu.SemaphoreType.DMA,
            pltpu.SemaphoreType.DMA,
            pltpu.SemaphoreType.DMA,
            pltpu.SemaphoreType.DMA,
            pltpu.SemaphoreType.DMA,
            pltpu.SemaphoreType.DMA,
            pltpu.SemaphoreType.DMA,
        ],
    )
    def k(cols_hbm, rows_hbm, vals_hbm, bfc_hbm, out_hbm, col_all, row_all,
          val_all, g0, g1, g2, acc_sh, bfc_sh, sem_c, sem_r, sem_v, sem_b,
          sg0, sg1, sg2, ss0, ss1, ss2):
        gat = (g0, g1, g2)
        semg = (sg0, sg1, sg2)
        sems = (ss0, ss1, ss2)
        cid = lax.axis_index("c")
        sid = lax.axis_index("s")
        wid = cid * NS + sid

        @pl.when(wid < NW - 1)
        def _():
            pltpu.async_copy(
                cols_hbm.at[pl.ds(wid * PER_W, PER_W)], col_all, sem_c)
            pltpu.async_copy(
                rows_hbm.at[pl.ds(wid * PER_W, PER_W)], row_all, sem_r)
            pltpu.async_copy(
                vals_hbm.at[pl.ds(wid * PER_W, PER_W)], val_all, sem_v)

        @pl.when(wid == NW - 1)
        def _():
            zi = jnp.zeros((16,), jnp.int32)
            zf = jnp.zeros((16,), jnp.float32)

            def ztail(i, _):
                off = ZSTART + i * 16
                col_all[pl.ds(off, 16)] = zi
                row_all[pl.ds(off, 16)] = zi
                val_all[pl.ds(off, 16)] = zf
                return 0

            lax.fori_loop(0, ZCNT // 16, ztail, 0, unroll=4)
            base = wid * PER_W
            pltpu.async_copy(
                cols_hbm.at[pl.ds(base, FULL_LAST)],
                col_all.at[pl.ds(0, FULL_LAST)], sem_c)
            pltpu.async_copy(
                rows_hbm.at[pl.ds(base, FULL_LAST)],
                row_all.at[pl.ds(0, FULL_LAST)], sem_r)
            pltpu.async_copy(
                vals_hbm.at[pl.ds(base, FULL_LAST)],
                val_all.at[pl.ds(0, FULL_LAST)], sem_v)
            pltpu.async_copy(
                cols_hbm.at[pl.ds(base + FULL_LAST, REM_LAST)],
                col_all.at[pl.ds(FULL_LAST, REM_LAST)], sem_c)
            pltpu.async_copy(
                rows_hbm.at[pl.ds(base + FULL_LAST, REM_LAST)],
                row_all.at[pl.ds(FULL_LAST, REM_LAST)], sem_r)
            pltpu.async_copy(
                vals_hbm.at[pl.ds(base + FULL_LAST, REM_LAST)],
                val_all.at[pl.ds(FULL_LAST, REM_LAST)], sem_v)

        b_copy = pltpu.async_copy(
            bfc_hbm.at[pl.ds(sid * RPS, RPS)],
            bfc_sh.at[pl.ds(sid * RPS, RPS)], sem_b)

        def zfill(i, _):
            g0[i, pl.ds(0, 16)] = jnp.zeros((16,), jnp.float32)
            g0[i, pl.ds(16, 16)] = jnp.zeros((16,), jnp.float32)
            return 0

        lax.fori_loop(0, CH, zfill, 0, unroll=4)

        def zcopy(t, _):
            off = pl.multiple_of(sid * RPS + t * CH, CH)
            pltpu.sync_copy(g0, acc_sh.at[pl.ds(off, CH)])
            return 0

        lax.fori_loop(0, RPS // CH, zcopy, 0)

        @pl.when(wid < NW - 1)
        def _():
            pltpu.make_async_copy(
                cols_hbm.at[pl.ds(wid * PER_W, PER_W)], col_all, sem_c).wait()
            pltpu.make_async_copy(
                rows_hbm.at[pl.ds(wid * PER_W, PER_W)], row_all, sem_r).wait()
            pltpu.make_async_copy(
                vals_hbm.at[pl.ds(wid * PER_W, PER_W)], val_all, sem_v).wait()

        @pl.when(wid == NW - 1)
        def _():
            base = wid * PER_W
            for (hbm, dst, sem) in (
                (cols_hbm, col_all, sem_c),
                (rows_hbm, row_all, sem_r),
                (vals_hbm, val_all, sem_v),
            ):
                pltpu.make_async_copy(
                    hbm.at[pl.ds(base, FULL_LAST)],
                    dst.at[pl.ds(0, FULL_LAST)], sem).wait()
                pltpu.make_async_copy(
                    hbm.at[pl.ds(base + FULL_LAST, REM_LAST)],
                    dst.at[pl.ds(FULL_LAST, REM_LAST)], sem).wait()

        b_copy.wait()
        plsc.subcore_barrier()

        for b in range(NB - 1):
            pltpu.async_copy(
                bfc_sh.at[col_all.at[pl.ds(b * CH, CH)]], gat[b], semg[b])

        def scale(gbuf, t, j0):
            v16 = val_all[pl.ds(t * CH + j0 * 16, 16)]
            for r in range(16):
                j = j0 * 16 + r
                gbuf[j, pl.ds(0, 16)] = gbuf[j, pl.ds(0, 16)] * v16[r]
                gbuf[j, pl.ds(16, 16)] = gbuf[j, pl.ds(16, 16)] * v16[r]

        def outer(g, _):
            for b in range(NB):
                t = g * NB + b
                pltpu.make_async_copy(
                    bfc_sh.at[col_all.at[pl.ds(t * CH, CH)]],
                    gat[b], semg[b]).wait()
                u = t + NB - 1
                bb = (b + NB - 1) % NB

                @pl.when(u < CHUNKS)
                def _():
                    @pl.when(t >= 1)
                    def _():
                        pltpu.make_async_copy(
                            gat[bb],
                            acc_sh.at[row_all.at[pl.ds((t - 1) * CH, CH)]],
                            sems[bb]).wait()

                    pltpu.async_copy(
                        bfc_sh.at[col_all.at[pl.ds(u * CH, CH)]],
                        gat[bb], semg[bb])

                def sbody(j0, _):
                    scale(gat[b], t, j0)
                    return 0

                lax.fori_loop(0, CH // 16, sbody, 0)
                pltpu.async_copy(
                    gat[b], acc_sh.at[row_all.at[pl.ds(t * CH, CH)]],
                    sems[b], add=True)
            return 0

        lax.fori_loop(0, CHUNKS // NB, outer, 0)

        for b in range(NB):
            pltpu.make_async_copy(
                gat[b],
                acc_sh.at[row_all.at[pl.ds((CHUNKS - NB + b) * CH, CH)]],
                sems[b]).wait()
        plsc.subcore_barrier()

        pltpu.sync_copy(
            acc_sh.at[pl.ds(sid * RPS, RPS)],
            out_hbm.at[pl.ds(cid * N + sid * RPS, RPS)],
        )

    return k(cols1d, rows1d, vals1d, b_fc)


def kernel(a_indices, a_values, b, W, bias):
    b_fc = _matmul(b, W, bias.reshape(1, D_OUT))
    partials = _sc_spmm(a_indices[:, 1], a_indices[:, 0], a_values, b_fc)
    return _combine(partials)

# --- scband reference (transcript-rebuilt; emitter-appended) ---
"""Pipeline reference for scband-my-model-87522843559592 (READ-ONLY COPY).

The authoritative reference and input builder live on the scoring server;
editing this copy changes nothing except your own understanding.
"""

import jax, jax.numpy as jnp
import numpy as np

N = 16384
NNZ = 268435
D_IN = 1024
D_OUT = 32

def setup_inputs(seed: int = 0) -> dict:
    key = jax.random.key(seed)
    k1, k2, k3, k4 = jax.random.split(key, 4)
    a_indices = jax.random.randint(k1, (NNZ, 2), 0, N, dtype=jnp.int32)
    a_values = jax.random.normal(k2, (NNZ,), dtype=jnp.float32)
    b = jax.random.normal(k3, (N, D_IN), dtype=jnp.float32)
    W = jax.random.normal(k4, (D_IN, D_OUT), dtype=jnp.float32) * (1.0 / np.sqrt(D_IN))
    bias = jnp.zeros((D_OUT,), dtype=jnp.float32)
    return {"a_indices": a_indices, "a_values": a_values, "b": b, "W": W, "bias": bias}

def reference(a_indices, a_values, b, W, bias):
    # Dense(32) applied to b
    b_fc = jnp.dot(b, W) + bias
    # sparse_dense_matmul: out[i, :] = sum_{(i,j) in A} a_val * b_fc[j, :]
    rows = a_indices[:, 0]
    cols = a_indices[:, 1]
    gathered = a_values[:, None] * jnp.take(b_fc, cols, axis=0)
    out = jax.ops.segment_sum(gathered, rows, num_segments=N)
    return out

if __name__ == "__main__":
    import jax
    _d = setup_inputs()
    print(jax.jit(kernel)(*tuple(_d.values())))

</pallas_src>

<mosaic_0001>
#map = affine_map<(d0, d1) -> (0, 0)>
module attributes {stable_mosaic.version = 14 : i64} {
  func.func @k(%arg0: i32, %arg1: i32, %arg2: memref<32768x32xf32, #tpu.memory_space<hbm>>, %arg3: memref<16384x32xf32, #tpu.memory_space<hbm>>, %arg4: memref<512x32xf32, #tpu.memory_space<vmem>>, %arg5: memref<512x32xf32, #tpu.memory_space<vmem>>, %arg6: memref<!tpu.dma_semaphore, #tpu.memory_space<semaphore_mem>>, %arg7: memref<!tpu.dma_semaphore, #tpu.memory_space<semaphore_mem>>) attributes {dimension_semantics = [#tpu.dimension_semantics<core_parallel>, #tpu.dimension_semantics<subcore_parallel>], iteration_bounds = array<i64: 2, 16>, scalar_prefetch = 0 : i64, scratch_operands = 4 : i64, tpu.core_type = #tpu.core_type<sc_vector_subcore>, window_params = [{transform_indices = #map}, {transform_indices = #map}]} {
    %mul3A = arith.constant 16 : i32
    %mul3A_0 = arith.muli %arg0, %mul3A : i32
    %add3A = arith.addi %mul3A_0, %arg1 : i32
    %mul3A_1 = arith.constant 512 : i32
    %mul3A_2 = arith.muli %add3A, %mul3A_1 : i32
    %dma_start3A = arith.constant 0 : i32
    %dma_start3A_3 = tpu.memref_slice %arg2[%mul3A_2, %dma_start3A] : memref<32768x32xf32, #tpu.memory_space<hbm>> -> memref<512x32xf32, #tpu.memory_space<hbm>>
    %dma_start3A_4 = arith.constant 0 : i32
    %dma_start3A_5 = tpu.memref_slice %arg2[%mul3A_2, %dma_start3A_4] : memref<32768x32xf32, #tpu.memory_space<hbm>> -> memref<512x32xf32, #tpu.memory_space<hbm>>
    tpu.enqueue_dma source(%dma_start3A_5 : memref<512x32xf32, #tpu.memory_space<hbm>>) target(%arg4 : memref<512x32xf32, #tpu.memory_space<vmem>>) target_semaphore(%arg6 : memref<!tpu.dma_semaphore, #tpu.memory_space<semaphore_mem>>)
    %add3A_6 = arith.constant 16384 : i32
    %add3A_7 = arith.addi %add3A_6, %mul3A_2 : i32
    %dma_start3A_8 = arith.constant 0 : i32
    %dma_start3A_9 = tpu.memref_slice %arg2[%add3A_7, %dma_start3A_8] : memref<32768x32xf32, #tpu.memory_space<hbm>> -> memref<512x32xf32, #tpu.memory_space<hbm>>
    %dma_start3A_10 = arith.constant 0 : i32
    %dma_start3A_11 = tpu.memref_slice %arg2[%add3A_7, %dma_start3A_10] : memref<32768x32xf32, #tpu.memory_space<hbm>> -> memref<512x32xf32, #tpu.memory_space<hbm>>
    tpu.enqueue_dma source(%dma_start3A_11 : memref<512x32xf32, #tpu.memory_space<hbm>>) target(%arg5 : memref<512x32xf32, #tpu.memory_space<vmem>>) target_semaphore(%arg7 : memref<!tpu.dma_semaphore, #tpu.memory_space<semaphore_mem>>)
    %dma_wait3A = arith.constant 0 : i32
    %dma_wait3A_12 = tpu.memref_slice %arg2[%mul3A_2, %dma_wait3A] : memref<32768x32xf32, #tpu.memory_space<hbm>> -> memref<512x32xf32, #tpu.memory_space<hbm>>
    %dma_wait3A_13 = arith.constant 0 : i32
    %dma_wait3A_14 = tpu.memref_slice %arg2[%mul3A_2, %dma_wait3A_13] : memref<32768x32xf32, #tpu.memory_space<hbm>> -> memref<512x32xf32, #tpu.memory_space<hbm>>
    tpu.wait_dma2 semaphore(%arg6 : memref<!tpu.dma_semaphore, #tpu.memory_space<semaphore_mem>>) src(%dma_wait3A_14 : memref<512x32xf32, #tpu.memory_space<hbm>>) dst(%arg4 : memref<512x32xf32, #tpu.memory_space<vmem>>)
    %dma_wait3A_15 = arith.constant 0 : i32
    %dma_wait3A_16 = tpu.memref_slice %arg2[%add3A_7, %dma_wait3A_15] : memref<32768x32xf32, #tpu.memory_space<hbm>> -> memref<512x32xf32, #tpu.memory_space<hbm>>
    %dma_wait3A_17 = arith.constant 0 : i32
    %dma_wait3A_18 = tpu.memref_slice %arg2[%add3A_7, %dma_wait3A_17] : memref<32768x32xf32, #tpu.memory_space<hbm>> -> memref<512x32xf32, #tpu.memory_space<hbm>>
    tpu.wait_dma2 semaphore(%arg7 : memref<!tpu.dma_semaphore, #tpu.memory_space<semaphore_mem>>) src(%dma_wait3A_18 : memref<512x32xf32, #tpu.memory_space<hbm>>) dst(%arg5 : memref<512x32xf32, #tpu.memory_space<vmem>>)
    %scan3A = arith.constant 0 : i32
    %scan3A_19 = arith.constant 0 : i32
    %scan3A_20 = arith.constant 512 : i32
    %scan3A_21 = arith.addi %scan3A_19, %scan3A_20 : i32
    %scan3A_22 = arith.constant 4 : i32
    %scan3A_23 = scf.for %scan3A_25 = %scan3A_19 to %scan3A_21 step %scan3A_22 iter_args(%scan3A_26 = %scan3A) -> (i32)  : i32 {
      %get3A = arith.index_cast %scan3A_25 : i32 to index
      %get3A_27 = arith.constant 0 : index
      %get3A_28 = tpu.vector_load %arg4[%get3A, %get3A_27] {strides = array<i32>} : memref<512x32xf32, #tpu.memory_space<vmem>>, vector<1x16xf32>,
      %get3A_29 = vector.shape_cast %get3A_28 : vector<1x16xf32> to vector<16xf32>
      %get3A_30 = arith.index_cast %scan3A_25 : i32 to index
      %get3A_31 = arith.constant 0 : index
      %get3A_32 = tpu.vector_load %arg5[%get3A_30, %get3A_31] {strides = array<i32>} : memref<512x32xf32, #tpu.memory_space<vmem>>, vector<1x16xf32>,
      %get3A_33 = vector.shape_cast %get3A_32 : vector<1x16xf32> to vector<16xf32>
      %add3A_34 = arith.addf %get3A_29, %get3A_33 : vector<16xf32>
      %swap3A = arith.index_cast %scan3A_25 : i32 to index
      %swap3A_35 = arith.constant 0 : index
      %swap3A_36 = tpu.vector_load %arg4[%swap3A, %swap3A_35] {strides = array<i32>} : memref<512x32xf32, #tpu.memory_space<vmem>>, vector<1x16xf32>,
      %swap3A_37 = vector.shape_cast %swap3A_36 : vector<1x16xf32> to vector<16xf32>
      %swap3A_38 = vector.shape_cast %add3A_34 : vector<16xf32> to vector<1x16xf32>
      tpu.vector_store %arg4[%swap3A, %swap3A_35], %swap3A_38 {strides = array<i32>} : memref<512x32xf32, #tpu.memory_space<vmem>>, vector<1x16xf32>,
      %get3A_39 = arith.index_cast %scan3A_25 : i32 to index
      %get3A_40 = arith.constant 16 : index
      %get3A_41 = tpu.vector_load %arg4[%get3A_39, %get3A_40] {strides = array<i32>} : memref<512x32xf32, #tpu.memory_space<vmem>>, vector<1x16xf32>,
      %get3A_42 = vector.shape_cast %get3A_41 : vector<1x16xf32> to vector<16xf32>
      %get3A_43 = arith.index_cast %scan3A_25 : i32 to index
      %get3A_44 = arith.constant 16 : index
      %get3A_45 = tpu.vector_load %arg5[%get3A_43, %get3A_44] {strides = array<i32>} : memref<512x32xf32, #tpu.memory_space<vmem>>, vector<1x16xf32>,
      %get3A_46 = vector.shape_cast %get3A_45 : vector<1x16xf32> to vector<16xf32>
      %add3A_47 = arith.addf %get3A_42, %get3A_46 : vector<16xf32>
      %swap3A_48 = arith.index_cast %scan3A_25 : i32 to index
      %swap3A_49 = arith.constant 16 : index
      %swap3A_50 = tpu.vector_load %arg4[%swap3A_48, %swap3A_49] {strides = array<i32>} : memref<512x32xf32, #tpu.memory_space<vmem>>, vector<1x16xf32>,
      %swap3A_51 = vector.shape_cast %swap3A_50 : vector<1x16xf32> to vector<16xf32>
      %swap3A_52 = vector.shape_cast %add3A_47 : vector<16xf32> to vector<1x16xf32>
      tpu.vector_store %arg4[%swap3A_48, %swap3A_49], %swap3A_52 {strides = array<i32>} : memref<512x32xf32, #tpu.memory_space<vmem>>, vector<1x16xf32>,
      %scan3A_53 = arith.constant 0 : i32
      %scan3A_54 = arith.constant 1 : i32
      %scan3A_55 = arith.addi %scan3A_25, %scan3A_54 : i32
      %get3A_56 = arith.index_cast %scan3A_55 : i32 to index
      %get3A_57 = arith.constant 0 : index
      %get3A_58 = tpu.vector_load %arg4[%get3A_56, %get3A_57] {strides = array<i32>} : memref<512x32xf32, #tpu.memory_space<vmem>>, vector<1x16xf32>,
      %get3A_59 = vector.shape_cast %get3A_58 : vector<1x16xf32> to vector<16xf32>
      %get3A_60 = arith.index_cast %scan3A_55 : i32 to index
      %get3A_61 = arith.constant 0 : index
      %get3A_62 = tpu.vector_load %arg5[%get3A_60, %get3A_61] {strides = array<i32>} : memref<512x32xf32, #tpu.memory_space<vmem>>, vector<1x16xf32>,
      %get3A_63 = vector.shape_cast %get3A_62 : vector<1x16xf32> to vector<16xf32>
      %add3A_64 = arith.addf %get3A_59, %get3A_63 : vector<16xf32>
      %swap3A_65 = arith.index_cast %scan3A_55 : i32 to index
      %swap3A_66 = arith.constant 0 : index
      %swap3A_67 = tpu.vector_load %arg4[%swap3A_65, %swap3A_66] {strides = array<i32>} : memref<512x32xf32, #tpu.memory_space<vmem>>, vector<1x16xf32>,
      %swap3A_68 = vector.shape_cast %swap3A_67 : vector<1x16xf32> to vector<16xf32>
      %swap3A_69 = vector.shape_cast %add3A_64 : vector<16xf32> to vector<1x16xf32>
      tpu.vector_store %arg4[%swap3A_65, %swap3A_66], %swap3A_69 {strides = array<i32>} : memref<512x32xf32, #tpu.memory_space<vmem>>, vector<1x16xf32>,
      %get3A_70 = arith.index_cast %scan3A_55 : i32 to index
      %get3A_71 = arith.constant 16 : index
      %get3A_72 = tpu.vector_load %arg4[%get3A_70, %get3A_71] {strides = array<i32>} : memref<512x32xf32, #tpu.memory_space<vmem>>, vector<1x16xf32>,
      %get3A_73 = vector.shape_cast %get3A_72 : vector<1x16xf32> to vector<16xf32>
      %get3A_74 = arith.index_cast %scan3A_55 : i32 to index
      %get3A_75 = arith.constant 16 : index
      %get3A_76 = tpu.vector_load %arg5[%get3A_74, %get3A_75] {strides = array<i32>} : memref<512x32xf32, #tpu.memory_space<vmem>>, vector<1x16xf32>,
      %get3A_77 = vector.shape_cast %get3A_76 : vector<1x16xf32> to vector<16xf32>
      %add3A_78 = arith.addf %get3A_73, %get3A_77 : vector<16xf32>
      %swap3A_79 = arith.index_cast %scan3A_55 : i32 to index
      %swap3A_80 = arith.constant 16 : index
      %swap3A_81 = tpu.vector_load %arg4[%swap3A_79, %swap3A_80] {strides = array<i32>} : memref<512x32xf32, #tpu.memory_space<vmem>>, vector<1x16xf32>,
      %swap3A_82 = vector.shape_cast %swap3A_81 : vector<1x16xf32> to vector<16xf32>
      %swap3A_83 = vector.shape_cast %add3A_78 : vector<16xf32> to vector<1x16xf32>
      tpu.vector_store %arg4[%swap3A_79, %swap3A_80], %swap3A_83 {strides = array<i32>} : memref<512x32xf32, #tpu.memory_space<vmem>>, vector<1x16xf32>,
      %scan3A_84 = arith.constant 0 : i32
      %scan3A_85 = arith.constant 2 : i32
      %scan3A_86 = arith.addi %scan3A_25, %scan3A_85 : i32
      %get3A_87 = arith.index_cast %scan3A_86 : i32 to index
      %get3A_88 = arith.constant 0 : index
      %get3A_89 = tpu.vector_load %arg4[%get3A_87, %get3A_88] {strides = array<i32>} : memref<512x32xf32, #tpu.memory_space<vmem>>, vector<1x16xf32>,
      %get3A_90 = vector.shape_cast %get3A_89 : vector<1x16xf32> to vector<16xf32>
      %get3A_91 = arith.index_cast %scan3A_86 : i32 to index
      %get3A_92 = arith.constant 0 : index
      %get3A_93 = tpu.vector_load %arg5[%get3A_91, %get3A_92] {strides = array<i32>} : memref<512x32xf32, #tpu.memory_space<vmem>>, vector<1x16xf32>,
      %get3A_94 = vector.shape_cast %get3A_93 : vector<1x16xf32> to vector<16xf32>
      %add3A_95 = arith.addf %get3A_90, %get3A_94 : vector<16xf32>
      %swap3A_96 = arith.index_cast %scan3A_86 : i32 to index
      %swap3A_97 = arith.constant 0 : index
      %swap3A_98 = tpu.vector_load %arg4[%swap3A_96, %swap3A_97] {strides = array<i32>} : memref<512x32xf32, #tpu.memory_space<vmem>>, vector<1x16xf32>,
      %swap3A_99 = vector.shape_cast %swap3A_98 : vector<1x16xf32> to vector<16xf32>
      %swap3A_100 = vector.shape_cast %add3A_95 : vector<16xf32> to vector<1x16xf32>
      tpu.vector_store %arg4[%swap3A_96, %swap3A_97], %swap3A_100 {strides = array<i32>} : memref<512x32xf32, #tpu.memory_space<vmem>>, vector<1x16xf32>,
      %get3A_101 = arith.index_cast %scan3A_86 : i32 to index
      %get3A_102 = arith.constant 16 : index
      %get3A_103 = tpu.vector_load %arg4[%get3A_101, %get3A_102] {strides = array<i32>} : memref<512x32xf32, #tpu.memory_space<vmem>>, vector<1x16xf32>,
      %get3A_104 = vector.shape_cast %get3A_103 : vector<1x16xf32> to vector<16xf32>
      %get3A_105 = arith.index_cast %scan3A_86 : i32 to index
      %get3A_106 = arith.constant 16 : index
      %get3A_107 = tpu.vector_load %arg5[%get3A_105, %get3A_106] {strides = array<i32>} : memref<512x32xf32, #tpu.memory_space<vmem>>, vector<1x16xf32>,
      %get3A_108 = vector.shape_cast %get3A_107 : vector<1x16xf32> to vector<16xf32>
      %add3A_109 = arith.addf %get3A_104, %get3A_108 : vector<16xf32>
      %swap3A_110 = arith.index_cast %scan3A_86 : i32 to index
      %swap3A_111 = arith.constant 16 : index
      %swap3A_112 = tpu.vector_load %arg4[%swap3A_110, %swap3A_111] {strides = array<i32>} : memref<512x32xf32, #tpu.memory_space<vmem>>, vector<1x16xf32>,
      %swap3A_113 = vector.shape_cast %swap3A_112 : vector<1x16xf32> to vector<16xf32>
      %swap3A_114 = vector.shape_cast %add3A_109 : vector<16xf32> to vector<1x16xf32>
      tpu.vector_store %arg4[%swap3A_110, %swap3A_111], %swap3A_114 {strides = array<i32>} : memref<512x32xf32, #tpu.memory_space<vmem>>, vector<1x16xf32>,
      %scan3A_115 = arith.constant 0 : i32
      %scan3A_116 = arith.constant 3 : i32
      %scan3A_117 = arith.addi %scan3A_25, %scan3A_116 : i32
      %get3A_118 = arith.index_cast %scan3A_117 : i32 to index
      %get3A_119 = arith.constant 0 : index
      %get3A_120 = tpu.vector_load %arg4[%get3A_118, %get3A_119] {strides = array<i32>} : memref<512x32xf32, #tpu.memory_space<vmem>>, vector<1x16xf32>,
      %get3A_121 = vector.shape_cast %get3A_120 : vector<1x16xf32> to vector<16xf32>
      %get3A_122 = arith.index_cast %scan3A_117 : i32 to index
      %get3A_123 = arith.constant 0 : index
      %get3A_124 = tpu.vector_load %arg5[%get3A_122, %get3A_123] {strides = array<i32>} : memref<512x32xf32, #tpu.memory_space<vmem>>, vector<1x16xf32>,
      %get3A_125 = vector.shape_cast %get3A_124 : vector<1x16xf32> to vector<16xf32>
      %add3A_126 = arith.addf %get3A_121, %get3A_125 : vector<16xf32>
      %swap3A_127 = arith.index_cast %scan3A_117 : i32 to index
      %swap3A_128 = arith.constant 0 : index
      %swap3A_129 = tpu.vector_load %arg4[%swap3A_127, %swap3A_128] {strides = array<i32>} : memref<512x32xf32, #tpu.memory_space<vmem>>, vector<1x16xf32>,
      %swap3A_130 = vector.shape_cast %swap3A_129 : vector<1x16xf32> to vector<16xf32>
      %swap3A_131 = vector.shape_cast %add3A_126 : vector<16xf32> to vector<1x16xf32>
      tpu.vector_store %arg4[%swap3A_127, %swap3A_128], %swap3A_131 {strides = array<i32>} : memref<512x32xf32, #tpu.memory_space<vmem>>, vector<1x16xf32>,
      %get3A_132 = arith.index_cast %scan3A_117 : i32 to index
      %get3A_133 = arith.constant 16 : index
      %get3A_134 = tpu.vector_load %arg4[%get3A_132, %get3A_133] {strides = array<i32>} : memref<512x32xf32, #tpu.memory_space<vmem>>, vector<1x16xf32>,
      %get3A_135 = vector.shape_cast %get3A_134 : vector<1x16xf32> to vector<16xf32>
      %get3A_136 = arith.index_cast %scan3A_117 : i32 to index
      %get3A_137 = arith.constant 16 : index
      %get3A_138 = tpu.vector_load %arg5[%get3A_136, %get3A_137] {strides = array<i32>} : memref<512x32xf32, #tpu.memory_space<vmem>>, vector<1x16xf32>,
      %get3A_139 = vector.shape_cast %get3A_138 : vector<1x16xf32> to vector<16xf32>
      %add3A_140 = arith.addf %get3A_135, %get3A_139 : vector<16xf32>
      %swap3A_141 = arith.index_cast %scan3A_117 : i32 to index
      %swap3A_142 = arith.constant 16 : index
      %swap3A_143 = tpu.vector_load %arg4[%swap3A_141, %swap3A_142] {strides = array<i32>} : memref<512x32xf32, #tpu.memory_space<vmem>>, vector<1x16xf32>,
      %swap3A_144 = vector.shape_cast %swap3A_143 : vector<1x16xf32> to vector<16xf32>
      %swap3A_145 = vector.shape_cast %add3A_140 : vector<16xf32> to vector<1x16xf32>
      tpu.vector_store %arg4[%swap3A_141, %swap3A_142], %swap3A_145 {strides = array<i32>} : memref<512x32xf32, #tpu.memory_space<vmem>>, vector<1x16xf32>,
      %scan3A_146 = arith.constant 0 : i32
      scf.yield %scan3A_146 : i32
    }
    %scan3A_24 = arith.constant 512 : i32
    "tpu.region"() ({
      %run_scoped3A = tpu.sem_alloc : memref<!tpu.dma_semaphore, #tpu.memory_space<semaphore_mem>>
      %dma_start3A_25 = arith.constant 0 : i32
      %dma_start3A_26 = tpu.memref_slice %arg3[%mul3A_2, %dma_start3A_25] : memref<16384x32xf32, #tpu.memory_space<hbm>> -> memref<512x32xf32, #tpu.memory_space<hbm>>
      %dma_start3A_27 = arith.constant 0 : i32
      %dma_start3A_28 = tpu.memref_slice %arg3[%mul3A_2, %dma_start3A_27] : memref<16384x32xf32, #tpu.memory_space<hbm>> -> memref<512x32xf32, #tpu.memory_space<hbm>>
      tpu.enqueue_dma source(%arg4 : memref<512x32xf32, #tpu.memory_space<vmem>>) target(%dma_start3A_28 : memref<512x32xf32, #tpu.memory_space<hbm>>) target_semaphore(%run_scoped3A : memref<!tpu.dma_semaphore, #tpu.memory_space<semaphore_mem>>)
      %dma_wait3A_29 = arith.constant 0 : i32
      %dma_wait3A_30 = tpu.memref_slice %arg3[%mul3A_2, %dma_wait3A_29] : memref<16384x32xf32, #tpu.memory_space<hbm>> -> memref<512x32xf32, #tpu.memory_space<hbm>>
      %dma_wait3A_31 = arith.constant 0 : i32
      %dma_wait3A_32 = tpu.memref_slice %arg3[%mul3A_2, %dma_wait3A_31] : memref<16384x32xf32, #tpu.memory_space<hbm>> -> memref<512x32xf32, #tpu.memory_space<hbm>>
      tpu.wait_dma2 semaphore(%run_scoped3A : memref<!tpu.dma_semaphore, #tpu.memory_space<semaphore_mem>>) src(%arg4 : memref<512x32xf32, #tpu.memory_space<vmem>>) dst(%dma_wait3A_32 : memref<512x32xf32, #tpu.memory_space<hbm>>)
      tpu.yield
    }) : () -> ()
    return
  }
}

#map = affine_map<(d0, d1) -> (0)>
#map1 = affine_map<(d0, d1) -> (0, 0)>
module attributes {stable_mosaic.version = 14 : i64} {
  func.func @k(%arg0: i32, %arg1: i32, %arg2: memref<268435xi32, #tpu.memory_space<hbm>>, %arg3: memref<268435xi32, #tpu.memory_space<hbm>>, %arg4: memref<268435xf32, #tpu.memory_space<hbm>>, %arg5: memref<16384x32xf32, #tpu.memory_space<hbm>>, %arg6: memref<32768x32xf32, #tpu.memory_space<hbm>>, %arg7: memref<8448xi32, #tpu.memory_space<vmem>>, %arg8: memref<8448xi32, #tpu.memory_space<vmem>>, %arg9: memref<8448xf32, #tpu.memory_space<vmem>>, %arg10: memref<128x32xf32, #tpu.memory_space<vmem>>, %arg11: memref<128x32xf32, #tpu.memory_space<vmem>>, %arg12: memref<128x32xf32, #tpu.memory_space<vmem>>, %arg13: memref<16384x32xf32, #tpu.memory_space<vmem_shared>>, %arg14: memref<16384x32xf32, #tpu.memory_space<vmem_shared>>, %arg15: memref<!tpu.dma_semaphore, #tpu.memory_space<semaphore_mem>>, %arg16: memref<!tpu.dma_semaphore, #tpu.memory_space<semaphore_mem>>, %arg17: memref<!tpu.dma_semaphore, #tpu.memory_space<semaphore_mem>>, %arg18: memref<!tpu.dma_semaphore, #tpu.memory_space<semaphore_mem>>, %arg19: memref<!tpu.dma_semaphore, #tpu.memory_space<semaphore_mem>>, %arg20: memref<!tpu.dma_semaphore, #tpu.memory_space<semaphore_mem>>, %arg21: memref<!tpu.dma_semaphore, #tpu.memory_space<semaphore_mem>>, %arg22: memref<!tpu.dma_semaphore, #tpu.memory_space<semaphore_mem>>, %arg23: memref<!tpu.dma_semaphore, #tpu.memory_space<semaphore_mem>>, %arg24: memref<!tpu.dma_semaphore, #tpu.memory_space<semaphore_mem>>) attributes {dimension_semantics = [#tpu.dimension_semantics<core_parallel>, #tpu.dimension_semantics<subcore_parallel>], iteration_bounds = array<i64: 2, 16>, scalar_prefetch = 0 : i64, scratch_operands = 18 : i64, tpu.core_type = #tpu.core_type<sc_vector_subcore>, window_params = [{transform_indices = #map}, {transform_indices = #map}, {transform_indices = #map}, {transform_indices = #map1}, {transform_indices = #map1}]} {
    %mul3A = arith.constant 16 : i32
    %mul3A_0 = arith.muli %arg0, %mul3A : i32
    %add3A = arith.addi %mul3A_0, %arg1 : i32
    %lt3A = arith.constant 31 : i32
    %lt3A_1 = arith.cmpi slt, %add3A, %lt3A : i32
    %convert_element_type3A = arith.extui %lt3A_1 : i1 to i32
    %cond3A = arith.constant 0 : i32
    %cond3A_2 = arith.cmpi ne, %convert_element_type3A, %cond3A : i32
    scf.if %cond3A_2 {
      %mul3A_80 = arith.constant 8448 : i32
      %mul3A_81 = arith.muli %add3A, %mul3A_80 : i32
      %dma_start3A_82 = tpu.memref_slice %arg2[%mul3A_81] : memref<268435xi32, #tpu.memory_space<hbm>> -> memref<8448xi32, #tpu.memory_space<hbm>>
      %dma_start3A_83 = tpu.memref_slice %arg2[%mul3A_81] : memref<268435xi32, #tpu.memory_space<hbm>> -> memref<8448xi32, #tpu.memory_space<hbm>>
      tpu.enqueue_dma source(%dma_start3A_83 : memref<8448xi32, #tpu.memory_space<hbm>>) target(%arg7 : memref<8448xi32, #tpu.memory_space<vmem>>) target_semaphore(%arg15 : memref<!tpu.dma_semaphore, #tpu.memory_space<semaphore_mem>>)
      %mul3A_84 = arith.constant 8448 : i32
      %mul3A_85 = arith.muli %add3A, %mul3A_84 : i32
      %dma_start3A_86 = tpu.memref_slice %arg3[%mul3A_85] : memref<268435xi32, #tpu.memory_space<hbm>> -> memref<8448xi32, #tpu.memory_space<hbm>>
      %dma_start3A_87 = tpu.memref_slice %arg3[%mul3A_85] : memref<268435xi32, #tpu.memory_space<hbm>> -> memref<8448xi32, #tpu.memory_space<hbm>>
      tpu.enqueue_dma source(%dma_start3A_87 : memref<8448xi32, #tpu.memory_space<hbm>>) target(%arg8 : memref<8448xi32, #tpu.memory_space<vmem>>) target_semaphore(%arg16 : memref<!tpu.dma_semaphore, #tpu.memory_space<semaphore_mem>>)
      %mul3A_88 = arith.constant 8448 : i32
      %mul3A_89 = arith.muli %add3A, %mul3A_88 : i32
      %dma_start3A_90 = tpu.memref_slice %arg4[%mul3A_89] : memref<268435xf32, #tpu.memory_space<hbm>> -> memref<8448xf32, #tpu.memory_space<hbm>>
      %dma_start3A_91 = tpu.memref_slice %arg4[%mul3A_89] : memref<268435xf32, #tpu.memory_space<hbm>> -> memref<8448xf32, #tpu.memory_space<hbm>>
      tpu.enqueue_dma source(%dma_start3A_91 : memref<8448xf32, #tpu.memory_space<hbm>>) target(%arg9 : memref<8448xf32, #tpu.memory_space<vmem>>) target_semaphore(%arg17 : memref<!tpu.dma_semaphore, #tpu.memory_space<semaphore_mem>>)
    } else {
    }
    %eq3A = arith.constant 31 : i32
    %eq3A_3 = arith.cmpi eq, %add3A, %eq3A : i32
    %convert_element_type3A_4 = arith.extui %eq3A_3 : i1 to i32
    %cond3A_5 = arith.constant 0 : i32
    %cond3A_6 = arith.cmpi ne, %convert_element_type3A_4, %cond3A_5 : i32
    scf.if %cond3A_6 {
      %broadcast_in_dim3A = arith.constant 0 : i32
      %broadcast_in_dim3A_80 = vector.broadcast %broadcast_in_dim3A : i32 to vector<16xi32>
      %broadcast_in_dim3A_81 = arith.constant 0.000000e+00 : f32
      %broadcast_in_dim3A_82 = vector.broadcast %broadcast_in_dim3A_81 : f32 to vector<16xf32>
      %scan3A_83 = arith.constant 0 : i32
      %scan3A_84 = arith.constant 0 : i32
      %scan3A_85 = arith.constant 116 : i32
      %scan3A_86 = arith.addi %scan3A_84, %scan3A_85 : i32
      %scan3A_87 = arith.constant 4 : i32
      %scan3A_88 = scf.for %scan3A_190 = %scan3A_84 to %scan3A_86 step %scan3A_87 iter_args(%scan3A_191 = %scan3A_83) -> (i32)  : i32 {
        %mul3A_192 = arith.constant 16 : i32
        %mul3A_193 = arith.muli %scan3A_190, %mul3A_192 : i32
        %add3A_194 = arith.constant 6544 : i32
        %add3A_195 = arith.addi %add3A_194, %mul3A_193 : i32
        %swap3A_196 = arith.index_cast %add3A_195 : i32 to index
        %swap3A_197 = tpu.vector_load %arg7[%swap3A_196] {strides = array<i32>} : memref<8448xi32, #tpu.memory_space<vmem>>, vector<16xi32>,
        %swap3A_198 = vector.shape_cast %swap3A_197 : vector<16xi32> to vector<16xi32>
        %swap3A_199 = vector.shape_cast %broadcast_in_dim3A_80 : vector<16xi32> to vector<16xi32>
        tpu.vector_store %arg7[%swap3A_196], %swap3A_199 {strides = array<i32>} : memref<8448xi32, #tpu.memory_space<vmem>>, vector<16xi32>,
        %swap3A_200 = arith.index_cast %add3A_195 : i32 to index
        %swap3A_201 = tpu.vector_load %arg8[%swap3A_200] {strides = array<i32>} : memref<8448xi32, #tpu.memory_space<vmem>>, vector<16xi32>,
        %swap3A_202 = vector.shape_cast %swap3A_201 : vector<16xi32> to vector<16xi32>
        %swap3A_203 = vector.shape_cast %broadcast_in_dim3A_80 : vector<16xi32> to vector<16xi32>
        tpu.vector_store %arg8[%swap3A_200], %swap3A_203 {strides = array<i32>} : memref<8448xi32, #tpu.memory_space<vmem>>, vector<16xi32>,
        %swap3A_204 = arith.index_cast %add3A_195 : i32 to index
        %swap3A_205 = tpu.vector_load %arg9[%swap3A_204] {strides = array<i32>} : memref<8448xf32, #tpu.memory_space<vmem>>, vector<16xf32>,
        %swap3A_206 = vector.shape_cast %swap3A_205 : vector<16xf32> to vector<16xf32>
        %swap3A_207 = vector.shape_cast %broadcast_in_dim3A_82 : vector<16xf32> to vector<16xf32>
        tpu.vector_store %arg9[%swap3A_204], %swap3A_207 {strides = array<i32>} : memref<8448xf32, #tpu.memory_space<vmem>>, vector<16xf32>,
        %scan3A_208 = arith.constant 0 : i32
        %scan3A_209 = arith.constant 1 : i32
        %scan3A_210 = arith.addi %scan3A_190, %scan3A_209 : i32
        %mul3A_211 = arith.constant 16 : i32
        %mul3A_212 = arith.muli %scan3A_210, %mul3A_211 : i32
        %add3A_213 = arith.constant 6544 : i32
        %add3A_214 = arith.addi %add3A_213, %mul3A_212 : i32
        %swap3A_215 = arith.index_cast %add3A_214 : i32 to index
        %swap3A_216 = tpu.vector_load %arg7[%swap3A_215] {strides = array<i32>} : memref<8448xi32, #tpu.memory_space<vmem>>, vector<16xi32>,
        %swap3A_217 = vector.shape_cast %swap3A_216 : vector<16xi32> to vector<16xi32>
        %swap3A_218 = vector.shape_cast %broadcast_in_dim3A_80 : vector<16xi32> to vector<16xi32>
        tpu.vector_store %arg7[%swap3A_215], %swap3A_218 {strides = array<i32>} : memref<8448xi32, #tpu.memory_space<vmem>>, vector<16xi32>,
        %swap3A_219 = arith.index_cast %add3A_214 : i32 to index
        %swap3A_220 = tpu.vector_load %arg8[%swap3A_219] {strides = array<i32>} : memref<8448xi32, #tpu.memory_space<vmem>>, vector<16xi32>,
        %swap3A_221 = vector.shape_cast %swap3A_220 : vector<16xi32> to vector<16xi32>
        %swap3A_222 = vector.shape_cast %broadcast_in_dim3A_80 : vector<16xi32> to vector<16xi32>
        tpu.vector_store %arg8[%swap3A_219], %swap3A_222 {strides = array<i32>} : memref<8448xi32, #tpu.memory_space<vmem>>, vector<16xi32>,
        %swap3A_223 = arith.index_cast %add3A_214 : i32 to index
        %swap3A_224 = tpu.vector_load %arg9[%swap3A_223] {strides = array<i32>} : memref<8448xf32, #tpu.memory_space<vmem>>, vector<16xf32>,
        %swap3A_225 = vector.shape_cast %swap3A_224 : vector<16xf32> to vector<16xf32>
        %swap3A_226 = vector.shape_cast %broadcast_in_dim3A_82 : vector<16xf32> to vector<16xf32>
        tpu.vector_store %arg9[%swap3A_223], %swap3A_226 {strides = array<i32>} : memref<8448xf32, #tpu.memory_space<vmem>>, vector<16xf32>,
        %scan3A_227 = arith.constant 0 : i32
        %scan3A_228 = arith.constant 2 : i32
        %scan3A_229 = arith.addi %scan3A_190, %scan3A_228 : i32
        %mul3A_230 = arith.constant 16 : i32
        %mul3A_231 = arith.muli %scan3A_229, %mul3A_230 : i32
        %add3A_232 = arith.constant 6544 : i32
        %add3A_233 = arith.addi %add3A_232, %mul3A_231 : i32
        %swap3A_234 = arith.index_cast %add3A_233 : i32 to index
        %swap3A_235 = tpu.vector_load %arg7[%swap3A_234] {strides = array<i32>} : memref<8448xi32, #tpu.memory_space<vmem>>, vector<16xi32>,
        %swap3A_236 = vector.shape_cast %swap3A_235 : vector<16xi32> to vector<16xi32>
        %swap3A_237 = vector.shape_cast %broadcast_in_dim3A_80 : vector<16xi32> to vector<16xi32>
        tpu.vector_store %arg7[%swap3A_234], %swap3A_237 {strides = array<i32>} : memref<8448xi32, #tpu.memory_space<vmem>>, vector<16xi32>,
        %swap3A_238 = arith.index_cast %add3A_233 : i32 to index
        %swap3A_239 = tpu.vector_load %arg8[%swap3A_238] {strides = array<i32>} : memref<8448xi32, #tpu.memory_space<vmem>>, vector<16xi32>,
        %swap3A_240 = vector.shape_cast %swap3A_239 : vector<16xi32> to vector<16xi32>
        %swap3A_241 = vector.shape_cast %broadcast_in_dim3A_80 : vector<16xi32> to vector<16xi32>
        tpu.vector_store %arg8[%swap3A_238], %swap3A_241 {strides = array<i32>} : memref<8448xi32, #tpu.memory_space<vmem>>, vector<16xi32>,
        %swap3A_242 = arith.index_cast %add3A_233 : i32 to index
        %swap3A_243 = tpu.vector_load %arg9[%swap3A_242] {strides = array<i32>} : memref<8448xf32, #tpu.memory_space<vmem>>, vector<16xf32>,
        %swap3A_244 = vector.shape_cast %swap3A_243 : vector<16xf32> to vector<16xf32>
        %swap3A_245 = vector.shape_cast %broadcast_in_dim3A_82 : vector<16xf32> to vector<16xf32>
        tpu.vector_store %arg9[%swap3A_242], %swap3A_245 {strides = array<i32>} : memref<8448xf32, #tpu.memory_space<vmem>>, vector<16xf32>,
        %scan3A_246 = arith.constant 0 : i32
        %scan3A_247 = arith.constant 3 : i32
        %scan3A_248 = arith.addi %scan3A_190, %scan3A_247 : i32
        %mul3A_249 = arith.constant 16 : i32
        %mul3A_250 = arith.muli %scan3A_248, %mul3A_249 : i32
        %add3A_251 = arith.constant 6544 : i32
        %add3A_252 = arith.addi %add3A_251, %mul3A_250 : i32
        %swap3A_253 = arith.index_cast %add3A_252 : i32 to index
        %swap3A_254 = tpu.vector_load %arg7[%swap3A_253] {strides = array<i32>} : memref<8448xi32, #tpu.memory_space<vmem>>, vector<16xi32>,
        %swap3A_255 = vector.shape_cast %swap3A_254 : vector<16xi32> to vector<16xi32>
        %swap3A_256 = vector.shape_cast %broadcast_in_dim3A_80 : vector<16xi32> to vector<16xi32>
        tpu.vector_store %arg7[%swap3A_253], %swap3A_256 {strides = array<i32>} : memref<8448xi32, #tpu.memory_space<vmem>>, vector<16xi32>,
        %swap3A_257 = arith.index_cast %add3A_252 : i32 to index
        %swap3A_258 = tpu.vector_load %arg8[%swap3A_257] {strides = array<i32>} : memref<8448xi32, #tpu.memory_space<vmem>>, vector<16xi32>,
        %swap3A_259 = vector.shape_cast %swap3A_258 : vector<16xi32> to vector<16xi32>
        %swap3A_260 = vector.shape_cast %broadcast_in_dim3A_80 : vector<16xi32> to vector<16xi32>
        tpu.vector_store %arg8[%swap3A_257], %swap3A_260 {strides = array<i32>} : memref<8448xi32, #tpu.memory_space<vmem>>, vector<16xi32>,
        %swap3A_261 = arith.index_cast %add3A_252 : i32 to index
        %swap3A_262 = tpu.vector_load %arg9[%swap3A_261] {strides = array<i32>} : memref<8448xf32, #tpu.memory_space<vmem>>, vector<16xf32>,
        %swap3A_263 = vector.shape_cast %swap3A_262 : vector<16xf32> to vector<16xf32>
        %swap3A_264 = vector.shape_cast %broadcast_in_dim3A_82 : vector<16xf32> to vector<16xf32>
        tpu.vector_store %arg9[%swap3A_261], %swap3A_264 {strides = array<i32>} : memref<8448xf32, #tpu.memory_space<vmem>>, vector<16xf32>,
        %scan3A_265 = arith.constant 0 : i32
        scf.yield %scan3A_265 : i32
      }
      %scan3A_89 = arith.constant 116 : i32
      %scan3A_90 = arith.addi %scan3A_84, %scan3A_89 : i32
      %mul3A_91 = arith.constant 16 : i32
      %mul3A_92 = arith.muli %scan3A_90, %mul3A_91 : i32
      %add3A_93 = arith.constant 6544 : i32
      %add3A_94 = arith.addi %add3A_93, %mul3A_92 : i32
      %swap3A = arith.index_cast %add3A_94 : i32 to index
      %swap3A_95 = tpu.vector_load %arg7[%swap3A] {strides = array<i32>} : memref<8448xi32, #tpu.memory_space<vmem>>, vector<16xi32>,
      %swap3A_96 = vector.shape_cast %swap3A_95 : vector<16xi32> to vector<16xi32>
      %swap3A_97 = vector.shape_cast %broadcast_in_dim3A_80 : vector<16xi32> to vector<16xi32>
      tpu.vector_store %arg7[%swap3A], %swap3A_97 {strides = array<i32>} : memref<8448xi32, #tpu.memory_space<vmem>>, vector<16xi32>,
      %swap3A_98 = arith.index_cast %add3A_94 : i32 to index
      %swap3A_99 = tpu.vector_load %arg8[%swap3A_98] {strides = array<i32>} : memref<8448xi32, #tpu.memory_space<vmem>>, vector<16xi32>,
      %swap3A_100 = vector.shape_cast %swap3A_99 : vector<16xi32> to vector<16xi32>
      %swap3A_101 = vector.shape_cast %broadcast_in_dim3A_80 : vector<16xi32> to vector<16xi32>
      tpu.vector_store %arg8[%swap3A_98], %swap3A_101 {strides = array<i32>} : memref<8448xi32, #tpu.memory_space<vmem>>, vector<16xi32>,
      %swap3A_102 = arith.index_cast %add3A_94 : i32 to index
      %swap3A_103 = tpu.vector_load %arg9[%swap3A_102] {strides = array<i32>} : memref<8448xf32, #tpu.memory_space<vmem>>, vector<16xf32>,
      %swap3A_104 = vector.shape_cast %swap3A_103 : vector<16xf32> to vector<16xf32>
      %swap3A_105 = vector.shape_cast %broadcast_in_dim3A_82 : vector<16xf32> to vector<16xf32>
      tpu.vector_store %arg9[%swap3A_102], %swap3A_105 {strides = array<i32>} : memref<8448xf32, #tpu.memory_space<vmem>>, vector<16xf32>,
      %scan3A_106 = arith.constant 0 : i32
      %scan3A_107 = arith.constant 117 : i32
      %scan3A_108 = arith.addi %scan3A_84, %scan3A_107 : i32
      %mul3A_109 = arith.constant 16 : i32
      %mul3A_110 = arith.muli %scan3A_108, %mul3A_109 : i32
      %add3A_111 = arith.constant 6544 : i32
      %add3A_112 = arith.addi %add3A_111, %mul3A_110 : i32
      %swap3A_113 = arith.index_cast %add3A_112 : i32 to index
      %swap3A_114 = tpu.vector_load %arg7[%swap3A_113] {strides = array<i32>} : memref<8448xi32, #tpu.memory_space<vmem>>, vector<16xi32>,
      %swap3A_115 = vector.shape_cast %swap3A_114 : vector<16xi32> to vector<16xi32>
      %swap3A_116 = vector.shape_cast %broadcast_in_dim3A_80 : vector<16xi32> to vector<16xi32>
      tpu.vector_store %arg7[%swap3A_113], %swap3A_116 {strides = array<i32>} : memref<8448xi32, #tpu.memory_space<vmem>>, vector<16xi32>,
      %swap3A_117 = arith.index_cast %add3A_112 : i32 to index
      %swap3A_118 = tpu.vector_load %arg8[%swap3A_117] {strides = array<i32>} : memref<8448xi32, #tpu.memory_space<vmem>>, vector<16xi32>,
      %swap3A_119 = vector.shape_cast %swap3A_118 : vector<16xi32> to vector<16xi32>
      %swap3A_120 = vector.shape_cast %broadcast_in_dim3A_80 : vector<16xi32> to vector<16xi32>
      tpu.vector_store %arg8[%swap3A_117], %swap3A_120 {strides = array<i32>} : memref<8448xi32, #tpu.memory_space<vmem>>, vector<16xi32>,
      %swap3A_121 = arith.index_cast %add3A_112 : i32 to index
      %swap3A_122 = tpu.vector_load %arg9[%swap3A_121] {strides = array<i32>} : memref<8448xf32, #tpu.memory_space<vmem>>, vector<16xf32>,
      %swap3A_123 = vector.shape_cast %swap3A_122 : vector<16xf32> to vector<16xf32>
      %swap3A_124 = vector.shape_cast %broadcast_in_dim3A_82 : vector<16xf32> to vector<16xf32>
      tpu.vector_store %arg9[%swap3A_121], %swap3A_124 {strides = array<i32>} : memref<8448xf32, #tpu.memory_space<vmem>>, vector<16xf32>,
      %scan3A_125 = arith.constant 0 : i32
      %scan3A_126 = arith.constant 118 : i32
      %scan3A_127 = arith.addi %scan3A_84, %scan3A_126 : i32
      %mul3A_128 = arith.constant 16 : i32
      %mul3A_129 = arith.muli %scan3A_127, %mul3A_128 : i32
      %add3A_130 = arith.constant 6544 : i32
      %add3A_131 = arith.addi %add3A_130, %mul3A_129 : i32
      %swap3A_132 = arith.index_cast %add3A_131 : i32 to index
      %swap3A_133 = tpu.vector_load %arg7[%swap3A_132] {strides = array<i32>} : memref<8448xi32, #tpu.memory_space<vmem>>, vector<16xi32>,
      %swap3A_134 = vector.shape_cast %swap3A_133 : vector<16xi32> to vector<16xi32>
      %swap3A_135 = vector.shape_cast %broadcast_in_dim3A_80 : vector<16xi32> to vector<16xi32>
      tpu.vector_store %arg7[%swap3A_132], %swap3A_135 {strides = array<i32>} : memref<8448xi32, #tpu.memory_space<vmem>>, vector<16xi32>,
      %swap3A_136 = arith.index_cast %add3A_131 : i32 to index
      %swap3A_137 = tpu.vector_load %arg8[%swap3A_136] {strides = array<i32>} : memref<8448xi32, #tpu.memory_space<vmem>>, vector<16xi32>,
      %swap3A_138 = vector.shape_cast %swap3A_137 : vector<16xi32> to vector<16xi32>
      %swap3A_139 = vector.shape_cast %broadcast_in_dim3A_80 : vector<16xi32> to vector<16xi32>
      tpu.vector_store %arg8[%swap3A_136], %swap3A_139 {strides = array<i32>} : memref<8448xi32, #tpu.memory_space<vmem>>, vector<16xi32>,
      %swap3A_140 = arith.index_cast %add3A_131 : i32 to index
      %swap3A_141 = tpu.vector_load %arg9[%swap3A_140] {strides = array<i32>} : memref<8448xf32, #tpu.memory_space<vmem>>, vector<16xf32>,
      %swap3A_142 = vector.shape_cast %swap3A_141 : vector<16xf32> to vector<16xf32>
      %swap3A_143 = vector.shape_cast %broadcast_in_dim3A_82 : vector<16xf32> to vector<16xf32>
      tpu.vector_store %arg9[%swap3A_140], %swap3A_143 {strides = array<i32>} : memref<8448xf32, #tpu.memory_space<vmem>>, vector<16xf32>,
      %scan3A_144 = arith.constant 0 : i32
      %scan3A_145 = arith.constant 119 : i32
      %mul3A_146 = arith.constant 8448 : i32
      %mul3A_147 = arith.muli %add3A, %mul3A_146 : i32
      %dma_start3A_148 = arith.constant 0 : i32
      %dma_start3A_149 = tpu.memref_slice %arg7[%dma_start3A_148] : memref<8448xi32, #tpu.memory_space<vmem>> -> memref<6528xi32, #tpu.memory_space<vmem>>
      %dma_start3A_150 = tpu.memref_slice %arg2[%mul3A_147] : memref<268435xi32, #tpu.memory_space<hbm>> -> memref<6528xi32, #tpu.memory_space<hbm>>
      %dma_start3A_151 = arith.constant 0 : i32
      %dma_start3A_152 = tpu.memref_slice %arg7[%dma_start3A_151] : memref<8448xi32, #tpu.memory_space<vmem>> -> memref<6528xi32, #tpu.memory_space<vmem>>
      %dma_start3A_153 = tpu.memref_slice %arg2[%mul3A_147] : memref<268435xi32, #tpu.memory_space<hbm>> -> memref<6528xi32, #tpu.memory_space<hbm>>
      tpu.enqueue_dma source(%dma_start3A_153 : memref<6528xi32, #tpu.memory_space<hbm>>) target(%dma_start3A_152 : memref<6528xi32, #tpu.memory_space<vmem>>) target_semaphore(%arg15 : memref<!tpu.dma_semaphore, #tpu.memory_space<semaphore_mem>>)
      %dma_start3A_154 = arith.constant 0 : i32
      %dma_start3A_155 = tpu.memref_slice %arg8[%dma_start3A_154] : memref<8448xi32, #tpu.memory_space<vmem>> -> memref<6528xi32, #tpu.memory_space<vmem>>
      %dma_start3A_156 = tpu.memref_slice %arg3[%mul3A_147] : memref<268435xi32, #tpu.memory_space<hbm>> -> memref<6528xi32, #tpu.memory_space<hbm>>
      %dma_start3A_157 = arith.constant 0 : i32
      %dma_start3A_158 = tpu.memref_slice %arg8[%dma_start3A_157] : memref<8448xi32, #tpu.memory_space<vmem>> -> memref<6528xi32, #tpu.memory_space<vmem>>
      %dma_start3A_159 = tpu.memref_slice %arg3[%mul3A_147] : memref<268435xi32, #tpu.memory_space<hbm>> -> memref<6528xi32, #tpu.memory_space<hbm>>
      tpu.enqueue_dma source(%dma_start3A_159 : memref<6528xi32, #tpu.memory_space<hbm>>) target(%dma_start3A_158 : memref<6528xi32, #tpu.memory_space<vmem>>) target_semaphore(%arg16 : memref<!tpu.dma_semaphore, #tpu.memory_space<semaphore_mem>>)
      %dma_start3A_160 = arith.constant 0 : i32
      %dma_start3A_161 = tpu.memref_slice %arg9[%dma_start3A_160] : memref<8448xf32, #tpu.memory_space<vmem>> -> memref<6528xf32, #tpu.memory_space<vmem>>
      %dma_start3A_162 = tpu.memref_slice %arg4[%mul3A_147] : memref<268435xf32, #tpu.memory_space<hbm>> -> memref<6528xf32, #tpu.memory_space<hbm>>
      %dma_start3A_163 = arith.constant 0 : i32
      %dma_start3A_164 = tpu.memref_slice %arg9[%dma_start3A_163] : memref<8448xf32, #tpu.memory_space<vmem>> -> memref<6528xf32, #tpu.memory_space<vmem>>
      %dma_start3A_165 = tpu.memref_slice %arg4[%mul3A_147] : memref<268435xf32, #tpu.memory_space<hbm>> -> memref<6528xf32, #tpu.memory_space<hbm>>
      tpu.enqueue_dma source(%dma_start3A_165 : memref<6528xf32, #tpu.memory_space<hbm>>) target(%dma_start3A_164 : memref<6528xf32, #tpu.memory_space<vmem>>) target_semaphore(%arg17 : memref<!tpu.dma_semaphore, #tpu.memory_space<semaphore_mem>>)
      %add3A_166 = arith.constant 6528 : i32
      %add3A_167 = arith.addi %mul3A_147, %add3A_166 : i32
      %dma_start3A_168 = arith.constant 6528 : i32
      %dma_start3A_169 = tpu.memref_slice %arg7[%dma_start3A_168] : memref<8448xi32, #tpu.memory_space<vmem>> -> memref<19xi32, #tpu.memory_space<vmem>>
      %dma_start3A_170 = tpu.memref_slice %arg2[%add3A_167] : memref<268435xi32, #tpu.memory_space<hbm>> -> memref<19xi32, #tpu.memory_space<hbm>>
      %dma_start3A_171 = arith.constant 6528 : i32
      %dma_start3A_172 = tpu.memref_slice %arg7[%dma_start3A_171] : memref<8448xi32, #tpu.memory_space<vmem>> -> memref<19xi32, #tpu.memory_space<vmem>>
      %dma_start3A_173 = tpu.memref_slice %arg2[%add3A_167] : memref<268435xi32, #tpu.memory_space<hbm>> -> memref<19xi32, #tpu.memory_space<hbm>>
      tpu.enqueue_dma source(%dma_start3A_173 : memref<19xi32, #tpu.memory_space<hbm>>) target(%dma_start3A_172 : memref<19xi32, #tpu.memory_space<vmem>>) target_semaphore(%arg15 : memref<!tpu.dma_semaphore, #tpu.memory_space<semaphore_mem>>)
      %add3A_174 = arith.constant 6528 : i32
      %add3A_175 = arith.addi %mul3A_147, %add3A_174 : i32
      %dma_start3A_176 = arith.constant 6528 : i32
      %dma_start3A_177 = tpu.memref_slice %arg8[%dma_start3A_176] : memref<8448xi32, #tpu.memory_space<vmem>> -> memref<19xi32, #tpu.memory_space<vmem>>
      %dma_start3A_178 = tpu.memref_slice %arg3[%add3A_175] : memref<268435xi32, #tpu.memory_space<hbm>> -> memref<19xi32, #tpu.memory_space<hbm>>
      %dma_start3A_179 = arith.constant 6528 : i32
      %dma_start3A_180 = tpu.memref_slice %arg8[%dma_start3A_179] : memref<8448xi32, #tpu.memory_space<vmem>> -> memref<19xi32, #tpu.memory_space<vmem>>
      %dma_start3A_181 = tpu.memref_slice %arg3[%add3A_175] : memref<268435xi32, #tpu.memory_space<hbm>> -> memref<19xi32, #tpu.memory_space<hbm>>
      tpu.enqueue_dma source(%dma_start3A_181 : memref<19xi32, #tpu.memory_space<hbm>>) target(%dma_start3A_180 : memref<19xi32, #tpu.memory_space<vmem>>) target_semaphore(%arg16 : memref<!tpu.dma_semaphore, #tpu.memory_space<semaphore_mem>>)
      %add3A_182 = arith.constant 6528 : i32
      %add3A_183 = arith.addi %mul3A_147, %add3A_182 : i32
      %dma_start3A_184 = arith.constant 6528 : i32
      %dma_start3A_185 = tpu.memref_slice %arg9[%dma_start3A_184] : memref<8448xf32, #tpu.memory_space<vmem>> -> memref<19xf32, #tpu.memory_space<vmem>>
      %dma_start3A_186 = tpu.memref_slice %arg4[%add3A_183] : memref<268435xf32, #tpu.memory_space<hbm>> -> memref<19xf32, #tpu.memory_space<hbm>>
      %dma_start3A_187 = arith.constant 6528 : i32
      %dma_start3A_188 = tpu.memref_slice %arg9[%dma_start3A_187] : memref<8448xf32, #tpu.memory_space<vmem>> -> memref<19xf32, #tpu.memory_space<vmem>>
      %dma_start3A_189 = tpu.memref_slice %arg4[%add3A_183] : memref<268435xf32, #tpu.memory_space<hbm>> -> memref<19xf32, #tpu.memory_space<hbm>>
      tpu.enqueue_dma source(%dma_start3A_189 : memref<19xf32, #tpu.memory_space<hbm>>) target(%dma_start3A_188 : memref<19xf32, #tpu.memory_space<vmem>>) target_semaphore(%arg17 : memref<!tpu.dma_semaphore, #tpu.memory_space<semaphore_mem>>)
    } else {
    }
    %mul3A_7 = arith.constant 1024 : i32
    %mul3A_8 = arith.muli %arg1, %mul3A_7 : i32
    %mul3A_9 = arith.constant 1024 : i32
    %mul3A_10 = arith.muli %arg1, %mul3A_9 : i32
    %dma_start3A = arith.constant 0 : i32
    %dma_start3A_11 = tpu.memref_slice %arg14[%mul3A_10, %dma_start3A] : memref<16384x32xf32, #tpu.memory_space<vmem_shared>> -> memref<1024x32xf32, #tpu.memory_space<vmem_shared>>
    %dma_start3A_12 = arith.constant 0 : i32
    %dma_start3A_13 = tpu.memref_slice %arg5[%mul3A_8, %dma_start3A_12] : memref<16384x32xf32, #tpu.memory_space<hbm>> -> memref<1024x32xf32, #tpu.memory_space<hbm>>
    tpu.enqueue_dma source(%dma_start3A_13 : memref<1024x32xf32, #tpu.memory_space<hbm>>) target(%dma_start3A_11 : memref<1024x32xf32, #tpu.memory_space<vmem_shared>>) target_semaphore(%arg18 : memref<!tpu.dma_semaphore, #tpu.memory_space<semaphore_mem>>)
    %scan3A = arith.constant 0 : i32
    %scan3A_14 = arith.constant 0 : i32
    %scan3A_15 = arith.constant 128 : i32
    %scan3A_16 = arith.addi %scan3A_14, %scan3A_15 : i32
    %scan3A_17 = arith.constant 4 : i32
    %scan3A_18 = scf.for %scan3A_80 = %scan3A_14 to %scan3A_16 step %scan3A_17 iter_args(%scan3A_81 = %scan3A) -> (i32)  : i32 {
      %broadcast_in_dim3A = arith.constant 0.000000e+00 : f32
      %broadcast_in_dim3A_82 = vector.broadcast %broadcast_in_dim3A : f32 to vector<16xf32>
      %swap3A = arith.index_cast %scan3A_80 : i32 to index
      %swap3A_83 = arith.constant 0 : index
      %swap3A_84 = tpu.vector_load %arg10[%swap3A, %swap3A_83] {strides = array<i32>} : memref<128x32xf32, #tpu.memory_space<vmem>>, vector<1x16xf32>,
      %swap3A_85 = vector.shape_cast %swap3A_84 : vector<1x16xf32> to vector<16xf32>
      %swap3A_86 = vector.shape_cast %broadcast_in_dim3A_82 : vector<16xf32> to vector<1x16xf32>
      tpu.vector_store %arg10[%swap3A, %swap3A_83], %swap3A_86 {strides = array<i32>} : memref<128x32xf32, #tpu.memory_space<vmem>>, vector<1x16xf32>,
      %broadcast_in_dim3A_87 = arith.constant 0.000000e+00 : f32
      %broadcast_in_dim3A_88 = vector.broadcast %broadcast_in_dim3A_87 : f32 to vector<16xf32>
      %swap3A_89 = arith.index_cast %scan3A_80 : i32 to index
      %swap3A_90 = arith.constant 16 : index
      %swap3A_91 = tpu.vector_load %arg10[%swap3A_89, %swap3A_90] {strides = array<i32>} : memref<128x32xf32, #tpu.memory_space<vmem>>, vector<1x16xf32>,
      %swap3A_92 = vector.shape_cast %swap3A_91 : vector<1x16xf32> to vector<16xf32>
      %swap3A_93 = vector.shape_cast %broadcast_in_dim3A_88 : vector<16xf32> to vector<1x16xf32>
      tpu.vector_store %arg10[%swap3A_89, %swap3A_90], %swap3A_93 {strides = array<i32>} : memref<128x32xf32, #tpu.memory_space<vmem>>, vector<1x16xf32>,
      %scan3A_94 = arith.constant 0 : i32
      %scan3A_95 = arith.constant 1 : i32
      %scan3A_96 = arith.addi %scan3A_80, %scan3A_95 : i32
      %broadcast_in_dim3A_97 = arith.constant 0.000000e+00 : f32
      %broadcast_in_dim3A_98 = vector.broadcast %broadcast_in_dim3A_97 : f32 to vector<16xf32>
      %swap3A_99 = arith.index_cast %scan3A_96 : i32 to index
      %swap3A_100 = arith.constant 0 : index
      %swap3A_101 = tpu.vector_load %arg10[%swap3A_99, %swap3A_100] {strides = array<i32>} : memref<128x32xf32, #tpu.memory_space<vmem>>, vector<1x16xf32>,
      %swap3A_102 = vector.shape_cast %swap3A_101 : vector<1x16xf32> to vector<16xf32>
      %swap3A_103 = vector.shape_cast %broadcast_in_dim3A_98 : vector<16xf32> to vector<1x16xf32>
      tpu.vector_store %arg10[%swap3A_99, %swap3A_100], %swap3A_103 {strides = array<i32>} : memref<128x32xf32, #tpu.memory_space<vmem>>, vector<1x16xf32>,
      %broadcast_in_dim3A_104 = arith.constant 0.000000e+00 : f32
      %broadcast_in_dim3A_105 = vector.broadcast %broadcast_in_dim3A_104 : f32 to vector<16xf32>
      %swap3A_106 = arith.index_cast %scan3A_96 : i32 to index
      %swap3A_107 = arith.constant 16 : index
      %swap3A_108 = tpu.vector_load %arg10[%swap3A_106, %swap3A_107] {strides = array<i32>} : memref<128x32xf32, #tpu.memory_space<vmem>>, vector<1x16xf32>,
      %swap3A_109 = vector.shape_cast %swap3A_108 : vector<1x16xf32> to vector<16xf32>
      %swap3A_110 = vector.shape_cast %broadcast_in_dim3A_105 : vector<16xf32> to vector<1x16xf32>
      tpu.vector_store %arg10[%swap3A_106, %swap3A_107], %swap3A_110 {strides = array<i32>} : memref<128x32xf32, #tpu.memory_space<vmem>>, vector<1x16xf32>,
      %scan3A_111 = arith.constant 0 : i32
      %scan3A_112 = arith.constant 2 : i32
      %scan3A_113 = arith.addi %scan3A_80, %scan3A_112 : i32
      %broadcast_in_dim3A_114 = arith.constant 0.000000e+00 : f32
      %broadcast_in_dim3A_115 = vector.broadcast %broadcast_in_dim3A_114 : f32 to vector<16xf32>
      %swap3A_116 = arith.index_cast %scan3A_113 : i32 to index
      %swap3A_117 = arith.constant 0 : index
      %swap3A_118 = tpu.vector_load %arg10[%swap3A_116, %swap3A_117] {strides = array<i32>} : memref<128x32xf32, #tpu.memory_space<vmem>>, vector<1x16xf32>,
      %swap3A_119 = vector.shape_cast %swap3A_118 : vector<1x16xf32> to vector<16xf32>
      %swap3A_120 = vector.shape_cast %broadcast_in_dim3A_115 : vector<16xf32> to vector<1x16xf32>
      tpu.vector_store %arg10[%swap3A_116, %swap3A_117], %swap3A_120 {strides = array<i32>} : memref<128x32xf32, #tpu.memory_space<vmem>>, vector<1x16xf32>,
      %broadcast_in_dim3A_121 = arith.constant 0.000000e+00 : f32
      %broadcast_in_dim3A_122 = vector.broadcast %broadcast_in_dim3A_121 : f32 to vector<16xf32>
      %swap3A_123 = arith.index_cast %scan3A_113 : i32 to index
      %swap3A_124 = arith.constant 16 : index
      %swap3A_125 = tpu.vector_load %arg10[%swap3A_123, %swap3A_124] {strides = array<i32>} : memref<128x32xf32, #tpu.memory_space<vmem>>, vector<1x16xf32>,
      %swap3A_126 = vector.shape_cast %swap3A_125 : vector<1x16xf32> to vector<16xf32>
      %swap3A_127 = vector.shape_cast %broadcast_in_dim3A_122 : vector<16xf32> to vector<1x16xf32>
      tpu.vector_store %arg10[%swap3A_123, %swap3A_124], %swap3A_127 {strides = array<i32>} : memref<128x32xf32, #tpu.memory_space<vmem>>, vector<1x16xf32>,
      %scan3A_128 = arith.constant 0 : i32
      %scan3A_129 = arith.constant 3 : i32
      %scan3A_130 = arith.addi %scan3A_80, %scan3A_129 : i32
      %broadcast_in_dim3A_131 = arith.constant 0.000000e+00 : f32
      %broadcast_in_dim3A_132 = vector.broadcast %broadcast_in_dim3A_131 : f32 to vector<16xf32>
      %swap3A_133 = arith.index_cast %scan3A_130 : i32 to index
      %swap3A_134 = arith.constant 0 : index
      %swap3A_135 = tpu.vector_load %arg10[%swap3A_133, %swap3A_134] {strides = array<i32>} : memref<128x32xf32, #tpu.memory_space<vmem>>, vector<1x16xf32>,
      %swap3A_136 = vector.shape_cast %swap3A_135 : vector<1x16xf32> to vector<16xf32>
      %swap3A_137 = vector.shape_cast %broadcast_in_dim3A_132 : vector<16xf32> to vector<1x16xf32>
      tpu.vector_store %arg10[%swap3A_133, %swap3A_134], %swap3A_137 {strides = array<i32>} : memref<128x32xf32, #tpu.memory_space<vmem>>, vector<1x16xf32>,
      %broadcast_in_dim3A_138 = arith.constant 0.000000e+00 : f32
      %broadcast_in_dim3A_139 = vector.broadcast %broadcast_in_dim3A_138 : f32 to vector<16xf32>
      %swap3A_140 = arith.index_cast %scan3A_130 : i32 to index
      %swap3A_141 = arith.constant 16 : index
      %swap3A_142 = tpu.vector_load %arg10[%swap3A_140, %swap3A_141] {strides = array<i32>} : memref<128x32xf32, #tpu.memory_space<vmem>>, vector<1x16xf32>,
      %swap3A_143 = vector.shape_cast %swap3A_142 : vector<1x16xf32> to vector<16xf32>
      %swap3A_144 = vector.shape_cast %broadcast_in_dim3A_139 : vector<16xf32> to vector<1x16xf32>
      tpu.vector_store %arg10[%swap3A_140, %swap3A_141], %swap3A_144 {strides = array<i32>} : memref<128x32xf32, #tpu.memory_space<vmem>>, vector<1x16xf32>,
      %scan3A_145 = arith.constant 0 : i32
      scf.yield %scan3A_145 : i32
    }
    %scan3A_19 = arith.constant 128 : i32
    %scan3A_20 = arith.constant 0 : i32
    %scan3A_21 = arith.constant 0 : i32
    %scan3A_22 = arith.constant 8 : i32
    %scan3A_23 = arith.addi %scan3A_21, %scan3A_22 : i32
    %scan3A_24 = arith.constant 1 : i32
    %scan3A_25 = scf.for %scan3A_80 = %scan3A_21 to %scan3A_23 step %scan3A_24 iter_args(%scan3A_81 = %scan3A_20) -> (i32)  : i32 {
      %mul3A_82 = arith.constant 1024 : i32
      %mul3A_83 = arith.muli %arg1, %mul3A_82 : i32
      %mul3A_84 = arith.constant 128 : i32
      %mul3A_85 = arith.muli %scan3A_80, %mul3A_84 : i32
      %add3A_86 = arith.addi %mul3A_83, %mul3A_85 : i32
      %multiple_of3A = tpu.assume_multiple %add3A_86, 128 : i32
      "tpu.region"() ({
        %run_scoped3A = tpu.sem_alloc : memref<!tpu.dma_semaphore, #tpu.memory_space<semaphore_mem>>
        %dma_start3A_88 = arith.constant 0 : i32
        %dma_start3A_89 = tpu.memref_slice %arg13[%multiple_of3A, %dma_start3A_88] : memref<16384x32xf32, #tpu.memory_space<vmem_shared>> -> memref<128x32xf32, #tpu.memory_space<vmem_shared>>
        %dma_start3A_90 = arith.constant 0 : i32
        %dma_start3A_91 = tpu.memref_slice %arg13[%multiple_of3A, %dma_start3A_90] : memref<16384x32xf32, #tpu.memory_space<vmem_shared>> -> memref<128x32xf32, #tpu.memory_space<vmem_shared>>
        tpu.enqueue_dma source(%arg10 : memref<128x32xf32, #tpu.memory_space<vmem>>) target(%dma_start3A_91 : memref<128x32xf32, #tpu.memory_space<vmem_shared>>) target_semaphore(%run_scoped3A : memref<!tpu.dma_semaphore, #tpu.memory_space<semaphore_mem>>)
        %dma_wait3A_92 = arith.constant 0 : i32
        %dma_wait3A_93 = tpu.memref_slice %arg13[%multiple_of3A, %dma_wait3A_92] : memref<16384x32xf32, #tpu.memory_space<vmem_shared>> -> memref<128x32xf32, #tpu.memory_space<vmem_shared>>
        %dma_wait3A_94 = arith.constant 0 : i32
        %dma_wait3A_95 = tpu.memref_slice %arg13[%multiple_of3A, %dma_wait3A_94] : memref<16384x32xf32, #tpu.memory_space<vmem_shared>> -> memref<128x32xf32, #tpu.memory_space<vmem_shared>>
        tpu.wait_dma2 semaphore(%run_scoped3A : memref<!tpu.dma_semaphore, #tpu.memory_space<semaphore_mem>>) src(%arg10 : memref<128x32xf32, #tpu.memory_space<vmem>>) dst(%dma_wait3A_95 : memref<128x32xf32, #tpu.memory_space<vmem_shared>>)
        tpu.yield
      }) : () -> ()
      %scan3A_87 = arith.constant 0 : i32
      scf.yield %scan3A_87 : i32
    }
    %scan3A_26 = arith.constant 8 : i32
    %lt3A_27 = arith.constant 31 : i32
    %lt3A_28 = arith.cmpi slt, %add3A, %lt3A_27 : i32
    %convert_element_type3A_29 = arith.extui %lt3A_28 : i1 to i32
    %cond3A_30 = arith.constant 0 : i32
    %cond3A_31 = arith.cmpi ne, %convert_element_type3A_29, %cond3A_30 : i32
    scf.if %cond3A_31 {
      %mul3A_80 = arith.constant 8448 : i32
      %mul3A_81 = arith.muli %add3A, %mul3A_80 : i32
      %dma_wait3A_82 = tpu.memref_slice %arg2[%mul3A_81] : memref<268435xi32, #tpu.memory_space<hbm>> -> memref<8448xi32, #tpu.memory_space<hbm>>
      %dma_wait3A_83 = tpu.memref_slice %arg2[%mul3A_81] : memref<268435xi32, #tpu.memory_space<hbm>> -> memref<8448xi32, #tpu.memory_space<hbm>>
      tpu.wait_dma2 semaphore(%arg15 : memref<!tpu.dma_semaphore, #tpu.memory_space<semaphore_mem>>) src(%dma_wait3A_83 : memref<8448xi32, #tpu.memory_space<hbm>>) dst(%arg7 : memref<8448xi32, #tpu.memory_space<vmem>>)
      %mul3A_84 = arith.constant 8448 : i32
      %mul3A_85 = arith.muli %add3A, %mul3A_84 : i32
      %dma_wait3A_86 = tpu.memref_slice %arg3[%mul3A_85] : memref<268435xi32, #tpu.memory_space<hbm>> -> memref<8448xi32, #tpu.memory_space<hbm>>
      %dma_wait3A_87 = tpu.memref_slice %arg3[%mul3A_85] : memref<268435xi32, #tpu.memory_space<hbm>> -> memref<8448xi32, #tpu.memory_space<hbm>>
      tpu.wait_dma2 semaphore(%arg16 : memref<!tpu.dma_semaphore, #tpu.memory_space<semaphore_mem>>) src(%dma_wait3A_87 : memref<8448xi32, #tpu.memory_space<hbm>>) dst(%arg8 : memref<8448xi32, #tpu.memory_space<vmem>>)
      %mul3A_88 = arith.constant 8448 : i32
      %mul3A_89 = arith.muli %add3A, %mul3A_88 : i32
      %dma_wait3A_90 = tpu.memref_slice %arg4[%mul3A_89] : memref<268435xf32, #tpu.memory_space<hbm>> -> memref<8448xf32, #tpu.memory_space<hbm>>
      %dma_wait3A_91 = tpu.memref_slice %arg4[%mul3A_89] : memref<268435xf32, #tpu.memory_space<hbm>> -> memref<8448xf32, #tpu.memory_space<hbm>>
      tpu.wait_dma2 semaphore(%arg17 : memref<!tpu.dma_semaphore, #tpu.memory_space<semaphore_mem>>) src(%dma_wait3A_91 : memref<8448xf32, #tpu.memory_space<hbm>>) dst(%arg9 : memref<8448xf32, #tpu.memory_space<vmem>>)
    } else {
    }
    %eq3A_32 = arith.constant 31 : i32
    %eq3A_33 = arith.cmpi eq, %add3A, %eq3A_32 : i32
    %convert_element_type3A_34 = arith.extui %eq3A_33 : i1 to i32
    %cond3A_35 = arith.constant 0 : i32
    %cond3A_36 = arith.cmpi ne, %convert_element_type3A_34, %cond3A_35 : i32
    scf.if %cond3A_36 {
      %mul3A_80 = arith.constant 8448 : i32
      %mul3A_81 = arith.muli %add3A, %mul3A_80 : i32
      %dma_wait3A_82 = arith.constant 0 : i32
      %dma_wait3A_83 = tpu.memref_slice %arg7[%dma_wait3A_82] : memref<8448xi32, #tpu.memory_space<vmem>> -> memref<6528xi32, #tpu.memory_space<vmem>>
      %dma_wait3A_84 = tpu.memref_slice %arg2[%mul3A_81] : memref<268435xi32, #tpu.memory_space<hbm>> -> memref<6528xi32, #tpu.memory_space<hbm>>
      %dma_wait3A_85 = arith.constant 0 : i32
      %dma_wait3A_86 = tpu.memref_slice %arg7[%dma_wait3A_85] : memref<8448xi32, #tpu.memory_space<vmem>> -> memref<6528xi32, #tpu.memory_space<vmem>>
      %dma_wait3A_87 = tpu.memref_slice %arg2[%mul3A_81] : memref<268435xi32, #tpu.memory_space<hbm>> -> memref<6528xi32, #tpu.memory_space<hbm>>
      tpu.wait_dma2 semaphore(%arg15 : memref<!tpu.dma_semaphore, #tpu.memory_space<semaphore_mem>>) src(%dma_wait3A_87 : memref<6528xi32, #tpu.memory_space<hbm>>) dst(%dma_wait3A_86 : memref<6528xi32, #tpu.memory_space<vmem>>)
      %add3A_88 = arith.constant 6528 : i32
      %add3A_89 = arith.addi %mul3A_81, %add3A_88 : i32
      %dma_wait3A_90 = arith.constant 6528 : i32
      %dma_wait3A_91 = tpu.memref_slice %arg7[%dma_wait3A_90] : memref<8448xi32, #tpu.memory_space<vmem>> -> memref<19xi32, #tpu.memory_space<vmem>>
      %dma_wait3A_92 = tpu.memref_slice %arg2[%add3A_89] : memref<268435xi32, #tpu.memory_space<hbm>> -> memref<19xi32, #tpu.memory_space<hbm>>
      %dma_wait3A_93 = arith.constant 6528 : i32
      %dma_wait3A_94 = tpu.memref_slice %arg7[%dma_wait3A_93] : memref<8448xi32, #tpu.memory_space<vmem>> -> memref<19xi32, #tpu.memory_space<vmem>>
      %dma_wait3A_95 = tpu.memref_slice %arg2[%add3A_89] : memref<268435xi32, #tpu.memory_space<hbm>> -> memref<19xi32, #tpu.memory_space<hbm>>
      tpu.wait_dma2 semaphore(%arg15 : memref<!tpu.dma_semaphore, #tpu.memory_space<semaphore_mem>>) src(%dma_wait3A_95 : memref<19xi32, #tpu.memory_space<hbm>>) dst(%dma_wait3A_94 : memref<19xi32, #tpu.memory_space<vmem>>)
      %dma_wait3A_96 = arith.constant 0 : i32
      %dma_wait3A_97 = tpu.memref_slice %arg8[%dma_wait3A_96] : memref<8448xi32, #tpu.memory_space<vmem>> -> memref<6528xi32, #tpu.memory_space<vmem>>
      %dma_wait3A_98 = tpu.memref_slice %arg3[%mul3A_81] : memref<268435xi32, #tpu.memory_space<hbm>> -> memref<6528xi32, #tpu.memory_space<hbm>>
      %dma_wait3A_99 = arith.constant 0 : i32
      %dma_wait3A_100 = tpu.memref_slice %arg8[%dma_wait3A_99] : memref<8448xi32, #tpu.memory_space<vmem>> -> memref<6528xi32, #tpu.memory_space<vmem>>
      %dma_wait3A_101 = tpu.memref_slice %arg3[%mul3A_81] : memref<268435xi32, #tpu.memory_space<hbm>> -> memref<6528xi32, #tpu.memory_space<hbm>>
      tpu.wait_dma2 semaphore(%arg16 : memref<!tpu.dma_semaphore, #tpu.memory_space<semaphore_mem>>) src(%dma_wait3A_101 : memref<6528xi32, #tpu.memory_space<hbm>>) dst(%dma_wait3A_100 : memref<6528xi32, #tpu.memory_space<vmem>>)
      %add3A_102 = arith.constant 6528 : i32
      %add3A_103 = arith.addi %mul3A_81, %add3A_102 : i32
      %dma_wait3A_104 = arith.constant 6528 : i32
      %dma_wait3A_105 = tpu.memref_slice %arg8[%dma_wait3A_104] : memref<8448xi32, #tpu.memory_space<vmem>> -> memref<19xi32, #tpu.memory_space<vmem>>
      %dma_wait3A_106 = tpu.memref_slice %arg3[%add3A_103] : memref<268435xi32, #tpu.memory_space<hbm>> -> memref<19xi32, #tpu.memory_space<hbm>>
      %dma_wait3A_107 = arith.constant 6528 : i32
      %dma_wait3A_108 = tpu.memref_slice %arg8[%dma_wait3A_107] : memref<8448xi32, #tpu.memory_space<vmem>> -> memref<19xi32, #tpu.memory_space<vmem>>
      %dma_wait3A_109 = tpu.memref_slice %arg3[%add3A_103] : memref<268435xi32, #tpu.memory_space<hbm>> -> memref<19xi32, #tpu.memory_space<hbm>>
      tpu.wait_dma2 semaphore(%arg16 : memref<!tpu.dma_semaphore, #tpu.memory_space<semaphore_mem>>) src(%dma_wait3A_109 : memref<19xi32, #tpu.memory_space<hbm>>) dst(%dma_wait3A_108 : memref<19xi32, #tpu.memory_space<vmem>>)
      %dma_wait3A_110 = arith.constant 0 : i32
      %dma_wait3A_111 = tpu.memref_slice %arg9[%dma_wait3A_110] : memref<8448xf32, #tpu.memory_space<vmem>> -> memref<6528xf32, #tpu.memory_space<vmem>>
      %dma_wait3A_112 = tpu.memref_slice %arg4[%mul3A_81] : memref<268435xf32, #tpu.memory_space<hbm>> -> memref<6528xf32, #tpu.memory_space<hbm>>
      %dma_wait3A_113 = arith.constant 0 : i32
      %dma_wait3A_114 = tpu.memref_slice %arg9[%dma_wait3A_113] : memref<8448xf32, #tpu.memory_space<vmem>> -> memref<6528xf32, #tpu.memory_space<vmem>>
      %dma_wait3A_115 = tpu.memref_slice %arg4[%mul3A_81] : memref<268435xf32, #tpu.memory_space<hbm>> -> memref<6528xf32, #tpu.memory_space<hbm>>
      tpu.wait_dma2 semaphore(%arg17 : memref<!tpu.dma_semaphore, #tpu.memory_space<semaphore_mem>>) src(%dma_wait3A_115 : memref<6528xf32, #tpu.memory_space<hbm>>) dst(%dma_wait3A_114 : memref<6528xf32, #tpu.memory_space<vmem>>)
      %add3A_116 = arith.constant 6528 : i32
      %add3A_117 = arith.addi %mul3A_81, %add3A_116 : i32
      %dma_wait3A_118 = arith.constant 6528 : i32
      %dma_wait3A_119 = tpu.memref_slice %arg9[%dma_wait3A_118] : memref<8448xf32, #tpu.memory_space<vmem>> -> memref<19xf32, #tpu.memory_space<vmem>>
      %dma_wait3A_120 = tpu.memref_slice %arg4[%add3A_117] : memref<268435xf32, #tpu.memory_space<hbm>> -> memref<19xf32, #tpu.memory_space<hbm>>
      %dma_wait3A_121 = arith.constant 6528 : i32
      %dma_wait3A_122 = tpu.memref_slice %arg9[%dma_wait3A_121] : memref<8448xf32, #tpu.memory_space<vmem>> -> memref<19xf32, #tpu.memory_space<vmem>>
      %dma_wait3A_123 = tpu.memref_slice %arg4[%add3A_117] : memref<268435xf32, #tpu.memory_space<hbm>> -> memref<19xf32, #tpu.memory_space<hbm>>
      tpu.wait_dma2 semaphore(%arg17 : memref<!tpu.dma_semaphore, #tpu.memory_space<semaphore_mem>>) src(%dma_wait3A_123 : memref<19xf32, #tpu.memory_space<hbm>>) dst(%dma_wait3A_122 : memref<19xf32, #tpu.memory_space<vmem>>)
    } else {
    }
    %dma_wait3A = arith.constant 0 : i32
    %dma_wait3A_37 = tpu.memref_slice %arg14[%mul3A_10, %dma_wait3A] : memref<16384x32xf32, #tpu.memory_space<vmem_shared>> -> memref<1024x32xf32, #tpu.memory_space<vmem_shared>>
    %dma_wait3A_38 = arith.constant 0 : i32
    %dma_wait3A_39 = tpu.memref_slice %arg5[%mul3A_8, %dma_wait3A_38] : memref<16384x32xf32, #tpu.memory_space<hbm>> -> memref<1024x32xf32, #tpu.memory_space<hbm>>
    tpu.wait_dma2 semaphore(%arg18 : memref<!tpu.dma_semaphore, #tpu.memory_space<semaphore_mem>>) src(%dma_wait3A_39 : memref<1024x32xf32, #tpu.memory_space<hbm>>) dst(%dma_wait3A_37 : memref<1024x32xf32, #tpu.memory_space<vmem_shared>>)
    %barrier3A = arith.constant 0 : index
    tpu.barrier barrier_id(%barrier3A)
    %dma_start3A_40 = arith.constant 0 : i32
    %dma_start3A_41 = tpu.memref_slice %arg7[%dma_start3A_40] : memref<8448xi32, #tpu.memory_space<vmem>> -> memref<128xi32, #tpu.memory_space<vmem>>
    %dma_start3A_42 = arith.constant 0 : i32
    %dma_start3A_43 = arith.constant 0 : i32
    %dma_start3A_44 = tpu.memref_slice %arg14[%dma_start3A_42, %dma_start3A_43] : memref<16384x32xf32, #tpu.memory_space<vmem_shared>> -> memref<16384x32xf32, #tpu.memory_space<vmem_shared>>
    tpu.enqueue_indirect_dma source(%dma_start3A_44 : memref<16384x32xf32, #tpu.memory_space<vmem_shared>>) target(%arg10 : memref<128x32xf32, #tpu.memory_space<vmem>>) offsets(%dma_start3A_41 : memref<128xi32, #tpu.memory_space<vmem>>) semaphore(%arg19 : memref<!tpu.dma_semaphore, #tpu.memory_space<semaphore_mem>>)
    %dma_start3A_45 = arith.constant 128 : i32
    %dma_start3A_46 = tpu.memref_slice %arg7[%dma_start3A_45] : memref<8448xi32, #tpu.memory_space<vmem>> -> memref<128xi32, #tpu.memory_space<vmem>>
    %dma_start3A_47 = arith.constant 0 : i32
    %dma_start3A_48 = arith.constant 0 : i32
    %dma_start3A_49 = tpu.memref_slice %arg14[%dma_start3A_47, %dma_start3A_48] : memref<16384x32xf32, #tpu.memory_space<vmem_shared>> -> memref<16384x32xf32, #tpu.memory_space<vmem_shared>>
    tpu.enqueue_indirect_dma source(%dma_start3A_49 : memref<16384x32xf32, #tpu.memory_space<vmem_shared>>) target(%arg11 : memref<128x32xf32, #tpu.memory_space<vmem>>) offsets(%dma_start3A_46 : memref<128xi32, #tpu.memory_space<vmem>>) semaphore(%arg20 : memref<!tpu.dma_semaphore, #tpu.memory_space<semaphore_mem>>)
    %scan3A_50 = arith.constant 0 : i32
    %scan3A_51 = arith.constant 0 : i32
    %scan3A_52 = arith.constant 22 : i32
    %scan3A_53 = arith.addi %scan3A_51, %scan3A_52 : i32
    %scan3A_54 = arith.constant 1 : i32
    %scan3A_55 = scf.for %scan3A_80 = %scan3A_51 to %scan3A_53 step %scan3A_54 iter_args(%scan3A_81 = %scan3A_50) -> (i32)  : i32 {
      %mul3A_82 = arith.constant 3 : i32
      %mul3A_83 = arith.muli %scan3A_80, %mul3A_82 : i32
      %add3A_84 = arith.constant 0 : i32
      %add3A_85 = arith.addi %mul3A_83, %add3A_84 : i32
      %mul3A_86 = arith.constant 128 : i32
      %mul3A_87 = arith.muli %add3A_85, %mul3A_86 : i32
      %dma_wait3A_88 = tpu.memref_slice %arg7[%mul3A_87] : memref<8448xi32, #tpu.memory_space<vmem>> -> memref<128xi32, #tpu.memory_space<vmem>>
      %dma_wait3A_89 = arith.constant 0 : i32
      %dma_wait3A_90 = arith.constant 0 : i32
      %dma_wait3A_91 = tpu.memref_slice %arg14[%dma_wait3A_89, %dma_wait3A_90] : memref<16384x32xf32, #tpu.memory_space<vmem_shared>> -> memref<16384x32xf32, #tpu.memory_space<vmem_shared>>
      tpu.wait_indirect_dma semaphore(%arg19 : memref<!tpu.dma_semaphore, #tpu.memory_space<semaphore_mem>>) src(%dma_wait3A_91 : memref<16384x32xf32, #tpu.memory_space<vmem_shared>>) dst(%arg10 : memref<128x32xf32, #tpu.memory_space<vmem>>)
      %add3A_92 = arith.constant 3 : i32
      %add3A_93 = arith.addi %add3A_85, %add3A_92 : i32
      %sub3A = arith.constant 1 : i32
      %sub3A_94 = arith.subi %add3A_93, %sub3A : i32
      %lt3A_95 = arith.constant 66 : i32
      %lt3A_96 = arith.cmpi slt, %sub3A_94, %lt3A_95 : i32
      %convert_element_type3A_97 = arith.extui %lt3A_96 : i1 to i32
      %cond3A_98 = arith.constant 0 : i32
      %cond3A_99 = arith.cmpi ne, %convert_element_type3A_97, %cond3A_98 : i32
      scf.if %cond3A_99 {
        %ge3A = arith.constant 1 : i32
        %ge3A_178 = arith.cmpi sge, %add3A_85, %ge3A : i32
        %convert_element_type3A_179 = arith.extui %ge3A_178 : i1 to i32
        %cond3A_180 = arith.constant 0 : i32
        %cond3A_181 = arith.cmpi ne, %convert_element_type3A_179, %cond3A_180 : i32
        scf.if %cond3A_181 {
          %sub3A_188 = arith.constant 1 : i32
          %sub3A_189 = arith.subi %add3A_85, %sub3A_188 : i32
          %mul3A_190 = arith.constant 128 : i32
          %mul3A_191 = arith.muli %sub3A_189, %mul3A_190 : i32
          %dma_wait3A_192 = tpu.memref_slice %arg8[%mul3A_191] : memref<8448xi32, #tpu.memory_space<vmem>> -> memref<128xi32, #tpu.memory_space<vmem>>
          %dma_wait3A_193 = arith.constant 0 : i32
          %dma_wait3A_194 = arith.constant 0 : i32
          %dma_wait3A_195 = tpu.memref_slice %arg13[%dma_wait3A_193, %dma_wait3A_194] : memref<16384x32xf32, #tpu.memory_space<vmem_shared>> -> memref<16384x32xf32, #tpu.memory_space<vmem_shared>>
          tpu.wait_indirect_dma semaphore(%arg24 : memref<!tpu.dma_semaphore, #tpu.memory_space<semaphore_mem>>) src(%arg12 : memref<128x32xf32, #tpu.memory_space<vmem>>) dst(%dma_wait3A_195 : memref<16384x32xf32, #tpu.memory_space<vmem_shared>>)
        } else {
        }
        %mul3A_182 = arith.constant 128 : i32
        %mul3A_183 = arith.muli %sub3A_94, %mul3A_182 : i32
        %dma_start3A_184 = tpu.memref_slice %arg7[%mul3A_183] : memref<8448xi32, #tpu.memory_space<vmem>> -> memref<128xi32, #tpu.memory_space<vmem>>
        %dma_start3A_185 = arith.constant 0 : i32
        %dma_start3A_186 = arith.constant 0 : i32
        %dma_start3A_187 = tpu.memref_slice %arg14[%dma_start3A_185, %dma_start3A_186] : memref<16384x32xf32, #tpu.memory_space<vmem_shared>> -> memref<16384x32xf32, #tpu.memory_space<vmem_shared>>
        tpu.enqueue_indirect_dma source(%dma_start3A_187 : memref<16384x32xf32, #tpu.memory_space<vmem_shared>>) target(%arg12 : memref<128x32xf32, #tpu.memory_space<vmem>>) offsets(%dma_start3A_184 : memref<128xi32, #tpu.memory_space<vmem>>) semaphore(%arg21 : memref<!tpu.dma_semaphore, #tpu.memory_space<semaphore_mem>>)
      } else {
      }
      %scan3A_100 = arith.constant 0 : i32
      %scan3A_101 = arith.constant 0 : i32
      %scan3A_102 = arith.constant 8 : i32
      %scan3A_103 = arith.addi %scan3A_101, %scan3A_102 : i32
      %scan3A_104 = arith.constant 1 : i32
      %scan3A_105 = scf.for %scan3A_178 = %scan3A_101 to %scan3A_103 step %scan3A_104 iter_args(%scan3A_179 = %scan3A_100) -> (i32)  : i32 {
        %mul3A_180 = arith.constant 128 : i32
        %mul3A_181 = arith.muli %add3A_85, %mul3A_180 : i32
        %mul3A_182 = arith.constant 16 : i32
        %mul3A_183 = arith.muli %scan3A_178, %mul3A_182 : i32
        %add3A_184 = arith.addi %mul3A_181, %mul3A_183 : i32
        %get3A = arith.index_cast %add3A_184 : i32 to index
        %get3A_185 = tpu.vector_load %arg9[%get3A] {strides = array<i32>} : memref<8448xf32, #tpu.memory_space<vmem>>, vector<16xf32>,
        %get3A_186 = vector.shape_cast %get3A_185 : vector<16xf32> to vector<16xf32>
        %mul3A_187 = arith.constant 16 : i32
        %mul3A_188 = arith.muli %scan3A_178, %mul3A_187 : i32
        %add3A_189 = arith.constant 0 : i32
        %add3A_190 = arith.addi %mul3A_188, %add3A_189 : i32
        %get3A_191 = arith.index_cast %add3A_190 : i32 to index
        %get3A_192 = arith.constant 0 : index
        %get3A_193 = tpu.vector_load %arg10[%get3A_191, %get3A_192] {strides = array<i32>} : memref<128x32xf32, #tpu.memory_space<vmem>>, vector<1x16xf32>,
        %get3A_194 = vector.shape_cast %get3A_193 : vector<1x16xf32> to vector<16xf32>
        %slice3A = vector.extract_strided_slice %get3A_186 {offsets = [0], sizes = [1], strides = [1]} : vector<16xf32> to vector<1xf32>
        %squeeze3A = vector.extract %slice3A[0] : f32 from vector<1xf32>
        %mul3A_195 = vector.broadcast %squeeze3A : f32 to vector<16xf32>
        %mul3A_196 = arith.mulf %get3A_194, %mul3A_195 : vector<16xf32>
        %swap3A = arith.index_cast %add3A_190 : i32 to index
        %swap3A_197 = arith.constant 0 : index
        %swap3A_198 = tpu.vector_load %arg10[%swap3A, %swap3A_197] {strides = array<i32>} : memref<128x32xf32, #tpu.memory_space<vmem>>, vector<1x16xf32>,
        %swap3A_199 = vector.shape_cast %swap3A_198 : vector<1x16xf32> to vector<16xf32>
        %swap3A_200 = vector.shape_cast %mul3A_196 : vector<16xf32> to vector<1x16xf32>
        tpu.vector_store %arg10[%swap3A, %swap3A_197], %swap3A_200 {strides = array<i32>} : memref<128x32xf32, #tpu.memory_space<vmem>>, vector<1x16xf32>,
        %get3A_201 = arith.index_cast %add3A_190 : i32 to index
        %get3A_202 = arith.constant 16 : index
        %get3A_203 = tpu.vector_load %arg10[%get3A_201, %get3A_202] {strides = array<i32>} : memref<128x32xf32, #tpu.memory_space<vmem>>, vector<1x16xf32>,
        %get3A_204 = vector.shape_cast %get3A_203 : vector<1x16xf32> to vector<16xf32>
        %slice3A_205 = vector.extract_strided_slice %get3A_186 {offsets = [0], sizes = [1], strides = [1]} : vector<16xf32> to vector<1xf32>
        %squeeze3A_206 = vector.extract %slice3A_205[0] : f32 from vector<1xf32>
        %mul3A_207 = vector.broadcast %squeeze3A_206 : f32 to vector<16xf32>
        %mul3A_208 = arith.mulf %get3A_204, %mul3A_207 : vector<16xf32>
        %swap3A_209 = arith.index_cast %add3A_190 : i32 to index
        %swap3A_210 = arith.constant 16 : index
        %swap3A_211 = tpu.vector_load %arg10[%swap3A_209, %swap3A_210] {strides = array<i32>} : memref<128x32xf32, #tpu.memory_space<vmem>>, vector<1x16xf32>,
        %swap3A_212 = vector.shape_cast %swap3A_211 : vector<1x16xf32> to vector<16xf32>
        %swap3A_213 = vector.shape_cast %mul3A_208 : vector<16xf32> to vector<1x16xf32>
        tpu.vector_store %arg10[%swap3A_209, %swap3A_210], %swap3A_213 {strides = array<i32>} : memref<128x32xf32, #tpu.memory_space<vmem>>, vector<1x16xf32>,
        %mul3A_214 = arith.constant 16 : i32
        %mul3A_215 = arith.muli %scan3A_178, %mul3A_214 : i32
        %add3A_216 = arith.constant 1 : i32
        %add3A_217 = arith.addi %mul3A_215, %add3A_216 : i32
        %get3A_218 = arith.index_cast %add3A_217 : i32 to index
        %get3A_219 = arith.constant 0 : index
        %get3A_220 = tpu.vector_load %arg10[%get3A_218, %get3A_219] {strides = array<i32>} : memref<128x32xf32, #tpu.memory_space<vmem>>, vector<1x16xf32>,
        %get3A_221 = vector.shape_cast %get3A_220 : vector<1x16xf32> to vector<16xf32>
        %slice3A_222 = vector.extract_strided_slice %get3A_186 {offsets = [1], sizes = [1], strides = [1]} : vector<16xf32> to vector<1xf32>
        %squeeze3A_223 = vector.extract %slice3A_222[0] : f32 from vector<1xf32>
        %mul3A_224 = vector.broadcast %squeeze3A_223 : f32 to vector<16xf32>
        %mul3A_225 = arith.mulf %get3A_221, %mul3A_224 : vector<16xf32>
        %swap3A_226 = arith.index_cast %add3A_217 : i32 to index
        %swap3A_227 = arith.constant 0 : index
        %swap3A_228 = tpu.vector_load %arg10[%swap3A_226, %swap3A_227] {strides = array<i32>} : memref<128x32xf32, #tpu.memory_space<vmem>>, vector<1x16xf32>,
        %swap3A_229 = vector.shape_cast %swap3A_228 : vector<1x16xf32> to vector<16xf32>
        %swap3A_230 = vector.shape_cast %mul3A_225 : vector<16xf32> to vector<1x16xf32>
        tpu.vector_store %arg10[%swap3A_226, %swap3A_227], %swap3A_230 {strides = array<i32>} : memref<128x32xf32, #tpu.memory_space<vmem>>, vector<1x16xf32>,
        %get3A_231 = arith.index_cast %add3A_217 : i32 to index
        %get3A_232 = arith.constant 16 : index
        %get3A_233 = tpu.vector_load %arg10[%get3A_231, %get3A_232] {strides = array<i32>} : memref<128x32xf32, #tpu.memory_space<vmem>>, vector<1x16xf32>,
        %get3A_234 = vector.shape_cast %get3A_233 : vector<1x16xf32> to vector<16xf32>
        %slice3A_235 = vector.extract_strided_slice %get3A_186 {offsets = [1], sizes = [1], strides = [1]} : vector<16xf32> to vector<1xf32>
        %squeeze3A_236 = vector.extract %slice3A_235[0] : f32 from vector<1xf32>
        %mul3A_237 = vector.broadcast %squeeze3A_236 : f32 to vector<16xf32>
        %mul3A_238 = arith.mulf %get3A_234, %mul3A_237 : vector<16xf32>
        %swap3A_239 = arith.index_cast %add3A_217 : i32 to index
        %swap3A_240 = arith.constant 16 : index
        %swap3A_241 = tpu.vector_load %arg10[%swap3A_239, %swap3A_240] {strides = array<i32>} : memref<128x32xf32, #tpu.memory_space<vmem>>, vector<1x16xf32>,
        %swap3A_242 = vector.shape_cast %swap3A_241 : vector<1x16xf32> to vector<16xf32>
        %swap3A_243 = vector.shape_cast %mul3A_238 : vector<16xf32> to vector<1x16xf32>
        tpu.vector_store %arg10[%swap3A_239, %swap3A_240], %swap3A_243 {strides = array<i32>} : memref<128x32xf32, #tpu.memory_space<vmem>>, vector<1x16xf32>,
        %mul3A_244 = arith.constant 16 : i32
        %mul3A_245 = arith.muli %scan3A_178, %mul3A_244 : i32
        %add3A_246 = arith.constant 2 : i32
        %add3A_247 = arith.addi %mul3A_245, %add3A_246 : i32
        %get3A_248 = arith.index_cast %add3A_247 : i32 to index
        %get3A_249 = arith.constant 0 : index
        %get3A_250 = tpu.vector_load %arg10[%get3A_248, %get3A_249] {strides = array<i32>} : memref<128x32xf32, #tpu.memory_space<vmem>>, vector<1x16xf32>,
        %get3A_251 = vector.shape_cast %get3A_250 : vector<1x16xf32> to vector<16xf32>
        %slice3A_252 = vector.extract_strided_slice %get3A_186 {offsets = [2], sizes = [1], strides = [1]} : vector<16xf32> to vector<1xf32>
        %squeeze3A_253 = vector.extract %slice3A_252[0] : f32 from vector<1xf32>
        %mul3A_254 = vector.broadcast %squeeze3A_253 : f32 to vector<16xf32>
        %mul3A_255 = arith.mulf %get3A_251, %mul3A_254 : vector<16xf32>
        %swap3A_256 = arith.index_cast %add3A_247 : i32 to index
        %swap3A_257 = arith.constant 0 : index
        %swap3A_258 = tpu.vector_load %arg10[%swap3A_256, %swap3A_257] {strides = array<i32>} : memref<128x32xf32, #tpu.memory_space<vmem>>, vector<1x16xf32>,
        %swap3A_259 = vector.shape_cast %swap3A_258 : vector<1x16xf32> to vector<16xf32>
        %swap3A_260 = vector.shape_cast %mul3A_255 : vector<16xf32> to vector<1x16xf32>
        tpu.vector_store %arg10[%swap3A_256, %swap3A_257], %swap3A_260 {strides = array<i32>} : memref<128x32xf32, #tpu.memory_space<vmem>>, vector<1x16xf32>,
        %get3A_261 = arith.index_cast %add3A_247 : i32 to index
        %get3A_262 = arith.constant 16 : index
        %get3A_263 = tpu.vector_load %arg10[%get3A_261, %get3A_262] {strides = array<i32>} : memref<128x32xf32, #tpu.memory_space<vmem>>, vector<1x16xf32>,
        %get3A_264 = vector.shape_cast %get3A_263 : vector<1x16xf32> to vector<16xf32>
        %slice3A_265 = vector.extract_strided_slice %get3A_186 {offsets = [2], sizes = [1], strides = [1]} : vector<16xf32> to vector<1xf32>
        %squeeze3A_266 = vector.extract %slice3A_265[0] : f32 from vector<1xf32>
        %mul3A_267 = vector.broadcast %squeeze3A_266 : f32 to vector<16xf32>
        %mul3A_268 = arith.mulf %get3A_264, %mul3A_267 : vector<16xf32>
        %swap3A_269 = arith.index_cast %add3A_247 : i32 to index
        %swap3A_270 = arith.constant 16 : index
        %swap3A_271 = tpu.vector_load %arg10[%swap3A_269, %swap3A_270] {strides = array<i32>} : memref<128x32xf32, #tpu.memory_space<vmem>>, vector<1x16xf32>,
        %swap3A_272 = vector.shape_cast %swap3A_271 : vector<1x16xf32> to vector<16xf32>
        %swap3A_273 = vector.shape_cast %mul3A_268 : vector<16xf32> to vector<1x16xf32>
        tpu.vector_store %arg10[%swap3A_269, %swap3A_270], %swap3A_273 {strides = array<i32>} : memref<128x32xf32, #tpu.memory_space<vmem>>, vector<1x16xf32>,
        %mul3A_274 = arith.constant 16 : i32
        %mul3A_275 = arith.muli %scan3A_178, %mul3A_274 : i32
        %add3A_276 = arith.constant 3 : i32
        %add3A_277 = arith.addi %mul3A_275, %add3A_276 : i32
        %get3A_278 = arith.index_cast %add3A_277 : i32 to index
        %get3A_279 = arith.constant 0 : index
        %get3A_280 = tpu.vector_load %arg10[%get3A_278, %get3A_279] {strides = array<i32>} : memref<128x32xf32, #tpu.memory_space<vmem>>, vector<1x16xf32>,
        %get3A_281 = vector.shape_cast %get3A_280 : vector<1x16xf32> to vector<16xf32>
        %slice3A_282 = vector.extract_strided_slice %get3A_186 {offsets = [3], sizes = [1], strides = [1]} : vector<16xf32> to vector<1xf32>
        %squeeze3A_283 = vector.extract %slice3A_282[0] : f32 from vector<1xf32>
        %mul3A_284 = vector.broadcast %squeeze3A_283 : f32 to vector<16xf32>
        %mul3A_285 = arith.mulf %get3A_281, %mul3A_284 : vector<16xf32>
        %swap3A_286 = arith.index_cast %add3A_277 : i32 to index
        %swap3A_287 = arith.constant 0 : index
        %swap3A_288 = tpu.vector_load %arg10[%swap3A_286, %swap3A_287] {strides = array<i32>} : memref<128x32xf32, #tpu.memory_space<vmem>>, vector<1x16xf32>,
        %swap3A_289 = vector.shape_cast %swap3A_288 : vector<1x16xf32> to vector<16xf32>
        %swap3A_290 = vector.shape_cast %mul3A_285 : vector<16xf32> to vector<1x16xf32>
        tpu.vector_store %arg10[%swap3A_286, %swap3A_287], %swap3A_290 {strides = array<i32>} : memref<128x32xf32, #tpu.memory_space<vmem>>, vector<1x16xf32>,
        %get3A_291 = arith.index_cast %add3A_277 : i32 to index
        %get3A_292 = arith.constant 16 : index
        %get3A_293 = tpu.vector_load %arg10[%get3A_291, %get3A_292] {strides = array<i32>} : memref<128x32xf32, #tpu.memory_space<vmem>>, vector<1x16xf32>,
        %get3A_294 = vector.shape_cast %get3A_293 : vector<1x16xf32> to vector<16xf32>
        %slice3A_295 = vector.extract_strided_slice %get3A_186 {offsets = [3], sizes = [1], strides = [1]} : vector<16xf32> to vector<1xf32>
        %squeeze3A_296 = vector.extract %slice3A_295[0] : f32 from vector<1xf32>
        %mul3A_297 = vector.broadcast %squeeze3A_296 : f32 to vector<16xf32>
        %mul3A_298 = arith.mulf %get3A_294, %mul3A_297 : vector<16xf32>
        %swap3A_299 = arith.index_cast %add3A_277 : i32 to index
        %swap3A_300 = arith.constant 16 : index
        %swap3A_301 = tpu.vector_load %arg10[%swap3A_299, %swap3A_300] {strides = array<i32>} : memref<128x32xf32, #tpu.memory_space<vmem>>, vector<1x16xf32>,
        %swap3A_302 = vector.shape_cast %swap3A_301 : vector<1x16xf32> to vector<16xf32>
        %swap3A_303 = vector.shape_cast %mul3A_298 : vector<16xf32> to vector<1x16xf32>
        tpu.vector_store %arg10[%swap3A_299, %swap3A_300], %swap3A_303 {strides = array<i32>} : memref<128x32xf32, #tpu.memory_space<vmem>>, vector<1x16xf32>,
        %mul3A_304 = arith.constant 16 : i32
        %mul3A_305 = arith.muli %scan3A_178, %mul3A_304 : i32
        %add3A_306 = arith.constant 4 : i32
        %add3A_307 = arith.addi %mul3A_305, %add3A_306 : i32
        %get3A_308 = arith.index_cast %add3A_307 : i32 to index
        %get3A_309 = arith.constant 0 : index
        %get3A_310 = tpu.vector_load %arg10[%get3A_308, %get3A_309] {strides = array<i32>} : memref<128x32xf32, #tpu.memory_space<vmem>>, vector<1x16xf32>,
        %get3A_311 = vector.shape_cast %get3A_310 : vector<1x16xf32> to vector<16xf32>
        %slice3A_312 = vector.extract_strided_slice %get3A_186 {offsets = [4], sizes = [1], strides = [1]} : vector<16xf32> to vector<1xf32>
        %squeeze3A_313 = vector.extract %slice3A_312[0] : f32 from vector<1xf32>
        %mul3A_314 = vector.broadcast %squeeze3A_313 : f32 to vector<16xf32>
        %mul3A_315 = arith.mulf %get3A_311, %mul3A_314 : vector<16xf32>
        %swap3A_316 = arith.index_cast %add3A_307 : i32 to index
        %swap3A_317 = arith.constant 0 : index
        %swap3A_318 = tpu.vector_load %arg10[%swap3A_316, %swap3A_317] {strides = array<i32>} : memref<128x32xf32, #tpu.memory_space<vmem>>, vector<1x16xf32>,
        %swap3A_319 = vector.shape_cast %swap3A_318 : vector<1x16xf32> to vector<16xf32>
        %swap3A_320 = vector.shape_cast %mul3A_315 : vector<16xf32> to vector<1x16xf32>
        tpu.vector_store %arg10[%swap3A_316, %swap3A_317], %swap3A_320 {strides = array<i32>} : memref<128x32xf32, #tpu.memory_space<vmem>>, vector<1x16xf32>,
        %get3A_321 = arith.index_cast %add3A_307 : i32 to index
        %get3A_322 = arith.constant 16 : index
        %get3A_323 = tpu.vector_load %arg10[%get3A_321, %get3A_322] {strides = array<i32>} : memref<128x32xf32, #tpu.memory_space<vmem>>, vector<1x16xf32>,
        %get3A_324 = vector.shape_cast %get3A_323 : vector<1x16xf32> to vector<16xf32>
        %slice3A_325 = vector.extract_strided_slice %get3A_186 {offsets = [4], sizes = [1], strides = [1]} : vector<16xf32> to vector<1xf32>
        %squeeze3A_326 = vector.extract %slice3A_325[0] : f32 from vector<1xf32>
        %mul3A_327 = vector.broadcast %squeeze3A_326 : f32 to vector<16xf32>
        %mul3A_328 = arith.mulf %get3A_324, %mul3A_327 : vector<16xf32>
        %swap3A_329 = arith.index_cast %add3A_307 : i32 to index
        %swap3A_330 = arith.constant 16 : index
        %swap3A_331 = tpu.vector_load %arg10[%swap3A_329, %swap3A_330] {strides = array<i32>} : memref<128x32xf32, #tpu.memory_space<vmem>>, vector<1x16xf32>,
        %swap3A_332 = vector.shape_cast %swap3A_331 : vector<1x16xf32> to vector<16xf32>
        %swap3A_333 = vector.shape_cast %mul3A_328 : vector<16xf32> to vector<1x16xf32>
        tpu.vector_store %arg10[%swap3A_329, %swap3A_330], %swap3A_333 {strides = array<i32>} : memref<128x32xf32, #tpu.memory_space<vmem>>, vector<1x16xf32>,
        %mul3A_334 = arith.constant 16 : i32
        %mul3A_335 = arith.muli %scan3A_178, %mul3A_334 : i32
        %add3A_336 = arith.constant 5 : i32
        %add3A_337 = arith.addi %mul3A_335, %add3A_336 : i32
        %get3A_338 = arith.index_cast %add3A_337 : i32 to index
        %get3A_339 = arith.constant 0 : index
        %get3A_340 = tpu.vector_load %arg10[%get3A_338, %get3A_339] {strides = array<i32>} : memref<128x32xf32, #tpu.memory_space<vmem>>, vector<1x16xf32>,
        %get3A_341 = vector.shape_cast %get3A_340 : vector<1x16xf32> to vector<16xf32>
        %slice3A_342 = vector.extract_strided_slice %get3A_186 {offsets = [5], sizes = [1], strides = [1]} : vector<16xf32> to vector<1xf32>
        %squeeze3A_343 = vector.extract %slice3A_342[0] : f32 from vector<1xf32>
        %mul3A_344 = vector.broadcast %squeeze3A_343 : f32 to vector<16xf32>
        %mul3A_345 = arith.mulf %get3A_341, %mul3A_344 : vector<16xf32>
        %swap3A_346 = arith.index_cast %add3A_337 : i32 to index
        %swap3A_347 = arith.constant 0 : index
        %swap3A_348 = tpu.vector_load %arg10[%swap3A_346, %swap3A_347] {strides = array<i32>} : memref<128x32xf32, #tpu.memory_space<vmem>>, vector<1x16xf32>,
        %swap3A_349 = vector.shape_cast %swap3A_348 : vector<1x16xf32> to vector<16xf32>
        %swap3A_350 = vector.shape_cast %mul3A_345 : vector<16xf32> to vector<1x16xf32>
        tpu.vector_store %arg10[%swap3A_346, %swap3A_347], %swap3A_350 {strides = array<i32>} : memref<128x32xf32, #tpu.memory_space<vmem>>, vector<1x16xf32>,
        %get3A_351 = arith.index_cast %add3A_337 : i32 to index
        %get3A_352 = arith.constant 16 : index
        %get3A_353 = tpu.vector_load %arg10[%get3A_351, %get3A_352] {strides = array<i32>} : memref<128x32xf32, #tpu.memory_space<vmem>>, vector<1x16xf32>,
        %get3A_354 = vector.shape_cast %get3A_353 : vector<1x16xf32> to vector<16xf32>
        %slice3A_355 = vector.extract_strided_slice %get3A_186 {offsets = [5], sizes = [1], strides = [1]} : vector<16xf32> to vector<1xf32>
        %squeeze3A_356 = vector.extract %slice3A_355[0] : f32 from vector<1xf32>
        %mul3A_357 = vector.broadcast %squeeze3A_356 : f32 to vector<16xf32>
        %mul3A_358 = arith.mulf %get3A_354, %mul3A_357 : vector<16xf32>
        %swap3A_359 = arith.index_cast %add3A_337 : i32 to index
        %swap3A_360 = arith.constant 16 : index
        %swap3A_361 = tpu.vector_load %arg10[%swap3A_359, %swap3A_360] {strides = array<i32>} : memref<128x32xf32, #tpu.memory_space<vmem>>, vector<1x16xf32>,
        %swap3A_362 = vector.shape_cast %swap3A_361 : vector<1x16xf32> to vector<16xf32>
        %swap3A_363 = vector.shape_cast %mul3A_358 : vector<16xf32> to vector<1x16xf32>
        tpu.vector_store %arg10[%swap3A_359, %swap3A_360], %swap3A_363 {strides = array<i32>} : memref<128x32xf32, #tpu.memory_space<vmem>>, vector<1x16xf32>,
        %mul3A_364 = arith.constant 16 : i32
        %mul3A_365 = arith.muli %scan3A_178, %mul3A_364 : i32
        %add3A_366 = arith.constant 6 : i32
        %add3A_367 = arith.addi %mul3A_365, %add3A_366 : i32
        %get3A_368 = arith.index_cast %add3A_367 : i32 to index
        %get3A_369 = arith.constant 0 : index
        %get3A_370 = tpu.vector_load %arg10[%get3A_368, %get3A_369] {strides = array<i32>} : memref<128x32xf32, #tpu.memory_space<vmem>>, vector<1x16xf32>,
        %get3A_371 = vector.shape_cast %get3A_370 : vector<1x16xf32> to vector<16xf32>
        %slice3A_372 = vector.extract_strided_slice %get3A_186 {offsets = [6], sizes = [1], strides = [1]} : vector<16xf32> to vector<1xf32>
        %squeeze3A_373 = vector.extract %slice3A_372[0] : f32 from vector<1xf32>
        %mul3A_374 = vector.broadcast %squeeze3A_373 : f32 to vector<16xf32>
        %mul3A_375 = arith.mulf %get3A_371, %mul3A_374 : vector<16xf32>
        %swap3A_376 = arith.index_cast %add3A_367 : i32 to index
        %swap3A_377 = arith.constant 0 : index
        %swap3A_378 = tpu.vector_load %arg10[%swap3A_376, %swap3A_377] {strides = array<i32>} : memref<128x32xf32, #tpu.memory_space<vmem>>, vector<1x16xf32>,
        %swap3A_379 = vector.shape_cast %swap3A_378 : vector<1x16xf32> to vector<16xf32>
        %swap3A_380 = vector.shape_cast %mul3A_375 : vector<16xf32> to vector<1x16xf32>
        tpu.vector_store %arg10[%swap3A_376, %swap3A_377], %swap3A_380 {strides = array<i32>} : memref<128x32xf32, #tpu.memory_space<vmem>>, vector<1x16xf32>,
        %get3A_381 = arith.index_cast %add3A_367 : i32 to index
        %get3A_382 = arith.constant 16 : index
        %get3A_383 = tpu.vector_load %arg10[%get3A_381, %get3A_382] {strides = array<i32>} : memref<128x32xf32, #tpu.memory_space<vmem>>, vector<1x16xf32>,
        %get3A_384 = vector.shape_cast %get3A_383 : vector<1x16xf32> to vector<16xf32>
        %slice3A_385 = vector.extract_strided_slice %get3A_186 {offsets = [6], sizes = [1], strides = [1]} : vector<16xf32> to vector<1xf32>
        %squeeze3A_386 = vector.extract %slice3A_385[0] : f32 from vector<1xf32>
        %mul3A_387 = vector.broadcast %squeeze3A_386 : f32 to vector<16xf32>
        %mul3A_388 = arith.mulf %get3A_384, %mul3A_387 : vector<16xf32>
        %swap3A_389 = arith.index_cast %add3A_367 : i32 to index
        %swap3A_390 = arith.constant 16 : index
        %swap3A_391 = tpu.vector_load %arg10[%swap3A_389, %swap3A_390] {strides = array<i32>} : memref<128x32xf32, #tpu.memory_space<vmem>>, vector<1x16xf32>,
        %swap3A_392 = vector.shape_cast %swap3A_391 : vector<1x16xf32> to vector<16xf32>
        %swap3A_393 = vector.shape_cast %mul3A_388 : vector<16xf32> to vector<1x16xf32>
        tpu.vector_store %arg10[%swap3A_389, %swap3A_390], %swap3A_393 {strides = array<i32>} : memref<128x32xf32, #tpu.memory_space<vmem>>, vector<1x16xf32>,
        %mul3A_394 = arith.constant 16 : i32
        %mul3A_395 = arith.muli %scan3A_178, %mul3A_394 : i32
        %add3A_396 = arith.constant 7 : i32
        %add3A_397 = arith.addi %mul3A_395, %add3A_396 : i32
        %get3A_398 = arith.index_cast %add3A_397 : i32 to index
        %get3A_399 = arith.constant 0 : index
        %get3A_400 = tpu.vector_load %arg10[%get3A_398, %get3A_399] {strides = array<i32>} : memref<128x32xf32, #tpu.memory_space<vmem>>, vector<1x16xf32>,
        %get3A_401 = vector.shape_cast %get3A_400 : vector<1x16xf32> to vector<16xf32>
        %slice3A_402 = vector.extract_strided_slice %get3A_186 {offsets = [7], sizes = [1], strides = [1]} : vector<16xf32> to vector<1xf32>
        %squeeze3A_403 = vector.extract %slice3A_402[0] : f32 from vector<1xf32>
        %mul3A_404 = vector.broadcast %squeeze3A_403 : f32 to vector<16xf32>
        %mul3A_405 = arith.mulf %get3A_401, %mul3A_404 : vector<16xf32>
        %swap3A_406 = arith.index_cast %add3A_397 : i32 to index
        %swap3A_407 = arith.constant 0 : index
        %swap3A_408 = tpu.vector_load %arg10[%swap3A_406, %swap3A_407] {strides = array<i32>} : memref<128x32xf32, #tpu.memory_space<vmem>>, vector<1x16xf32>,
        %swap3A_409 = vector.shape_cast %swap3A_408 : vector<1x16xf32> to vector<16xf32>
        %swap3A_410 = vector.shape_cast %mul3A_405 : vector<16xf32> to vector<1x16xf32>
        tpu.vector_store %arg10[%swap3A_406, %swap3A_407], %swap3A_410 {strides = array<i32>} : memref<128x32xf32, #tpu.memory_space<vmem>>, vector<1x16xf32>,
        %get3A_411 = arith.index_cast %add3A_397 : i32 to index
        %get3A_412 = arith.constant 16 : index
        %get3A_413 = tpu.vector_load %arg10[%get3A_411, %get3A_412] {strides = array<i32>} : memref<128x32xf32, #tpu.memory_space<vmem>>, vector<1x16xf32>,
        %get3A_414 = vector.shape_cast %get3A_413 : vector<1x16xf32> to vector<16xf32>
        %slice3A_415 = vector.extract_strided_slice %get3A_186 {offsets = [7], sizes = [1], strides = [1]} : vector<16xf32> to vector<1xf32>
        %squeeze3A_416 = vector.extract %slice3A_415[0] : f32 from vector<1xf32>
        %mul3A_417 = vector.broadcast %squeeze3A_416 : f32 to vector<16xf32>
        %mul3A_418 = arith.mulf %get3A_414, %mul3A_417 : vector<16xf32>
        %swap3A_419 = arith.index_cast %add3A_397 : i32 to index
        %swap3A_420 = arith.constant 16 : index
        %swap3A_421 = tpu.vector_load %arg10[%swap3A_419, %swap3A_420] {strides = array<i32>} : memref<128x32xf32, #tpu.memory_space<vmem>>, vector<1x16xf32>,
        %swap3A_422 = vector.shape_cast %swap3A_421 : vector<1x16xf32> to vector<16xf32>
        %swap3A_423 = vector.shape_cast %mul3A_418 : vector<16xf32> to vector<1x16xf32>
        tpu.vector_store %arg10[%swap3A_419, %swap3A_420], %swap3A_423 {strides = array<i32>} : memref<128x32xf32, #tpu.memory_space<vmem>>, vector<1x16xf32>,
        %mul3A_424 = arith.constant 16 : i32
        %mul3A_425 = arith.muli %scan3A_178, %mul3A_424 : i32
        %add3A_426 = arith.constant 8 : i32
        %add3A_427 = arith.addi %mul3A_425, %add3A_426 : i32
        %get3A_428 = arith.index_cast %add3A_427 : i32 to index
        %get3A_429 = arith.constant 0 : index
        %get3A_430 = tpu.vector_load %arg10[%get3A_428, %get3A_429] {strides = array<i32>} : memref<128x32xf32, #tpu.memory_space<vmem>>, vector<1x16xf32>,
        %get3A_431 = vector.shape_cast %get3A_430 : vector<1x16xf32> to vector<16xf32>
        %slice3A_432 = vector.extract_strided_slice %get3A_186 {offsets = [8], sizes = [1], strides = [1]} : vector<16xf32> to vector<1xf32>
        %squeeze3A_433 = vector.extract %slice3A_432[0] : f32 from vector<1xf32>
        %mul3A_434 = vector.broadcast %squeeze3A_433 : f32 to vector<16xf32>
        %mul3A_435 = arith.mulf %get3A_431, %mul3A_434 : vector<16xf32>
        %swap3A_436 = arith.index_cast %add3A_427 : i32 to index
        %swap3A_437 = arith.constant 0 : index
        %swap3A_438 = tpu.vector_load %arg10[%swap3A_436, %swap3A_437] {strides = array<i32>} : memref<128x32xf32, #tpu.memory_space<vmem>>, vector<1x16xf32>,
        %swap3A_439 = vector.shape_cast %swap3A_438 : vector<1x16xf32> to vector<16xf32>
        %swap3A_440 = vector.shape_cast %mul3A_435 : vector<16xf32> to vector<1x16xf32>
        tpu.vector_store %arg10[%swap3A_436, %swap3A_437], %swap3A_440 {strides = array<i32>} : memref<128x32xf32, #tpu.memory_space<vmem>>, vector<1x16xf32>,
        %get3A_441 = arith.index_cast %add3A_427 : i32 to index
        %get3A_442 = arith.constant 16 : index
        %get3A_443 = tpu.vector_load %arg10[%get3A_441, %get3A_442] {strides = array<i32>} : memref<128x32xf32, #tpu.memory_space<vmem>>, vector<1x16xf32>,
        %get3A_444 = vector.shape_cast %get3A_443 : vector<1x16xf32> to vector<16xf32>
        %slice3A_445 = vector.extract_strided_slice %get3A_186 {offsets = [8], sizes = [1], strides = [1]} : vector<16xf32> to vector<1xf32>
        %squeeze3A_446 = vector.extract %slice3A_445[0] : f32 from vector<1xf32>
        %mul3A_447 = vector.broadcast %squeeze3A_446 : f32 to vector<16xf32>
        %mul3A_448 = arith.mulf %get3A_444, %mul3A_447 : vector<16xf32>
        %swap3A_449 = arith.index_cast %add3A_427 : i32 to index
        %swap3A_450 = arith.constant 16 : index
        %swap3A_451 = tpu.vector_load %arg10[%swap3A_449, %swap3A_450] {strides = array<i32>} : memref<128x32xf32, #tpu.memory_space<vmem>>, vector<1x16xf32>,
        %swap3A_452 = vector.shape_cast %swap3A_451 : vector<1x16xf32> to vector<16xf32>
        %swap3A_453 = vector.shape_cast %mul3A_448 : vector<16xf32> to vector<1x16xf32>
        tpu.vector_store %arg10[%swap3A_449, %swap3A_450], %swap3A_453 {strides = array<i32>} : memref<128x32xf32, #tpu.memory_space<vmem>>, vector<1x16xf32>,
        %mul3A_454 = arith.constant 16 : i32
        %mul3A_455 = arith.muli %scan3A_178, %mul3A_454 : i32
        %add3A_456 = arith.constant 9 : i32
        %add3A_457 = arith.addi %mul3A_455, %add3A_456 : i32
        %get3A_458 = arith.index_cast %add3A_457 : i32 to index
        %get3A_459 = arith.constant 0 : index
        %get3A_460 = tpu.vector_load %arg10[%get3A_458, %get3A_459] {strides = array<i32>} : memref<128x32xf32, #tpu.memory_space<vmem>>, vector<1x16xf32>,
        %get3A_461 = vector.shape_cast %get3A_460 : vector<1x16xf32> to vector<16xf32>
        %slice3A_462 = vector.extract_strided_slice %get3A_186 {offsets = [9], sizes = [1], strides = [1]} : vector<16xf32> to vector<1xf32>
        %squeeze3A_463 = vector.extract %slice3A_462[0] : f32 from vector<1xf32>
        %mul3A_464 = vector.broadcast %squeeze3A_463 : f32 to vector<16xf32>
        %mul3A_465 = arith.mulf %get3A_461, %mul3A_464 : vector<16xf32>
        %swap3A_466 = arith.index_cast %add3A_457 : i32 to index
        %swap3A_467 = arith.constant 0 : index
        %swap3A_468 = tpu.vector_load %arg10[%swap3A_466, %swap3A_467] {strides = array<i32>} : memref<128x32xf32, #tpu.memory_space<vmem>>, vector<1x16xf32>,
        %swap3A_469 = vector.shape_cast %swap3A_468 : vector<1x16xf32> to vector<16xf32>
        %swap3A_470 = vector.shape_cast %mul3A_465 : vector<16xf32> to vector<1x16xf32>
        tpu.vector_store %arg10[%swap3A_466, %swap3A_467], %swap3A_470 {strides = array<i32>} : memref<128x32xf32, #tpu.memory_space<vmem>>, vector<1x16xf32>,
        %get3A_471 = arith.index_cast %add3A_457 : i32 to index
        %get3A_472 = arith.constant 16 : index
        %get3A_473 = tpu.vector_load %arg10[%get3A_471, %get3A_472] {strides = array<i32>} : memref<128x32xf32, #tpu.memory_space<vmem>>, vector<1x16xf32>,
        %get3A_474 = vector.shape_cast %get3A_473 : vector<1x16xf32> to vector<16xf32>
        %slice3A_475 = vector.extract_strided_slice %get3A_186 {offsets = [9], sizes = [1], strides = [1]} : vector<16xf32> to vector<1xf32>
        %squeeze3A_476 = vector.extract %slice3A_475[0] : f32 from vector<1xf32>
        %mul3A_477 = vector.broadcast %squeeze3A_476 : f32 to vector<16xf32>
        %mul3A_478 = arith.mulf %get3A_474, %mul3A_477 : vector<16xf32>
        %swap3A_479 = arith.index_cast %add3A_457 : i32 to index
        %swap3A_480 = arith.constant 16 : index
        %swap3A_481 = tpu.vector_load %arg10[%swap3A_479, %swap3A_480] {strides = array<i32>} : memref<128x32xf32, #tpu.memory_space<vmem>>, vector<1x16xf32>,
        %swap3A_482 = vector.shape_cast %swap3A_481 : vector<1x16xf32> to vector<16xf32>
        %swap3A_483 = vector.shape_cast %mul3A_478 : vector<16xf32> to vector<1x16xf32>
        tpu.vector_store %arg10[%swap3A_479, %swap3A_480], %swap3A_483 {strides = array<i32>} : memref<128x32xf32, #tpu.memory_space<vmem>>, vector<1x16xf32>,
        %mul3A_484 = arith.constant 16 : i32
        %mul3A_485 = arith.muli %scan3A_178, %mul3A_484 : i32
        %add3A_486 = arith.constant 10 : i32
        %add3A_487 = arith.addi %mul3A_485, %add3A_486 : i32
        %get3A_488 = arith.index_cast %add3A_487 : i32 to index
        %get3A_489 = arith.constant 0 : index
        %get3A_490 = tpu.vector_load %arg10[%get3A_488, %get3A_489] {strides = array<i32>} : memref<128x32xf32, #tpu.memory_space<vmem>>, vector<1x16xf32>,
        %get3A_491 = vector.shape_cast %get3A_490 : vector<1x16xf32> to vector<16xf32>
        %slice3A_492 = vector.extract_strided_slice %get3A_186 {offsets = [10], sizes = [1], strides = [1]} : vector<16xf32> to vector<1xf32>
        %squeeze3A_493 = vector.extract %slice3A_492[0] : f32 from vector<1xf32>
        %mul3A_494 = vector.broadcast %squeeze3A_493 : f32 to vector<16xf32>
        %mul3A_495 = arith.mulf %get3A_491, %mul3A_494 : vector<16xf32>
        %swap3A_496 = arith.index_cast %add3A_487 : i32 to index
        %swap3A_497 = arith.constant 0 : index
        %swap3A_498 = tpu.vector_load %arg10[%swap3A_496, %swap3A_497] {strides = array<i32>} : memref<128x32xf32, #tpu.memory_space<vmem>>, vector<1x16xf32>,
        %swap3A_499 = vector.shape_cast %swap3A_498 : vector<1x16xf32> to vector<16xf32>
        %swap3A_500 = vector.shape_cast %mul3A_495 : vector<16xf32> to vector<1x16xf32>
        tpu.vector_store %arg10[%swap3A_496, %swap3A_497], %swap3A_500 {strides = array<i32>} : memref<128x32xf32, #tpu.memory_space<vmem>>, vector<1x16xf32>,
        %get3A_501 = arith.index_cast %add3A_487 : i32 to index
        %get3A_502 = arith.constant 16 : index
        %get3A_503 = tpu.vector_load %arg10[%get3A_501, %get3A_502] {strides = array<i32>} : memref<128x32xf32, #tpu.memory_space<vmem>>, vector<1x16xf32>,
        %get3A_504 = vector.shape_cast %get3A_503 : vector<1x16xf32> to vector<16xf32>
        %slice3A_505 = vector.extract_strided_slice %get3A_186 {offsets = [10], sizes = [1], strides = [1]} : vector<16xf32> to vector<1xf32>
        %squeeze3A_506 = vector.extract %slice3A_505[0] : f32 from vector<1xf32>
        %mul3A_507 = vector.broadcast %squeeze3A_506 : f32 to vector<16xf32>
        %mul3A_508 = arith.mulf %get3A_504, %mul3A_507 : vector<16xf32>
        %swap3A_509 = arith.index_cast %add3A_487 : i32 to index
        %swap3A_510 = arith.constant 16 : index
        %swap3A_511 = tpu.vector_load %arg10[%swap3A_509, %swap3A_510] {strides = array<i32>} : memref<128x32xf32, #tpu.memory_space<vmem>>, vector<1x16xf32>,
        %swap3A_512 = vector.shape_cast %swap3A_511 : vector<1x16xf32> to vector<16xf32>
        %swap3A_513 = vector.shape_cast %mul3A_508 : vector<16xf32> to vector<1x16xf32>
        tpu.vector_store %arg10[%swap3A_509, %swap3A_510], %swap3A_513 {strides = array<i32>} : memref<128x32xf32, #tpu.memory_space<vmem>>, vector<1x16xf32>,
        %mul3A_514 = arith.constant 16 : i32
        %mul3A_515 = arith.muli %scan3A_178, %mul3A_514 : i32
        %add3A_516 = arith.constant 11 : i32
        %add3A_517 = arith.addi %mul3A_515, %add3A_516 : i32
        %get3A_518 = arith.index_cast %add3A_517 : i32 to index
        %get3A_519 = arith.constant 0 : index
        %get3A_520 = tpu.vector_load %arg10[%get3A_518, %get3A_519] {strides = array<i32>} : memref<128x32xf32, #tpu.memory_space<vmem>>, vector<1x16xf32>,
        %get3A_521 = vector.shape_cast %get3A_520 : vector<1x16xf32> to vector<16xf32>
        %slice3A_522 = vector.extract_strided_slice %get3A_186 {offsets = [11], sizes = [1], strides = [1]} : vector<16xf32> to vector<1xf32>
        %squeeze3A_523 = vector.extract %slice3A_522[0] : f32 from vector<1xf32>
        %mul3A_524 = vector.broadcast %squeeze3A_523 : f32 to vector<16xf32>
        %mul3A_525 = arith.mulf %get3A_521, %mul3A_524 : vector<16xf32>
        %swap3A_526 = arith.index_cast %add3A_517 : i32 to index
        %swap3A_527 = arith.constant 0 : index
        %swap3A_528 = tpu.vector_load %arg10[%swap3A_526, %swap3A_527] {strides = array<i32>} : memref<128x32xf32, #tpu.memory_space<vmem>>, vector<1x16xf32>,
        %swap3A_529 = vector.shape_cast %swap3A_528 : vector<1x16xf32> to vector<16xf32>
        %swap3A_530 = vector.shape_cast %mul3A_525 : vector<16xf32> to vector<1x16xf32>
        tpu.vector_store %arg10[%swap3A_526, %swap3A_527], %swap3A_530 {strides = array<i32>} : memref<128x32xf32, #tpu.memory_space<vmem>>, vector<1x16xf32>,
        %get3A_531 = arith.index_cast %add3A_517 : i32 to index
        %get3A_532 = arith.constant 16 : index
        %get3A_533 = tpu.vector_load %arg10[%get3A_531, %get3A_532] {strides = array<i32>} : memref<128x32xf32, #tpu.memory_space<vmem>>, vector<1x16xf32>,
        %get3A_534 = vector.shape_cast %get3A_533 : vector<1x16xf32> to vector<16xf32>
        %slice3A_535 = vector.extract_strided_slice %get3A_186 {offsets = [11], sizes = [1], strides = [1]} : vector<16xf32> to vector<1xf32>
        %squeeze3A_536 = vector.extract %slice3A_535[0] : f32 from vector<1xf32>
        %mul3A_537 = vector.broadcast %squeeze3A_536 : f32 to vector<16xf32>
        %mul3A_538 = arith.mulf %get3A_534, %mul3A_537 : vector<16xf32>
        %swap3A_539 = arith.index_cast %add3A_517 : i32 to index
        %swap3A_540 = arith.constant 16 : index
        %swap3A_541 = tpu.vector_load %arg10[%swap3A_539, %swap3A_540] {strides = array<i32>} : memref<128x32xf32, #tpu.memory_space<vmem>>, vector<1x16xf32>,
        %swap3A_542 = vector.shape_cast %swap3A_541 : vector<1x16xf32> to vector<16xf32>
        %swap3A_543 = vector.shape_cast %mul3A_538 : vector<16xf32> to vector<1x16xf32>
        tpu.vector_store %arg10[%swap3A_539, %swap3A_540], %swap3A_543 {strides = array<i32>} : memref<128x32xf32, #tpu.memory_space<vmem>>, vector<1x16xf32>,
        %mul3A_544 = arith.constant 16 : i32
        %mul3A_545 = arith.muli %scan3A_178, %mul3A_544 : i32
        %add3A_546 = arith.constant 12 : i32
        %add3A_547 = arith.addi %mul3A_545, %add3A_546 : i32
        %get3A_548 = arith.index_cast %add3A_547 : i32 to index
        %get3A_549 = arith.constant 0 : index
        %get3A_550 = tpu.vector_load %arg10[%get3A_548, %get3A_549] {strides = array<i32>} : memref<128x32xf32, #tpu.memory_space<vmem>>, vector<1x16xf32>,
        %get3A_551 = vector.shape_cast %get3A_550 : vector<1x16xf32> to vector<16xf32>
        %slice3A_552 = vector.extract_strided_slice %get3A_186 {offsets = [12], sizes = [1], strides = [1]} : vector<16xf32> to vector<1xf32>
        %squeeze3A_553 = vector.extract %slice3A_552[0] : f32 from vector<1xf32>
        %mul3A_554 = vector.broadcast %squeeze3A_553 : f32 to vector<16xf32>
        %mul3A_555 = arith.mulf %get3A_551, %mul3A_554 : vector<16xf32>
        %swap3A_556 = arith.index_cast %add3A_547 : i32 to index
        %swap3A_557 = arith.constant 0 : index
        %swap3A_558 = tpu.vector_load %arg10[%swap3A_556, %swap3A_557] {strides = array<i32>} : memref<128x32xf32, #tpu.memory_space<vmem>>, vector<1x16xf32>,
        %swap3A_559 = vector.shape_cast %swap3A_558 : vector<1x16xf32> to vector<16xf32>
        %swap3A_560 = vector.shape_cast %mul3A_555 : vector<16xf32> to vector<1x16xf32>
        tpu.vector_store %arg10[%swap3A_556, %swap3A_557], %swap3A_560 {strides = array<i32>} : memref<128x32xf32, #tpu.memory_space<vmem>>, vector<1x16xf32>,
        %get3A_561 = arith.index_cast %add3A_547 : i32 to index
        %get3A_562 = arith.constant 16 : index
        %get3A_563 = tpu.vector_load %arg10[%get3A_561, %get3A_562] {strides = array<i32>} : memref<128x32xf32, #tpu.memory_space<vmem>>, vector<1x16xf32>,
        %get3A_564 = vector.shape_cast %get3A_563 : vector<1x16xf32> to vector<16xf32>
        %slice3A_565 = vector.extract_strided_slice %get3A_186 {offsets = [12], sizes = [1], strides = [1]} : vector<16xf32> to vector<1xf32>
        %squeeze3A_566 = vector.extract %slice3A_565[0] : f32 from vector<1xf32>
        %mul3A_567 = vector.broadcast %squeeze3A_566 : f32 to vector<16xf32>
        %mul3A_568 = arith.mulf %get3A_564, %mul3A_567 : vector<16xf32>
        %swap3A_569 = arith.index_cast %add3A_547 : i32 to index
        %swap3A_570 = arith.constant 16 : index
        %swap3A_571 = tpu.vector_load %arg10[%swap3A_569, %swap3A_570] {strides = array<i32>} : memref<128x32xf32, #tpu.memory_space<vmem>>, vector<1x16xf32>,
        %swap3A_572 = vector.shape_cast %swap3A_571 : vector<1x16xf32> to vector<16xf32>
        %swap3A_573 = vector.shape_cast %mul3A_568 : vector<16xf32> to vector<1x16xf32>
        tpu.vector_store %arg10[%swap3A_569, %swap3A_570], %swap3A_573 {strides = array<i32>} : memref<128x32xf32, #tpu.memory_space<vmem>>, vector<1x16xf32>,
        %mul3A_574 = arith.constant 16 : i32
        %mul3A_575 = arith.muli %scan3A_178, %mul3A_574 : i32
        %add3A_576 = arith.constant 13 : i32
        %add3A_577 = arith.addi %mul3A_575, %add3A_576 : i32
        %get3A_578 = arith.index_cast %add3A_577 : i32 to index
        %get3A_579 = arith.constant 0 : index
        %get3A_580 = tpu.vector_load %arg10[%get3A_578, %get3A_579] {strides = array<i32>} : memref<128x32xf32, #tpu.memory_space<vmem>>, vector<1x16xf32>,
        %get3A_581 = vector.shape_cast %get3A_580 : vector<1x16xf32> to vector<16xf32>
        %slice3A_582 = vector.extract_strided_slice %get3A_186 {offsets = [13], sizes = [1], strides = [1]} : vector<16xf32> to vector<1xf32>
        %squeeze3A_583 = vector.extract %slice3A_582[0] : f32 from vector<1xf32>
        %mul3A_584 = vector.broadcast %squeeze3A_583 : f32 to vector<16xf32>
        %mul3A_585 = arith.mulf %get3A_581, %mul3A_584 : vector<16xf32>
        %swap3A_586 = arith.index_cast %add3A_577 : i32 to index
        %swap3A_587 = arith.constant 0 : index
        %swap3A_588 = tpu.vector_load %arg10[%swap3A_586, %swap3A_587] {strides = array<i32>} : memref<128x32xf32, #tpu.memory_space<vmem>>, vector<1x16xf32>,
        %swap3A_589 = vector.shape_cast %swap3A_588 : vector<1x16xf32> to vector<16xf32>
        %swap3A_590 = vector.shape_cast %mul3A_585 : vector<16xf32> to vector<1x16xf32>
        tpu.vector_store %arg10[%swap3A_586, %swap3A_587], %swap3A_590 {strides = array<i32>} : memref<128x32xf32, #tpu.memory_space<vmem>>, vector<1x16xf32>,
        %get3A_591 = arith.index_cast %add3A_577 : i32 to index
        %get3A_592 = arith.constant 16 : index
        %get3A_593 = tpu.vector_load %arg10[%get3A_591, %get3A_592] {strides = array<i32>} : memref<128x32xf32, #tpu.memory_space<vmem>>, vector<1x16xf32>,
        %get3A_594 = vector.shape_cast %get3A_593 : vector<1x16xf32> to vector<16xf32>
        %slice3A_595 = vector.extract_strided_slice %get3A_186 {offsets = [13], sizes = [1], strides = [1]} : vector<16xf32> to vector<1xf32>
        %squeeze3A_596 = vector.extract %slice3A_595[0] : f32 from vector<1xf32>
        %mul3A_597 = vector.broadcast %squeeze3A_596 : f32 to vector<16xf32>
        %mul3A_598 = arith.mulf %get3A_594, %mul3A_597 : vector<16xf32>
        %swap3A_599 = arith.index_cast %add3A_577 : i32 to index
        %swap3A_600 = arith.constant 16 : index
        %swap3A_601 = tpu.vector_load %arg10[%swap3A_599, %swap3A_600] {strides = array<i32>} : memref<128x32xf32, #tpu.memory_space<vmem>>, vector<1x16xf32>,
        %swap3A_602 = vector.shape_cast %swap3A_601 : vector<1x16xf32> to vector<16xf32>
        %swap3A_603 = vector.shape_cast %mul3A_598 : vector<16xf32> to vector<1x16xf32>
        tpu.vector_store %arg10[%swap3A_599, %swap3A_600], %swap3A_603 {strides = array<i32>} : memref<128x32xf32, #tpu.memory_space<vmem>>, vector<1x16xf32>,
        %mul3A_604 = arith.constant 16 : i32
        %mul3A_605 = arith.muli %scan3A_178, %mul3A_604 : i32
        %add3A_606 = arith.constant 14 : i32
        %add3A_607 = arith.addi %mul3A_605, %add3A_606 : i32
        %get3A_608 = arith.index_cast %add3A_607 : i32 to index
        %get3A_609 = arith.constant 0 : index
        %get3A_610 = tpu.vector_load %arg10[%get3A_608, %get3A_609] {strides = array<i32>} : memref<128x32xf32, #tpu.memory_space<vmem>>, vector<1x16xf32>,
        %get3A_611 = vector.shape_cast %get3A_610 : vector<1x16xf32> to vector<16xf32>
        %slice3A_612 = vector.extract_strided_slice %get3A_186 {offsets = [14], sizes = [1], strides = [1]} : vector<16xf32> to vector<1xf32>
        %squeeze3A_613 = vector.extract %slice3A_612[0] : f32 from vector<1xf32>
        %mul3A_614 = vector.broadcast %squeeze3A_613 : f32 to vector<16xf32>
        %mul3A_615 = arith.mulf %get3A_611, %mul3A_614 : vector<16xf32>
        %swap3A_616 = arith.index_cast %add3A_607 : i32 to index
        %swap3A_617 = arith.constant 0 : index
        %swap3A_618 = tpu.vector_load %arg10[%swap3A_616, %swap3A_617] {strides = array<i32>} : memref<128x32xf32, #tpu.memory_space<vmem>>, vector<1x16xf32>,
        %swap3A_619 = vector.shape_cast %swap3A_618 : vector<1x16xf32> to vector<16xf32>
        %swap3A_620 = vector.shape_cast %mul3A_615 : vector<16xf32> to vector<1x16xf32>
        tpu.vector_store %arg10[%swap3A_616, %swap3A_617], %swap3A_620 {strides = array<i32>} : memref<128x32xf32, #tpu.memory_space<vmem>>, vector<1x16xf32>,
        %get3A_621 = arith.index_cast %add3A_607 : i32 to index
        %get3A_622 = arith.constant 16 : index
        %get3A_623 = tpu.vector_load %arg10[%get3A_621, %get3A_622] {strides = array<i32>} : memref<128x32xf32, #tpu.memory_space<vmem>>, vector<1x16xf32>,
        %get3A_624 = vector.shape_cast %get3A_623 : vector<1x16xf32> to vector<16xf32>
        %slice3A_625 = vector.extract_strided_slice %get3A_186 {offsets = [14], sizes = [1], strides = [1]} : vector<16xf32> to vector<1xf32>
        %squeeze3A_626 = vector.extract %slice3A_625[0] : f32 from vector<1xf32>
        %mul3A_627 = vector.broadcast %squeeze3A_626 : f32 to vector<16xf32>
        %mul3A_628 = arith.mulf %get3A_624, %mul3A_627 : vector<16xf32>
        %swap3A_629 = arith.index_cast %add3A_607 : i32 to index
        %swap3A_630 = arith.constant 16 : index
        %swap3A_631 = tpu.vector_load %arg10[%swap3A_629, %swap3A_630] {strides = array<i32>} : memref<128x32xf32, #tpu.memory_space<vmem>>, vector<1x16xf32>,
        %swap3A_632 = vector.shape_cast %swap3A_631 : vector<1x16xf32> to vector<16xf32>
        %swap3A_633 = vector.shape_cast %mul3A_628 : vector<16xf32> to vector<1x16xf32>
        tpu.vector_store %arg10[%swap3A_629, %swap3A_630], %swap3A_633 {strides = array<i32>} : memref<128x32xf32, #tpu.memory_space<vmem>>, vector<1x16xf32>,
        %mul3A_634 = arith.constant 16 : i32
        %mul3A_635 = arith.muli %scan3A_178, %mul3A_634 : i32
        %add3A_636 = arith.constant 15 : i32
        %add3A_637 = arith.addi %mul3A_635, %add3A_636 : i32
        %get3A_638 = arith.index_cast %add3A_637 : i32 to index
        %get3A_639 = arith.constant 0 : index
        %get3A_640 = tpu.vector_load %arg10[%get3A_638, %get3A_639] {strides = array<i32>} : memref<128x32xf32, #tpu.memory_space<vmem>>, vector<1x16xf32>,
        %get3A_641 = vector.shape_cast %get3A_640 : vector<1x16xf32> to vector<16xf32>
        %slice3A_642 = vector.extract_strided_slice %get3A_186 {offsets = [15], sizes = [1], strides = [1]} : vector<16xf32> to vector<1xf32>
        %squeeze3A_643 = vector.extract %slice3A_642[0] : f32 from vector<1xf32>
        %mul3A_644 = vector.broadcast %squeeze3A_643 : f32 to vector<16xf32>
        %mul3A_645 = arith.mulf %get3A_641, %mul3A_644 : vector<16xf32>
        %swap3A_646 = arith.index_cast %add3A_637 : i32 to index
        %swap3A_647 = arith.constant 0 : index
        %swap3A_648 = tpu.vector_load %arg10[%swap3A_646, %swap3A_647] {strides = array<i32>} : memref<128x32xf32, #tpu.memory_space<vmem>>, vector<1x16xf32>,
        %swap3A_649 = vector.shape_cast %swap3A_648 : vector<1x16xf32> to vector<16xf32>
        %swap3A_650 = vector.shape_cast %mul3A_645 : vector<16xf32> to vector<1x16xf32>
        tpu.vector_store %arg10[%swap3A_646, %swap3A_647], %swap3A_650 {strides = array<i32>} : memref<128x32xf32, #tpu.memory_space<vmem>>, vector<1x16xf32>,
        %get3A_651 = arith.index_cast %add3A_637 : i32 to index
        %get3A_652 = arith.constant 16 : index
        %get3A_653 = tpu.vector_load %arg10[%get3A_651, %get3A_652] {strides = array<i32>} : memref<128x32xf32, #tpu.memory_space<vmem>>, vector<1x16xf32>,
        %get3A_654 = vector.shape_cast %get3A_653 : vector<1x16xf32> to vector<16xf32>
        %slice3A_655 = vector.extract_strided_slice %get3A_186 {offsets = [15], sizes = [1], strides = [1]} : vector<16xf32> to vector<1xf32>
        %squeeze3A_656 = vector.extract %slice3A_655[0] : f32 from vector<1xf32>
        %mul3A_657 = vector.broadcast %squeeze3A_656 : f32 to vector<16xf32>
        %mul3A_658 = arith.mulf %get3A_654, %mul3A_657 : vector<16xf32>
        %swap3A_659 = arith.index_cast %add3A_637 : i32 to index
        %swap3A_660 = arith.constant 16 : index
        %swap3A_661 = tpu.vector_load %arg10[%swap3A_659, %swap3A_660] {strides = array<i32>} : memref<128x32xf32, #tpu.memory_space<vmem>>, vector<1x16xf32>,
        %swap3A_662 = vector.shape_cast %swap3A_661 : vector<1x16xf32> to vector<16xf32>
        %swap3A_663 = vector.shape_cast %mul3A_658 : vector<16xf32> to vector<1x16xf32>
        tpu.vector_store %arg10[%swap3A_659, %swap3A_660], %swap3A_663 {strides = array<i32>} : memref<128x32xf32, #tpu.memory_space<vmem>>, vector<1x16xf32>,
        %scan3A_664 = arith.constant 0 : i32
        scf.yield %scan3A_664 : i32
      }
      %scan3A_106 = arith.constant 8 : i32
      %mul3A_107 = arith.constant 128 : i32
      %mul3A_108 = arith.muli %add3A_85, %mul3A_107 : i32
      %dma_start3A_109 = tpu.memref_slice %arg8[%mul3A_108] : memref<8448xi32, #tpu.memory_space<vmem>> -> memref<128xi32, #tpu.memory_space<vmem>>
      %dma_start3A_110 = arith.constant 0 : i32
      %dma_start3A_111 = arith.constant 0 : i32
      %dma_start3A_112 = tpu.memref_slice %arg13[%dma_start3A_110, %dma_start3A_111] : memref<16384x32xf32, #tpu.memory_space<vmem_shared>> -> memref<16384x32xf32, #tpu.memory_space<vmem_shared>>
      tpu.enqueue_indirect_dma source(%arg10 : memref<128x32xf32, #tpu.memory_space<vmem>>) target(%dma_start3A_112 : memref<16384x32xf32, #tpu.memory_space<vmem_shared>>) offsets(%dma_start3A_109 : memref<128xi32, #tpu.memory_space<vmem>>) semaphore(%arg22 : memref<!tpu.dma_semaphore, #tpu.memory_space<semaphore_mem>>) {add = true}
      %mul3A_113 = arith.constant 3 : i32
      %mul3A_114 = arith.muli %scan3A_80, %mul3A_113 : i32
      %add3A_115 = arith.constant 1 : i32
      %add3A_116 = arith.addi %mul3A_114, %add3A_115 : i32
      %mul3A_117 = arith.constant 128 : i32
      %mul3A_118 = arith.muli %add3A_116, %mul3A_117 : i32
      %dma_wait3A_119 = tpu.memref_slice %arg7[%mul3A_118] : memref<8448xi32, #tpu.memory_space<vmem>> -> memref<128xi32, #tpu.memory_space<vmem>>
      %dma_wait3A_120 = arith.constant 0 : i32
      %dma_wait3A_121 = arith.constant 0 : i32
      %dma_wait3A_122 = tpu.memref_slice %arg14[%dma_wait3A_120, %dma_wait3A_121] : memref<16384x32xf32, #tpu.memory_space<vmem_shared>> -> memref<16384x32xf32, #tpu.memory_space<vmem_shared>>
      tpu.wait_indirect_dma semaphore(%arg20 : memref<!tpu.dma_semaphore, #tpu.memory_space<semaphore_mem>>) src(%dma_wait3A_122 : memref<16384x32xf32, #tpu.memory_space<vmem_shared>>) dst(%arg11 : memref<128x32xf32, #tpu.memory_space<vmem>>)
      %add3A_123 = arith.constant 3 : i32
      %add3A_124 = arith.addi %add3A_116, %add3A_123 : i32
      %sub3A_125 = arith.constant 1 : i32
      %sub3A_126 = arith.subi %add3A_124, %sub3A_125 : i32
      %lt3A_127 = arith.constant 66 : i32
      %lt3A_128 = arith.cmpi slt, %sub3A_126, %lt3A_127 : i32
      %convert_element_type3A_129 = arith.extui %lt3A_128 : i1 to i32
      %cond3A_130 = arith.constant 0 : i32
      %cond3A_131 = arith.cmpi ne, %convert_element_type3A_129, %cond3A_130 : i32
      scf.if %cond3A_131 {
        %ge3A = arith.constant 1 : i32
        %ge3A_178 = arith.cmpi sge, %add3A_116, %ge3A : i32
        %convert_element_type3A_179 = arith.extui %ge3A_178 : i1 to i32
        %cond3A_180 = arith.constant 0 : i32
        %cond3A_181 = arith.cmpi ne, %convert_element_type3A_179, %cond3A_180 : i32
        scf.if %cond3A_181 {
          %sub3A_188 = arith.constant 1 : i32
          %sub3A_189 = arith.subi %add3A_116, %sub3A_188 : i32
          %mul3A_190 = arith.constant 128 : i32
          %mul3A_191 = arith.muli %sub3A_189, %mul3A_190 : i32
          %dma_wait3A_192 = tpu.memref_slice %arg8[%mul3A_191] : memref<8448xi32, #tpu.memory_space<vmem>> -> memref<128xi32, #tpu.memory_space<vmem>>
          %dma_wait3A_193 = arith.constant 0 : i32
          %dma_wait3A_194 = arith.constant 0 : i32
          %dma_wait3A_195 = tpu.memref_slice %arg13[%dma_wait3A_193, %dma_wait3A_194] : memref<16384x32xf32, #tpu.memory_space<vmem_shared>> -> memref<16384x32xf32, #tpu.memory_space<vmem_shared>>
          tpu.wait_indirect_dma semaphore(%arg22 : memref<!tpu.dma_semaphore, #tpu.memory_space<semaphore_mem>>) src(%arg10 : memref<128x32xf32, #tpu.memory_space<vmem>>) dst(%dma_wait3A_195 : memref<16384x32xf32, #tpu.memory_space<vmem_shared>>)
        } else {
        }
        %mul3A_182 = arith.constant 128 : i32
        %mul3A_183 = arith.muli %sub3A_126, %mul3A_182 : i32
        %dma_start3A_184 = tpu.memref_slice %arg7[%mul3A_183] : memref<8448xi32, #tpu.memory_space<vmem>> -> memref<128xi32, #tpu.memory_space<vmem>>
        %dma_start3A_185 = arith.constant 0 : i32
        %dma_start3A_186 = arith.constant 0 : i32
        %dma_start3A_187 = tpu.memref_slice %arg14[%dma_start3A_185, %dma_start3A_186] : memref<16384x32xf32, #tpu.memory_space<vmem_shared>> -> memref<16384x32xf32, #tpu.memory_space<vmem_shared>>
        tpu.enqueue_indirect_dma source(%dma_start3A_187 : memref<16384x32xf32, #tpu.memory_space<vmem_shared>>) target(%arg10 : memref<128x32xf32, #tpu.memory_space<vmem>>) offsets(%dma_start3A_184 : memref<128xi32, #tpu.memory_space<vmem>>) semaphore(%arg19 : memref<!tpu.dma_semaphore, #tpu.memory_space<semaphore_mem>>)
      } else {
      }
      %scan3A_132 = arith.constant 0 : i32
      %scan3A_133 = arith.constant 0 : i32
      %scan3A_134 = arith.constant 8 : i32
      %scan3A_135 = arith.addi %scan3A_133, %scan3A_134 : i32
      %scan3A_136 = arith.constant 1 : i32
      %scan3A_137 = scf.for %scan3A_178 = %scan3A_133 to %scan3A_135 step %scan3A_136 iter_args(%scan3A_179 = %scan3A_132) -> (i32)  : i32 {
        %mul3A_180 = arith.constant 128 : i32
        %mul3A_181 = arith.muli %add3A_116, %mul3A_180 : i32
        %mul3A_182 = arith.constant 16 : i32
        %mul3A_183 = arith.muli %scan3A_178, %mul3A_182 : i32
        %add3A_184 = arith.addi %mul3A_181, %mul3A_183 : i32
        %get3A = arith.index_cast %add3A_184 : i32 to index
        %get3A_185 = tpu.vector_load %arg9[%get3A] {strides = array<i32>} : memref<8448xf32, #tpu.memory_space<vmem>>, vector<16xf32>,
        %get3A_186 = vector.shape_cast %get3A_185 : vector<16xf32> to vector<16xf32>
        %mul3A_187 = arith.constant 16 : i32
        %mul3A_188 = arith.muli %scan3A_178, %mul3A_187 : i32
        %add3A_189 = arith.constant 0 : i32
        %add3A_190 = arith.addi %mul3A_188, %add3A_189 : i32
        %get3A_191 = arith.index_cast %add3A_190 : i32 to index
        %get3A_192 = arith.constant 0 : index
        %get3A_193 = tpu.vector_load %arg11[%get3A_191, %get3A_192] {strides = array<i32>} : memref<128x32xf32, #tpu.memory_space<vmem>>, vector<1x16xf32>,
        %get3A_194 = vector.shape_cast %get3A_193 : vector<1x16xf32> to vector<16xf32>
        %slice3A = vector.extract_strided_slice %get3A_186 {offsets = [0], sizes = [1], strides = [1]} : vector<16xf32> to vector<1xf32>
        %squeeze3A = vector.extract %slice3A[0] : f32 from vector<1xf32>
        %mul3A_195 = vector.broadcast %squeeze3A : f32 to vector<16xf32>
        %mul3A_196 = arith.mulf %get3A_194, %mul3A_195 : vector<16xf32>
        %swap3A = arith.index_cast %add3A_190 : i32 to index
        %swap3A_197 = arith.constant 0 : index
        %swap3A_198 = tpu.vector_load %arg11[%swap3A, %swap3A_197] {strides = array<i32>} : memref<128x32xf32, #tpu.memory_space<vmem>>, vector<1x16xf32>,
        %swap3A_199 = vector.shape_cast %swap3A_198 : vector<1x16xf32> to vector<16xf32>
        %swap3A_200 = vector.shape_cast %mul3A_196 : vector<16xf32> to vector<1x16xf32>
        tpu.vector_store %arg11[%swap3A, %swap3A_197], %swap3A_200 {strides = array<i32>} : memref<128x32xf32, #tpu.memory_space<vmem>>, vector<1x16xf32>,
        %get3A_201 = arith.index_cast %add3A_190 : i32 to index
        %get3A_202 = arith.constant 16 : index
        %get3A_203 = tpu.vector_load %arg11[%get3A_201, %get3A_202] {strides = array<i32>} : memref<128x32xf32, #tpu.memory_space<vmem>>, vector<1x16xf32>,
        %get3A_204 = vector.shape_cast %get3A_203 : vector<1x16xf32> to vector<16xf32>
        %slice3A_205 = vector.extract_strided_slice %get3A_186 {offsets = [0], sizes = [1], strides = [1]} : vector<16xf32> to vector<1xf32>
        %squeeze3A_206 = vector.extract %slice3A_205[0] : f32 from vector<1xf32>
        %mul3A_207 = vector.broadcast %squeeze3A_206 : f32 to vector<16xf32>
        %mul3A_208 = arith.mulf %get3A_204, %mul3A_207 : vector<16xf32>
        %swap3A_209 = arith.index_cast %add3A_190 : i32 to index
        %swap3A_210 = arith.constant 16 : index
        %swap3A_211 = tpu.vector_load %arg11[%swap3A_209, %swap3A_210] {strides = array<i32>} : memref<128x32xf32, #tpu.memory_space<vmem>>, vector<1x16xf32>,
        %swap3A_212 = vector.shape_cast %swap3A_211 : vector<1x16xf32> to vector<16xf32>
        %swap3A_213 = vector.shape_cast %mul3A_208 : vector<16xf32> to vector<1x16xf32>
        tpu.vector_store %arg11[%swap3A_209, %swap3A_210], %swap3A_213 {strides = array<i32>} : memref<128x32xf32, #tpu.memory_space<vmem>>, vector<1x16xf32>,
        %mul3A_214 = arith.constant 16 : i32
        %mul3A_215 = arith.muli %scan3A_178, %mul3A_214 : i32
        %add3A_216 = arith.constant 1 : i32
        %add3A_217 = arith.addi %mul3A_215, %add3A_216 : i32
        %get3A_218 = arith.index_cast %add3A_217 : i32 to index
        %get3A_219 = arith.constant 0 : index
        %get3A_220 = tpu.vector_load %arg11[%get3A_218, %get3A_219] {strides = array<i32>} : memref<128x32xf32, #tpu.memory_space<vmem>>, vector<1x16xf32>,
        %get3A_221 = vector.shape_cast %get3A_220 : vector<1x16xf32> to vector<16xf32>
        %slice3A_222 = vector.extract_strided_slice %get3A_186 {offsets = [1], sizes = [1], strides = [1]} : vector<16xf32> to vector<1xf32>
        %squeeze3A_223 = vector.extract %slice3A_222[0] : f32 from vector<1xf32>
        %mul3A_224 = vector.broadcast %squeeze3A_223 : f32 to vector<16xf32>
        %mul3A_225 = arith.mulf %get3A_221, %mul3A_224 : vector<16xf32>
        %swap3A_226 = arith.index_cast %add3A_217 : i32 to index
        %swap3A_227 = arith.constant 0 : index
        %swap3A_228 = tpu.vector_load %arg11[%swap3A_226, %swap3A_227] {strides = array<i32>} : memref<128x32xf32, #tpu.memory_space<vmem>>, vector<1x16xf32>,
        %swap3A_229 = vector.shape_cast %swap3A_228 : vector<1x16xf32> to vector<16xf32>
        %swap3A_230 = vector.shape_cast %mul3A_225 : vector<16xf32> to vector<1x16xf32>
        tpu.vector_store %arg11[%swap3A_226, %swap3A_227], %swap3A_230 {strides = array<i32>} : memref<128x32xf32, #tpu.memory_space<vmem>>, vector<1x16xf32>,
        %get3A_231 = arith.index_cast %add3A_217 : i32 to index
        %get3A_232 = arith.constant 16 : index
        %get3A_233 = tpu.vector_load %arg11[%get3A_231, %get3A_232] {strides = array<i32>} : memref<128x32xf32, #tpu.memory_space<vmem>>, vector<1x16xf32>,
        %get3A_234 = vector.shape_cast %get3A_233 : vector<1x16xf32> to vector<16xf32>
        %slice3A_235 = vector.extract_strided_slice %get3A_186 {offsets = [1], sizes = [1], strides = [1]} : vector<16xf32> to vector<1xf32>
        %squeeze3A_236 = vector.extract %slice3A_235[0] : f32 from vector<1xf32>
        %mul3A_237 = vector.broadcast %squeeze3A_236 : f32 to vector<16xf32>
        %mul3A_238 = arith.mulf %get3A_234, %mul3A_237 : vector<16xf32>
        %swap3A_239 = arith.index_cast %add3A_217 : i32 to index
        %swap3A_240 = arith.constant 16 : index
        %swap3A_241 = tpu.vector_load %arg11[%swap3A_239, %swap3A_240] {strides = array<i32>} : memref<128x32xf32, #tpu.memory_space<vmem>>, vector<1x16xf32>,
        %swap3A_242 = vector.shape_cast %swap3A_241 : vector<1x16xf32> to vector<16xf32>
        %swap3A_243 = vector.shape_cast %mul3A_238 : vector<16xf32> to vector<1x16xf32>
        tpu.vector_store %arg11[%swap3A_239, %swap3A_240], %swap3A_243 {strides = array<i32>} : memref<128x32xf32, #tpu.memory_space<vmem>>, vector<1x16xf32>,
        %mul3A_244 = arith.constant 16 : i32
        %mul3A_245 = arith.muli %scan3A_178, %mul3A_244 : i32
        %add3A_246 = arith.constant 2 : i32
        %add3A_247 = arith.addi %mul3A_245, %add3A_246 : i32
        %get3A_248 = arith.index_cast %add3A_247 : i32 to index
        %get3A_249 = arith.constant 0 : index
        %get3A_250 = tpu.vector_load %arg11[%get3A_248, %get3A_249] {strides = array<i32>} : memref<128x32xf32, #tpu.memory_space<vmem>>, vector<1x16xf32>,
        %get3A_251 = vector.shape_cast %get3A_250 : vector<1x16xf32> to vector<16xf32>
        %slice3A_252 = vector.extract_strided_slice %get3A_186 {offsets = [2], sizes = [1], strides = [1]} : vector<16xf32> to vector<1xf32>
        %squeeze3A_253 = vector.extract %slice3A_252[0] : f32 from vector<1xf32>
        %mul3A_254 = vector.broadcast %squeeze3A_253 : f32 to vector<16xf32>
        %mul3A_255 = arith.mulf %get3A_251, %mul3A_254 : vector<16xf32>
        %swap3A_256 = arith.index_cast %add3A_247 : i32 to index
        %swap3A_257 = arith.constant 0 : index
        %swap3A_258 = tpu.vector_load %arg11[%swap3A_256, %swap3A_257] {strides = array<i32>} : memref<128x32xf32, #tpu.memory_space<vmem>>, vector<1x16xf32>,
        %swap3A_259 = vector.shape_cast %swap3A_258 : vector<1x16xf32> to vector<16xf32>
        %swap3A_260 = vector.shape_cast %mul3A_255 : vector<16xf32> to vector<1x16xf32>
        tpu.vector_store %arg11[%swap3A_256, %swap3A_257], %swap3A_260 {strides = array<i32>} : memref<128x32xf32, #tpu.memory_space<vmem>>, vector<1x16xf32>,
        %get3A_261 = arith.index_cast %add3A_247 : i32 to index
        %get3A_262 = arith.constant 16 : index
        %get3A_263 = tpu.vector_load %arg11[%get3A_261, %get3A_262] {strides = array<i32>} : memref<128x32xf32, #tpu.memory_space<vmem>>, vector<1x16xf32>,
        %get3A_264 = vector.shape_cast %get3A_263 : vector<1x16xf32> to vector<16xf32>
        %slice3A_265 = vector.extract_strided_slice %get3A_186 {offsets = [2], sizes = [1], strides = [1]} : vector<16xf32> to vector<1xf32>
        %squeeze3A_266 = vector.extract %slice3A_265[0] : f32 from vector<1xf32>
        %mul3A_267 = vector.broadcast %squeeze3A_266 : f32 to vector<16xf32>
        %mul3A_268 = arith.mulf %get3A_264, %mul3A_267 : vector<16xf32>
        %swap3A_269 = arith.index_cast %add3A_247 : i32 to index
        %swap3A_270 = arith.constant 16 : index
        %swap3A_271 = tpu.vector_load %arg11[%swap3A_269, %swap3A_270] {strides = array<i32>} : memref<128x32xf32, #tpu.memory_space<vmem>>, vector<1x16xf32>,
        %swap3A_272 = vector.shape_cast %swap3A_271 : vector<1x16xf32> to vector<16xf32>
        %swap3A_273 = vector.shape_cast %mul3A_268 : vector<16xf32> to vector<1x16xf32>
        tpu.vector_store %arg11[%swap3A_269, %swap3A_270], %swap3A_273 {strides = array<i32>} : memref<128x32xf32, #tpu.memory_space<vmem>>, vector<1x16xf32>,
        %mul3A_274 = arith.constant 16 : i32
        %mul3A_275 = arith.muli %scan3A_178, %mul3A_274 : i32
        %add3A_276 = arith.constant 3 : i32
        %add3A_277 = arith.addi %mul3A_275, %add3A_276 : i32
        %get3A_278 = arith.index_cast %add3A_277 : i32 to index
        %get3A_279 = arith.constant 0 : index
        %get3A_280 = tpu.vector_load %arg11[%get3A_278, %get3A_279] {strides = array<i32>} : memref<128x32xf32, #tpu.memory_space<vmem>>, vector<1x16xf32>,
        %get3A_281 = vector.shape_cast %get3A_280 : vector<1x16xf32> to vector<16xf32>
        %slice3A_282 = vector.extract_strided_slice %get3A_186 {offsets = [3], sizes = [1], strides = [1]} : vector<16xf32> to vector<1xf32>
        %squeeze3A_283 = vector.extract %slice3A_282[0] : f32 from vector<1xf32>
        %mul3A_284 = vector.broadcast %squeeze3A_283 : f32 to vector<16xf32>
        %mul3A_285 = arith.mulf %get3A_281, %mul3A_284 : vector<16xf32>
        %swap3A_286 = arith.index_cast %add3A_277 : i32 to index
        %swap3A_287 = arith.constant 0 : index
        %swap3A_288 = tpu.vector_load %arg11[%swap3A_286, %swap3A_287] {strides = array<i32>} : memref<128x32xf32, #tpu.memory_space<vmem>>, vector<1x16xf32>,
        %swap3A_289 = vector.shape_cast %swap3A_288 : vector<1x16xf32> to vector<16xf32>
        %swap3A_290 = vector.shape_cast %mul3A_285 : vector<16xf32> to vector<1x16xf32>
        tpu.vector_store %arg11[%swap3A_286, %swap3A_287], %swap3A_290 {strides = array<i32>} : memref<128x32xf32, #tpu.memory_space<vmem>>, vector<1x16xf32>,
        %get3A_291 = arith.index_cast %add3A_277 : i32 to index
        %get3A_292 = arith.constant 16 : index
        %get3A_293 = tpu.vector_load %arg11[%get3A_291, %get3A_292] {strides = array<i32>} : memref<128x32xf32, #tpu.memory_space<vmem>>, vector<1x16xf32>,
        %get3A_294 = vector.shape_cast %get3A_293 : vector<1x16xf32> to vector<16xf32>
        %slice3A_295 = vector.extract_strided_slice %get3A_186 {offsets = [3], sizes = [1], strides = [1]} : vector<16xf32> to vector<1xf32>
        %squeeze3A_296 = vector.extract %slice3A_295[0] : f32 from vector<1xf32>
        %mul3A_297 = vector.broadcast %squeeze3A_296 : f32 to vector<16xf32>
        %mul3A_298 = arith.mulf %get3A_294, %mul3A_297 : vector<16xf32>
        %swap3A_299 = arith.index_cast %add3A_277 : i32 to index
        %swap3A_300 = arith.constant 16 : index
        %swap3A_301 = tpu.vector_load %arg11[%swap3A_299, %swap3A_300] {strides = array<i32>} : memref<128x32xf32, #tpu.memory_space<vmem>>, vector<1x16xf32>,
        %swap3A_302 = vector.shape_cast %swap3A_301 : vector<1x16xf32> to vector<16xf32>
        %swap3A_303 = vector.shape_cast %mul3A_298 : vector<16xf32> to vector<1x16xf32>
        tpu.vector_store %arg11[%swap3A_299, %swap3A_300], %swap3A_303 {strides = array<i32>} : memref<128x32xf32, #tpu.memory_space<vmem>>, vector<1x16xf32>,
        %mul3A_304 = arith.constant 16 : i32
        %mul3A_305 = arith.muli %scan3A_178, %mul3A_304 : i32
        %add3A_306 = arith.constant 4 : i32
        %add3A_307 = arith.addi %mul3A_305, %add3A_306 : i32
        %get3A_308 = arith.index_cast %add3A_307 : i32 to index
        %get3A_309 = arith.constant 0 : index
        %get3A_310 = tpu.vector_load %arg11[%get3A_308, %get3A_309] {strides = array<i32>} : memref<128x32xf32, #tpu.memory_space<vmem>>, vector<1x16xf32>,
        %get3A_311 = vector.shape_cast %get3A_310 : vector<1x16xf32> to vector<16xf32>
        %slice3A_312 = vector.extract_strided_slice %get3A_186 {offsets = [4], sizes = [1], strides = [1]} : vector<16xf32> to vector<1xf32>
        %squeeze3A_313 = vector.extract %slice3A_312[0] : f32 from vector<1xf32>
        %mul3A_314 = vector.broadcast %squeeze3A_313 : f32 to vector<16xf32>
        %mul3A_315 = arith.mulf %get3A_311, %mul3A_314 : vector<16xf32>
        %swap3A_316 = arith.index_cast %add3A_307 : i32 to index
        %swap3A_317 = arith.constant 0 : index
        %swap3A_318 = tpu.vector_load %arg11[%swap3A_316, %swap3A_317] {strides = array<i32>} : memref<128x32xf32, #tpu.memory_space<vmem>>, vector<1x16xf32>,
        %swap3A_319 = vector.shape_cast %swap3A_318 : vector<1x16xf32> to vector<16xf32>
        %swap3A_320 = vector.shape_cast %mul3A_315 : vector<16xf32> to vector<1x16xf32>
        tpu.vector_store %arg11[%swap3A_316, %swap3A_317], %swap3A_320 {strides = array<i32>} : memref<128x32xf32, #tpu.memory_space<vmem>>, vector<1x16xf32>,
        %get3A_321 = arith.index_cast %add3A_307 : i32 to index
        %get3A_322 = arith.constant 16 : index
        %get3A_323 = tpu.vector_load %arg11[%get3A_321, %get3A_322] {strides = array<i32>} : memref<128x32xf32, #tpu.memory_space<vmem>>, vector<1x16xf32>,
        %get3A_324 = vector.shape_cast %get3A_323 : vector<1x16xf32> to vector<16xf32>
        %slice3A_325 = vector.extract_strided_slice %get3A_186 {offsets = [4], sizes = [1], strides = [1]} : vector<16xf32> to vector<1xf32>
        %squeeze3A_326 = vector.extract %slice3A_325[0] : f32 from vector<1xf32>
        %mul3A_327 = vector.broadcast %squeeze3A_326 : f32 to vector<16xf32>
        %mul3A_328 = arith.mulf %get3A_324, %mul3A_327 : vector<16xf32>
        %swap3A_329 = arith.index_cast %add3A_307 : i32 to index
        %swap3A_330 = arith.constant 16 : index
        %swap3A_331 = tpu.vector_load %arg11[%swap3A_329, %swap3A_330] {strides = array<i32>} : memref<128x32xf32, #tpu.memory_space<vmem>>, vector<1x16xf32>,
        %swap3A_332 = vector.shape_cast %swap3A_331 : vector<1x16xf32> to vector<16xf32>
        %swap3A_333 = vector.shape_cast %mul3A_328 : vector<16xf32> to vector<1x16xf32>
        tpu.vector_store %arg11[%swap3A_329, %swap3A_330], %swap3A_333 {strides = array<i32>} : memref<128x32xf32, #tpu.memory_space<vmem>>, vector<1x16xf32>,
        %mul3A_334 = arith.constant 16 : i32
        %mul3A_335 = arith.muli %scan3A_178, %mul3A_334 : i32
        %add3A_336 = arith.constant 5 : i32
        %add3A_337 = arith.addi %mul3A_335, %add3A_336 : i32
        %get3A_338 = arith.index_cast %add3A_337 : i32 to index
        %get3A_339 = arith.constant 0 : index
        %get3A_340 = tpu.vector_load %arg11[%get3A_338, %get3A_339] {strides = array<i32>} : memref<128x32xf32, #tpu.memory_space<vmem>>, vector<1x16xf32>,
        %get3A_341 = vector.shape_cast %get3A_340 : vector<1x16xf32> to vector<16xf32>
        %slice3A_342 = vector.extract_strided_slice %get3A_186 {offsets = [5], sizes = [1], strides = [1]} : vector<16xf32> to vector<1xf32>
        %squeeze3A_343 = vector.extract %slice3A_342[0] : f32 from vector<1xf32>
        %mul3A_344 = vector.broadcast %squeeze3A_343 : f32 to vector<16xf32>
        %mul3A_345 = arith.mulf %get3A_341, %mul3A_344 : vector<16xf32>
        %swap3A_346 = arith.index_cast %add3A_337 : i32 to index
        %swap3A_347 = arith.constant 0 : index
        %swap3A_348 = tpu.vector_load %arg11[%swap3A_346, %swap3A_347] {strides = array<i32>} : memref<128x32xf32, #tpu.memory_space<vmem>>, vector<1x16xf32>,
        %swap3A_349 = vector.shape_cast %swap3A_348 : vector<1x16xf32> to vector<16xf32>
        %swap3A_350 = vector.shape_cast %mul3A_345 : vector<16xf32> to vector<1x16xf32>
        tpu.vector_store %arg11[%swap3A_346, %swap3A_347], %swap3A_350 {strides = array<i32>} : memref<128x32xf32, #tpu.memory_space<vmem>>, vector<1x16xf32>,
        %get3A_351 = arith.index_cast %add3A_337 : i32 to index
        %get3A_352 = arith.constant 16 : index
        %get3A_353 = tpu.vector_load %arg11[%get3A_351, %get3A_352] {strides = array<i32>} : memref<128x32xf32, #tpu.memory_space<vmem>>, vector<1x16xf32>,
        %get3A_354 = vector.shape_cast %get3A_353 : vector<1x16xf32> to vector<16xf32>
        %slice3A_355 = vector.extract_strided_slice %get3A_186 {offsets = [5], sizes = [1], strides = [1]} : vector<16xf32> to vector<1xf32>
        %squeeze3A_356 = vector.extract %slice3A_355[0] : f32 from vector<1xf32>
        %mul3A_357 = vector.broadcast %squeeze3A_356 : f32 to vector<16xf32>
        %mul3A_358 = arith.mulf %get3A_354, %mul3A_357 : vector<16xf32>
        %swap3A_359 = arith.index_cast %add3A_337 : i32 to index
        %swap3A_360 = arith.constant 16 : index
        %swap3A_361 = tpu.vector_load %arg11[%swap3A_359, %swap3A_360] {strides = array<i32>} : memref<128x32xf32, #tpu.memory_space<vmem>>, vector<1x16xf32>,
        %swap3A_362 = vector.shape_cast %swap3A_361 : vector<1x16xf32> to vector<16xf32>
        %swap3A_363 = vector.shape_cast %mul3A_358 : vector<16xf32> to vector<1x16xf32>
        tpu.vector_store %arg11[%swap3A_359, %swap3A_360], %swap3A_363 {strides = array<i32>} : memref<128x32xf32, #tpu.memory_space<vmem>>, vector<1x16xf32>,
        %mul3A_364 = arith.constant 16 : i32
        %mul3A_365 = arith.muli %scan3A_178, %mul3A_364 : i32
        %add3A_366 = arith.constant 6 : i32
        %add3A_367 = arith.addi %mul3A_365, %add3A_366 : i32
        %get3A_368 = arith.index_cast %add3A_367 : i32 to index
        %get3A_369 = arith.constant 0 : index
        %get3A_370 = tpu.vector_load %arg11[%get3A_368, %get3A_369] {strides = array<i32>} : memref<128x32xf32, #tpu.memory_space<vmem>>, vector<1x16xf32>,
        %get3A_371 = vector.shape_cast %get3A_370 : vector<1x16xf32> to vector<16xf32>
        %slice3A_372 = vector.extract_strided_slice %get3A_186 {offsets = [6], sizes = [1], strides = [1]} : vector<16xf32> to vector<1xf32>
        %squeeze3A_373 = vector.extract %slice3A_372[0] : f32 from vector<1xf32>
        %mul3A_374 = vector.broadcast %squeeze3A_373 : f32 to vector<16xf32>
        %mul3A_375 = arith.mulf %get3A_371, %mul3A_374 : vector<16xf32>
        %swap3A_376 = arith.index_cast %add3A_367 : i32 to index
        %swap3A_377 = arith.constant 0 : index
        %swap3A_378 = tpu.vector_load %arg11[%swap3A_376, %swap3A_377] {strides = array<i32>} : memref<128x32xf32, #tpu.memory_space<vmem>>, vector<1x16xf32>,
        %swap3A_379 = vector.shape_cast %swap3A_378 : vector<1x16xf32> to vector<16xf32>
        %swap3A_380 = vector.shape_cast %mul3A_375 : vector<16xf32> to vector<1x16xf32>
        tpu.vector_store %arg11[%swap3A_376, %swap3A_377], %swap3A_380 {strides = array<i32>} : memref<128x32xf32, #tpu.memory_space<vmem>>, vector<1x16xf32>,
        %get3A_381 = arith.index_cast %add3A_367 : i32 to index
        %get3A_382 = arith.constant 16 : index
        %get3A_383 = tpu.vector_load %arg11[%get3A_381, %get3A_382] {strides = array<i32>} : memref<128x32xf32, #tpu.memory_space<vmem>>, vector<1x16xf32>,
        %get3A_384 = vector.shape_cast %get3A_383 : vector<1x16xf32> to vector<16xf32>
        %slice3A_385 = vector.extract_strided_slice %get3A_186 {offsets = [6], sizes = [1], strides = [1]} : vector<16xf32> to vector<1xf32>
        %squeeze3A_386 = vector.extract %slice3A_385[0] : f32 from vector<1xf32>
        %mul3A_387 = vector.broadcast %squeeze3A_386 : f32 to vector<16xf32>
        %mul3A_388 = arith.mulf %get3A_384, %mul3A_387 : vector<16xf32>
        %swap3A_389 = arith.index_cast %add3A_367 : i32 to index
        %swap3A_390 = arith.constant 16 : index
        %swap3A_391 = tpu.vector_load %arg11[%swap3A_389, %swap3A_390] {strides = array<i32>} : memref<128x32xf32, #tpu.memory_space<vmem>>, vector<1x16xf32>,
        %swap3A_392 = vector.shape_cast %swap3A_391 : vector<1x16xf32> to vector<16xf32>
        %swap3A_393 = vector.shape_cast %mul3A_388 : vector<16xf32> to vector<1x16xf32>
        tpu.vector_store %arg11[%swap3A_389, %swap3A_390], %swap3A_393 {strides = array<i32>} : memref<128x32xf32, #tpu.memory_space<vmem>>, vector<1x16xf32>,
        %mul3A_394 = arith.constant 16 : i32
        %mul3A_395 = arith.muli %scan3A_178, %mul3A_394 : i32
        %add3A_396 = arith.constant 7 : i32
        %add3A_397 = arith.addi %mul3A_395, %add3A_396 : i32
        %get3A_398 = arith.index_cast %add3A_397 : i32 to index
        %get3A_399 = arith.constant 0 : index
        %get3A_400 = tpu.vector_load %arg11[%get3A_398, %get3A_399] {strides = array<i32>} : memref<128x32xf32, #tpu.memory_space<vmem>>, vector<1x16xf32>,
        %get3A_401 = vector.shape_cast %get3A_400 : vector<1x16xf32> to vector<16xf32>
        %slice3A_402 = vector.extract_strided_slice %get3A_186 {offsets = [7], sizes = [1], strides = [1]} : vector<16xf32> to vector<1xf32>
        %squeeze3A_403 = vector.extract %slice3A_402[0] : f32 from vector<1xf32>
        %mul3A_404 = vector.broadcast %squeeze3A_403 : f32 to vector<16xf32>
        %mul3A_405 = arith.mulf %get3A_401, %mul3A_404 : vector<16xf32>
        %swap3A_406 = arith.index_cast %add3A_397 : i32 to index
        %swap3A_407 = arith.constant 0 : index
        %swap3A_408 = tpu.vector_load %arg11[%swap3A_406, %swap3A_407] {strides = array<i32>} : memref<128x32xf32, #tpu.memory_space<vmem>>, vector<1x16xf32>,
        %swap3A_409 = vector.shape_cast %swap3A_408 : vector<1x16xf32> to vector<16xf32>
        %swap3A_410 = vector.shape_cast %mul3A_405 : vector<16xf32> to vector<1x16xf32>
        tpu.vector_store %arg11[%swap3A_406, %swap3A_407], %swap3A_410 {strides = array<i32>} : memref<128x32xf32, #tpu.memory_space<vmem>>, vector<1x16xf32>,
        %get3A_411 = arith.index_cast %add3A_397 : i32 to index
        %get3A_412 = arith.constant 16 : index
        %get3A_413 = tpu.vector_load %arg11[%get3A_411, %get3A_412] {strides = array<i32>} : memref<128x32xf32, #tpu.memory_space<vmem>>, vector<1x16xf32>,
        %get3A_414 = vector.shape_cast %get3A_413 : vector<1x16xf32> to vector<16xf32>
        %slice3A_415 = vector.extract_strided_slice %get3A_186 {offsets = [7], sizes = [1], strides = [1]} : vector<16xf32> to vector<1xf32>
        %squeeze3A_416 = vector.extract %slice3A_415[0] : f32 from vector<1xf32>
        %mul3A_417 = vector.broadcast %squeeze3A_416 : f32 to vector<16xf32>
        %mul3A_418 = arith.mulf %get3A_414, %mul3A_417 : vector<16xf32>
        %swap3A_419 = arith.index_cast %add3A_397 : i32 to index
        %swap3A_420 = arith.constant 16 : index
        %swap3A_421 = tpu.vector_load %arg11[%swap3A_419, %swap3A_420] {strides = array<i32>} : memref<128x32xf32, #tpu.memory_space<vmem>>, vector<1x16xf32>,
        %swap3A_422 = vector.shape_cast %swap3A_421 : vector<1x16xf32> to vector<16xf32>
        %swap3A_423 = vector.shape_cast %mul3A_418 : vector<16xf32> to vector<1x16xf32>
        tpu.vector_store %arg11[%swap3A_419, %swap3A_420], %swap3A_423 {strides = array<i32>} : memref<128x32xf32, #tpu.memory_space<vmem>>, vector<1x16xf32>,
        %mul3A_424 = arith.constant 16 : i32
        %mul3A_425 = arith.muli %scan3A_178, %mul3A_424 : i32
        %add3A_426 = arith.constant 8 : i32
        %add3A_427 = arith.addi %mul3A_425, %add3A_426 : i32
        %get3A_428 = arith.index_cast %add3A_427 : i32 to index
        %get3A_429 = arith.constant 0 : index
        %get3A_430 = tpu.vector_load %arg11[%get3A_428, %get3A_429] {strides = array<i32>} : memref<128x32xf32, #tpu.memory_space<vmem>>, vector<1x16xf32>,
        %get3A_431 = vector.shape_cast %get3A_430 : vector<1x16xf32> to vector<16xf32>
        %slice3A_432 = vector.extract_strided_slice %get3A_186 {offsets = [8], sizes = [1], strides = [1]} : vector<16xf32> to vector<1xf32>
        %squeeze3A_433 = vector.extract %slice3A_432[0] : f32 from vector<1xf32>
        %mul3A_434 = vector.broadcast %squeeze3A_433 : f32 to vector<16xf32>
        %mul3A_435 = arith.mulf %get3A_431, %mul3A_434 : vector<16xf32>
        %swap3A_436 = arith.index_cast %add3A_427 : i32 to index
        %swap3A_437 = arith.constant 0 : index
        %swap3A_438 = tpu.vector_load %arg11[%swap3A_436, %swap3A_437] {strides = array<i32>} : memref<128x32xf32, #tpu.memory_space<vmem>>, vector<1x16xf32>,
        %swap3A_439 = vector.shape_cast %swap3A_438 : vector<1x16xf32> to vector<16xf32>
        %swap3A_440 = vector.shape_cast %mul3A_435 : vector<16xf32> to vector<1x16xf32>
        tpu.vector_store %arg11[%swap3A_436, %swap3A_437], %swap3A_440 {strides = array<i32>} : memref<128x32xf32, #tpu.memory_space<vmem>>, vector<1x16xf32>,
        %get3A_441 = arith.index_cast %add3A_427 : i32 to index
        %get3A_442 = arith.constant 16 : index
        %get3A_443 = tpu.vector_load %arg11[%get3A_441, %get3A_442] {strides = array<i32>} : memref<128x32xf32, #tpu.memory_space<vmem>>, vector<1x16xf32>,
        %get3A_444 = vector.shape_cast %get3A_443 : vector<1x16xf32> to vector<16xf32>
        %slice3A_445 = vector.extract_strided_slice %get3A_186 {offsets = [8], sizes = [1], strides = [1]} : vector<16xf32> to vector<1xf32>
        %squeeze3A_446 = vector.extract %slice3A_445[0] : f32 from vector<1xf32>
        %mul3A_447 = vector.broadcast %squeeze3A_446 : f32 to vector<16xf32>
        %mul3A_448 = arith.mulf %get3A_444, %mul3A_447 : vector<16xf32>
        %swap3A_449 = arith.index_cast %add3A_427 : i32 to index
        %swap3A_450 = arith.constant 16 : index
        %swap3A_451 = tpu.vector_load %arg11[%swap3A_449, %swap3A_450] {strides = array<i32>} : memref<128x32xf32, #tpu.memory_space<vmem>>, vector<1x16xf32>,
        %swap3A_452 = vector.shape_cast %swap3A_451 : vector<1x16xf32> to vector<16xf32>
        %swap3A_453 = vector.shape_cast %mul3A_448 : vector<16xf32> to vector<1x16xf32>
        tpu.vector_store %arg11[%swap3A_449, %swap3A_450], %swap3A_453 {strides = array<i32>} : memref<128x32xf32, #tpu.memory_space<vmem>>, vector<1x16xf32>,
        %mul3A_454 = arith.constant 16 : i32
        %mul3A_455 = arith.muli %scan3A_178, %mul3A_454 : i32
        %add3A_456 = arith.constant 9 : i32
        %add3A_457 = arith.addi %mul3A_455, %add3A_456 : i32
        %get3A_458 = arith.index_cast %add3A_457 : i32 to index
        %get3A_459 = arith.constant 0 : index
        %get3A_460 = tpu.vector_load %arg11[%get3A_458, %get3A_459] {strides = array<i32>} : memref<128x32xf32, #tpu.memory_space<vmem>>, vector<1x16xf32>,
        %get3A_461 = vector.shape_cast %get3A_460 : vector<1x16xf32> to vector<16xf32>
        %slice3A_462 = vector.extract_strided_slice %get3A_186 {offsets = [9], sizes = [1], strides = [1]} : vector<16xf32> to vector<1xf32>
        %squeeze3A_463 = vector.extract %slice3A_462[0] : f32 from vector<1xf32>
        %mul3A_464 = vector.broadcast %squeeze3A_463 : f32 to vector<16xf32>
        %mul3A_465 = arith.mulf %get3A_461, %mul3A_464 : vector<16xf32>
        %swap3A_466 = arith.index_cast %add3A_457 : i32 to index
        %swap3A_467 = arith.constant 0 : index
        %swap3A_468 = tpu.vector_load %arg11[%swap3A_466, %swap3A_467] {strides = array<i32>} : memref<128x32xf32, #tpu.memory_space<vmem>>, vector<1x16xf32>,
        %swap3A_469 = vector.shape_cast %swap3A_468 : vector<1x16xf32> to vector<16xf32>
        %swap3A_470 = vector.shape_cast %mul3A_465 : vector<16xf32> to vector<1x16xf32>
        tpu.vector_store %arg11[%swap3A_466, %swap3A_467], %swap3A_470 {strides = array<i32>} : memref<128x32xf32, #tpu.memory_space<vmem>>, vector<1x16xf32>,
        %get3A_471 = arith.index_cast %add3A_457 : i32 to index
        %get3A_472 = arith.constant 16 : index
        %get3A_473 = tpu.vector_load %arg11[%get3A_471, %get3A_472] {strides = array<i32>} : memref<128x32xf32, #tpu.memory_space<vmem>>, vector<1x16xf32>,
        %get3A_474 = vector.shape_cast %get3A_473 : vector<1x16xf32> to vector<16xf32>
        %slice3A_475 = vector.extract_strided_slice %get3A_186 {offsets = [9], sizes = [1], strides = [1]} : vector<16xf32> to vector<1xf32>
        %squeeze3A_476 = vector.extract %slice3A_475[0] : f32 from vector<1xf32>
        %mul3A_477 = vector.broadcast %squeeze3A_476 : f32 to vector<16xf32>
        %mul3A_478 = arith.mulf %get3A_474, %mul3A_477 : vector<16xf32>
        %swap3A_479 = arith.index_cast %add3A_457 : i32 to index
        %swap3A_480 = arith.constant 16 : index
        %swap3A_481 = tpu.vector_load %arg11[%swap3A_479, %swap3A_480] {strides = array<i32>} : memref<128x32xf32, #tpu.memory_space<vmem>>, vector<1x16xf32>,
        %swap3A_482 = vector.shape_cast %swap3A_481 : vector<1x16xf32> to vector<16xf32>
        %swap3A_483 = vector.shape_cast %mul3A_478 : vector<16xf32> to vector<1x16xf32>
        tpu.vector_store %arg11[%swap3A_479, %swap3A_480], %swap3A_483 {strides = array<i32>} : memref<128x32xf32, #tpu.memory_space<vmem>>, vector<1x16xf32>,
        %mul3A_484 = arith.constant 16 : i32
        %mul3A_485 = arith.muli %scan3A_178, %mul3A_484 : i32
        %add3A_486 = arith.constant 10 : i32
        %add3A_487 = arith.addi %mul3A_485, %add3A_486 : i32
        %get3A_488 = arith.index_cast %add3A_487 : i32 to index
        %get3A_489 = arith.constant 0 : index
        %get3A_490 = tpu.vector_load %arg11[%get3A_488, %get3A_489] {strides = array<i32>} : memref<128x32xf32, #tpu.memory_space<vmem>>, vector<1x16xf32>,
        %get3A_491 = vector.shape_cast %get3A_490 : vector<1x16xf32> to vector<16xf32>
        %slice3A_492 = vector.extract_strided_slice %get3A_186 {offsets = [10], sizes = [1], strides = [1]} : vector<16xf32> to vector<1xf32>
        %squeeze3A_493 = vector.extract %slice3A_492[0] : f32 from vector<1xf32>
        %mul3A_494 = vector.broadcast %squeeze3A_493 : f32 to vector<16xf32>
        %mul3A_495 = arith.mulf %get3A_491, %mul3A_494 : vector<16xf32>
        %swap3A_496 = arith.index_cast %add3A_487 : i32 to index
        %swap3A_497 = arith.constant 0 : index
        %swap3A_498 = tpu.vector_load %arg11[%swap3A_496, %swap3A_497] {strides = array<i32>} : memref<128x32xf32, #tpu.memory_space<vmem>>, vector<1x16xf32>,
        %swap3A_499 = vector.shape_cast %swap3A_498 : vector<1x16xf32> to vector<16xf32>
        %swap3A_500 = vector.shape_cast %mul3A_495 : vector<16xf32> to vector<1x16xf32>
        tpu.vector_store %arg11[%swap3A_496, %swap3A_497], %swap3A_500 {strides = array<i32>} : memref<128x32xf32, #tpu.memory_space<vmem>>, vector<1x16xf32>,
        %get3A_501 = arith.index_cast %add3A_487 : i32 to index
        %get3A_502 = arith.constant 16 : index
        %get3A_503 = tpu.vector_load %arg11[%get3A_501, %get3A_502] {strides = array<i32>} : memref<128x32xf32, #tpu.memory_space<vmem>>, vector<1x16xf32>,
        %get3A_504 = vector.shape_cast %get3A_503 : vector<1x16xf32> to vector<16xf32>
        %slice3A_505 = vector.extract_strided_slice %get3A_186 {offsets = [10], sizes = [1], strides = [1]} : vector<16xf32> to vector<1xf32>
        %squeeze3A_506 = vector.extract %slice3A_505[0] : f32 from vector<1xf32>
        %mul3A_507 = vector.broadcast %squeeze3A_506 : f32 to vector<16xf32>
        %mul3A_508 = arith.mulf %get3A_504, %mul3A_507 : vector<16xf32>
        %swap3A_509 = arith.index_cast %add3A_487 : i32 to index
        %swap3A_510 = arith.constant 16 : index
        %swap3A_511 = tpu.vector_load %arg11[%swap3A_509, %swap3A_510] {strides = array<i32>} : memref<128x32xf32, #tpu.memory_space<vmem>>, vector<1x16xf32>,
        %swap3A_512 = vector.shape_cast %swap3A_511 : vector<1x16xf32> to vector<16xf32>
        %swap3A_513 = vector.shape_cast %mul3A_508 : vector<16xf32> to vector<1x16xf32>
        tpu.vector_store %arg11[%swap3A_509, %swap3A_510], %swap3A_513 {strides = array<i32>} : memref<128x32xf32, #tpu.memory_space<vmem>>, vector<1x16xf32>,
        %mul3A_514 = arith.constant 16 : i32
        %mul3A_515 = arith.muli %scan3A_178, %mul3A_514 : i32
        %add3A_516 = arith.constant 11 : i32
        %add3A_517 = arith.addi %mul3A_515, %add3A_516 : i32
        %get3A_518 = arith.index_cast %add3A_517 : i32 to index
        %get3A_519 = arith.constant 0 : index
        %get3A_520 = tpu.vector_load %arg11[%get3A_518, %get3A_519] {strides = array<i32>} : memref<128x32xf32, #tpu.memory_space<vmem>>, vector<1x16xf32>,
        %get3A_521 = vector.shape_cast %get3A_520 : vector<1x16xf32> to vector<16xf32>
        %slice3A_522 = vector.extract_strided_slice %get3A_186 {offsets = [11], sizes = [1], strides = [1]} : vector<16xf32> to vector<1xf32>
        %squeeze3A_523 = vector.extract %slice3A_522[0] : f32 from vector<1xf32>
        %mul3A_524 = vector.broadcast %squeeze3A_523 : f32 to vector<16xf32>
        %mul3A_525 = arith.mulf %get3A_521, %mul3A_524 : vector<16xf32>
        %swap3A_526 = arith.index_cast %add3A_517 : i32 to index
        %swap3A_527 = arith.constant 0 : index
        %swap3A_528 = tpu.vector_load %arg11[%swap3A_526, %swap3A_527] {strides = array<i32>} : memref<128x32xf32, #tpu.memory_space<vmem>>, vector<1x16xf32>,
        %swap3A_529 = vector.shape_cast %swap3A_528 : vector<1x16xf32> to vector<16xf32>
        %swap3A_530 = vector.shape_cast %mul3A_525 : vector<16xf32> to vector<1x16xf32>
        tpu.vector_store %arg11[%swap3A_526, %swap3A_527], %swap3A_530 {strides = array<i32>} : memref<128x32xf32, #tpu.memory_space<vmem>>, vector<1x16xf32>,
        %get3A_531 = arith.index_cast %add3A_517 : i32 to index
        %get3A_532 = arith.constant 16 : index
        %get3A_533 = tpu.vector_load %arg11[%get3A_531, %get3A_532] {strides = array<i32>} : memref<128x32xf32, #tpu.memory_space<vmem>>, vector<1x16xf32>,
        %get3A_534 = vector.shape_cast %get3A_533 : vector<1x16xf32> to vector<16xf32>
        %slice3A_535 = vector.extract_strided_slice %get3A_186 {offsets = [11], sizes = [1], strides = [1]} : vector<16xf32> to vector<1xf32>
        %squeeze3A_536 = vector.extract %slice3A_535[0] : f32 from vector<1xf32>
        %mul3A_537 = vector.broadcast %squeeze3A_536 : f32 to vector<16xf32>
        %mul3A_538 = arith.mulf %get3A_534, %mul3A_537 : vector<16xf32>
        %swap3A_539 = arith.index_cast %add3A_517 : i32 to index
        %swap3A_540 = arith.constant 16 : index
        %swap3A_541 = tpu.vector_load %arg11[%swap3A_539, %swap3A_540] {strides = array<i32>} : memref<128x32xf32, #tpu.memory_space<vmem>>, vector<1x16xf32>,
        %swap3A_542 = vector.shape_cast %swap3A_541 : vector<1x16xf32> to vector<16xf32>
        %swap3A_543 = vector.shape_cast %mul3A_538 : vector<16xf32> to vector<1x16xf32>
        tpu.vector_store %arg11[%swap3A_539, %swap3A_540], %swap3A_543 {strides = array<i32>} : memref<128x32xf32, #tpu.memory_space<vmem>>, vector<1x16xf32>,
        %mul3A_544 = arith.constant 16 : i32
        %mul3A_545 = arith.muli %scan3A_178, %mul3A_544 : i32
        %add3A_546 = arith.constant 12 : i32
        %add3A_547 = arith.addi %mul3A_545, %add3A_546 : i32
        %get3A_548 = arith.index_cast %add3A_547 : i32 to index
        %get3A_549 = arith.constant 0 : index
        %get3A_550 = tpu.vector_load %arg11[%get3A_548, %get3A_549] {strides = array<i32>} : memref<128x32xf32, #tpu.memory_space<vmem>>, vector<1x16xf32>,
        %get3A_551 = vector.shape_cast %get3A_550 : vector<1x16xf32> to vector<16xf32>
        %slice3A_552 = vector.extract_strided_slice %get3A_186 {offsets = [12], sizes = [1], strides = [1]} : vector<16xf32> to vector<1xf32>
        %squeeze3A_553 = vector.extract %slice3A_552[0] : f32 from vector<1xf32>
        %mul3A_554 = vector.broadcast %squeeze3A_553 : f32 to vector<16xf32>
        %mul3A_555 = arith.mulf %get3A_551, %mul3A_554 : vector<16xf32>
        %swap3A_556 = arith.index_cast %add3A_547 : i32 to index
        %swap3A_557 = arith.constant 0 : index
        %swap3A_558 = tpu.vector_load %arg11[%swap3A_556, %swap3A_557] {strides = array<i32>} : memref<128x32xf32, #tpu.memory_space<vmem>>, vector<1x16xf32>,
        %swap3A_559 = vector.shape_cast %swap3A_558 : vector<1x16xf32> to vector<16xf32>
        %swap3A_560 = vector.shape_cast %mul3A_555 : vector<16xf32> to vector<1x16xf32>
        tpu.vector_store %arg11[%swap3A_556, %swap3A_557], %swap3A_560 {strides = array<i32>} : memref<128x32xf32, #tpu.memory_space<vmem>>, vector<1x16xf32>,
        %get3A_561 = arith.index_cast %add3A_547 : i32 to index
        %get3A_562 = arith.constant 16 : index
        %get3A_563 = tpu.vector_load %arg11[%get3A_561, %get3A_562] {strides = array<i32>} : memref<128x32xf32, #tpu.memory_space<vmem>>, vector<1x16xf32>,
        %get3A_564 = vector.shape_cast %get3A_563 : vector<1x16xf32> to vector<16xf32>
        %slice3A_565 = vector.extract_strided_slice %get3A_186 {offsets = [12], sizes = [1], strides = [1]} : vector<16xf32> to vector<1xf32>
        %squeeze3A_566 = vector.extract %slice3A_565[0] : f32 from vector<1xf32>
        %mul3A_567 = vector.broadcast %squeeze3A_566 : f32 to vector<16xf32>
        %mul3A_568 = arith.mulf %get3A_564, %mul3A_567 : vector<16xf32>
        %swap3A_569 = arith.index_cast %add3A_547 : i32 to index
        %swap3A_570 = arith.constant 16 : index
        %swap3A_571 = tpu.vector_load %arg11[%swap3A_569, %swap3A_570] {strides = array<i32>} : memref<128x32xf32, #tpu.memory_space<vmem>>, vector<1x16xf32>,
        %swap3A_572 = vector.shape_cast %swap3A_571 : vector<1x16xf32> to vector<16xf32>
        %swap3A_573 = vector.shape_cast %mul3A_568 : vector<16xf32> to vector<1x16xf32>
        tpu.vector_store %arg11[%swap3A_569, %swap3A_570], %swap3A_573 {strides = array<i32>} : memref<128x32xf32, #tpu.memory_space<vmem>>, vector<1x16xf32>,
        %mul3A_574 = arith.constant 16 : i32
        %mul3A_575 = arith.muli %scan3A_178, %mul3A_574 : i32
        %add3A_576 = arith.constant 13 : i32
        %add3A_577 = arith.addi %mul3A_575, %add3A_576 : i32
        %get3A_578 = arith.index_cast %add3A_577 : i32 to index
        %get3A_579 = arith.constant 0 : index
        %get3A_580 = tpu.vector_load %arg11[%get3A_578, %get3A_579] {strides = array<i32>} : memref<128x32xf32, #tpu.memory_space<vmem>>, vector<1x16xf32>,
        %get3A_581 = vector.shape_cast %get3A_580 : vector<1x16xf32> to vector<16xf32>
        %slice3A_582 = vector.extract_strided_slice %get3A_186 {offsets = [13], sizes = [1], strides = [1]} : vector<16xf32> to vector<1xf32>
        %squeeze3A_583 = vector.extract %slice3A_582[0] : f32 from vector<1xf32>
        %mul3A_584 = vector.broadcast %squeeze3A_583 : f32 to vector<16xf32>
        %mul3A_585 = arith.mulf %get3A_581, %mul3A_584 : vector<16xf32>
        %swap3A_586 = arith.index_cast %add3A_577 : i32 to index
        %swap3A_587 = arith.constant 0 : index
        %swap3A_588 = tpu.vector_load %arg11[%swap3A_586, %swap3A_587] {strides = array<i32>} : memref<128x32xf32, #tpu.memory_space<vmem>>, vector<1x16xf32>,
        %swap3A_589 = vector.shape_cast %swap3A_588 : vector<1x16xf32> to vector<16xf32>
        %swap3A_590 = vector.shape_cast %mul3A_585 : vector<16xf32> to vector<1x16xf32>
        tpu.vector_store %arg11[%swap3A_586, %swap3A_587], %swap3A_590 {strides = array<i32>} : memref<128x32xf32, #tpu.memory_space<vmem>>, vector<1x16xf32>,
        %get3A_591 = arith.index_cast %add3A_577 : i32 to index
        %get3A_592 = arith.constant 16 : index
        %get3A_593 = tpu.vector_load %arg11[%get3A_591, %get3A_592] {strides = array<i32>} : memref<128x32xf32, #tpu.memory_space<vmem>>, vector<1x16xf32>,
        %get3A_594 = vector.shape_cast %get3A_593 : vector<1x16xf32> to vector<16xf32>
        %slice3A_595 = vector.extract_strided_slice %get3A_186 {offsets = [13], sizes = [1], strides = [1]} : vector<16xf32> to vector<1xf32>
        %squeeze3A_596 = vector.extract %slice3A_595[0] : f32 from vector<1xf32>
        %mul3A_597 = vector.broadcast %squeeze3A_596 : f32 to vector<16xf32>
        %mul3A_598 = arith.mulf %get3A_594, %mul3A_597 : vector<16xf32>
        %swap3A_599 = arith.index_cast %add3A_577 : i32 to index
        %swap3A_600 = arith.constant 16 : index
        %swap3A_601 = tpu.vector_load %arg11[%swap3A_599, %swap3A_600] {strides = array<i32>} : memref<128x32xf32, #tpu.memory_space<vmem>>, vector<1x16xf32>,
        %swap3A_602 = vector.shape_cast %swap3A_601 : vector<1x16xf32> to vector<16xf32>
        %swap3A_603 = vector.shape_cast %mul3A_598 : vector<16xf32> to vector<1x16xf32>
        tpu.vector_store %arg11[%swap3A_599, %swap3A_600], %swap3A_603 {strides = array<i32>} : memref<128x32xf32, #tpu.memory_space<vmem>>, vector<1x16xf32>,
        %mul3A_604 = arith.constant 16 : i32
        %mul3A_605 = arith.muli %scan3A_178, %mul3A_604 : i32
        %add3A_606 = arith.constant 14 : i32
        %add3A_607 = arith.addi %mul3A_605, %add3A_606 : i32
        %get3A_608 = arith.index_cast %add3A_607 : i32 to index
        %get3A_609 = arith.constant 0 : index
        %get3A_610 = tpu.vector_load %arg11[%get3A_608, %get3A_609] {strides = array<i32>} : memref<128x32xf32, #tpu.memory_space<vmem>>, vector<1x16xf32>,
        %get3A_611 = vector.shape_cast %get3A_610 : vector<1x16xf32> to vector<16xf32>
        %slice3A_612 = vector.extract_strided_slice %get3A_186 {offsets = [14], sizes = [1], strides = [1]} : vector<16xf32> to vector<1xf32>
        %squeeze3A_613 = vector.extract %slice3A_612[0] : f32 from vector<1xf32>
        %mul3A_614 = vector.broadcast %squeeze3A_613 : f32 to vector<16xf32>
        %mul3A_615 = arith.mulf %get3A_611, %mul3A_614 : vector<16xf32>
        %swap3A_616 = arith.index_cast %add3A_607 : i32 to index
        %swap3A_617 = arith.constant 0 : index
        %swap3A_618 = tpu.vector_load %arg11[%swap3A_616, %swap3A_617] {strides = array<i32>} : memref<128x32xf32, #tpu.memory_space<vmem>>, vector<1x16xf32>,
        %swap3A_619 = vector.shape_cast %swap3A_618 : vector<1x16xf32> to vector<16xf32>
        %swap3A_620 = vector.shape_cast %mul3A_615 : vector<16xf32> to vector<1x16xf32>
        tpu.vector_store %arg11[%swap3A_616, %swap3A_617], %swap3A_620 {strides = array<i32>} : memref<128x32xf32, #tpu.memory_space<vmem>>, vector<1x16xf32>,
        %get3A_621 = arith.index_cast %add3A_607 : i32 to index
        %get3A_622 = arith.constant 16 : index
        %get3A_623 = tpu.vector_load %arg11[%get3A_621, %get3A_622] {strides = array<i32>} : memref<128x32xf32, #tpu.memory_space<vmem>>, vector<1x16xf32>,
        %get3A_624 = vector.shape_cast %get3A_623 : vector<1x16xf32> to vector<16xf32>
        %slice3A_625 = vector.extract_strided_slice %get3A_186 {offsets = [14], sizes = [1], strides = [1]} : vector<16xf32> to vector<1xf32>
        %squeeze3A_626 = vector.extract %slice3A_625[0] : f32 from vector<1xf32>
        %mul3A_627 = vector.broadcast %squeeze3A_626 : f32 to vector<16xf32>
        %mul3A_628 = arith.mulf %get3A_624, %mul3A_627 : vector<16xf32>
        %swap3A_629 = arith.index_cast %add3A_607 : i32 to index
        %swap3A_630 = arith.constant 16 : index
        %swap3A_631 = tpu.vector_load %arg11[%swap3A_629, %swap3A_630] {strides = array<i32>} : memref<128x32xf32, #tpu.memory_space<vmem>>, vector<1x16xf32>,
        %swap3A_632 = vector.shape_cast %swap3A_631 : vector<1x16xf32> to vector<16xf32>
        %swap3A_633 = vector.shape_cast %mul3A_628 : vector<16xf32> to vector<1x16xf32>
        tpu.vector_store %arg11[%swap3A_629, %swap3A_630], %swap3A_633 {strides = array<i32>} : memref<128x32xf32, #tpu.memory_space<vmem>>, vector<1x16xf32>,
        %mul3A_634 = arith.constant 16 : i32
        %mul3A_635 = arith.muli %scan3A_178, %mul3A_634 : i32
        %add3A_636 = arith.constant 15 : i32
        %add3A_637 = arith.addi %mul3A_635, %add3A_636 : i32
        %get3A_638 = arith.index_cast %add3A_637 : i32 to index
        %get3A_639 = arith.constant 0 : index
        %get3A_640 = tpu.vector_load %arg11[%get3A_638, %get3A_639] {strides = array<i32>} : memref<128x32xf32, #tpu.memory_space<vmem>>, vector<1x16xf32>,
        %get3A_641 = vector.shape_cast %get3A_640 : vector<1x16xf32> to vector<16xf32>
        %slice3A_642 = vector.extract_strided_slice %get3A_186 {offsets = [15], sizes = [1], strides = [1]} : vector<16xf32> to vector<1xf32>
        %squeeze3A_643 = vector.extract %slice3A_642[0] : f32 from vector<1xf32>
        %mul3A_644 = vector.broadcast %squeeze3A_643 : f32 to vector<16xf32>
        %mul3A_645 = arith.mulf %get3A_641, %mul3A_644 : vector<16xf32>
        %swap3A_646 = arith.index_cast %add3A_637 : i32 to index
        %swap3A_647 = arith.constant 0 : index
        %swap3A_648 = tpu.vector_load %arg11[%swap3A_646, %swap3A_647] {strides = array<i32>} : memref<128x32xf32, #tpu.memory_space<vmem>>, vector<1x16xf32>,
        %swap3A_649 = vector.shape_cast %swap3A_648 : vector<1x16xf32> to vector<16xf32>
        %swap3A_650 = vector.shape_cast %mul3A_645 : vector<16xf32> to vector<1x16xf32>
        tpu.vector_store %arg11[%swap3A_646, %swap3A_647], %swap3A_650 {strides = array<i32>} : memref<128x32xf32, #tpu.memory_space<vmem>>, vector<1x16xf32>,
        %get3A_651 = arith.index_cast %add3A_637 : i32 to index
        %get3A_652 = arith.constant 16 : index
        %get3A_653 = tpu.vector_load %arg11[%get3A_651, %get3A_652] {strides = array<i32>} : memref<128x32xf32, #tpu.memory_space<vmem>>, vector<1x16xf32>,
        %get3A_654 = vector.shape_cast %get3A_653 : vector<1x16xf32> to vector<16xf32>
        %slice3A_655 = vector.extract_strided_slice %get3A_186 {offsets = [15], sizes = [1], strides = [1]} : vector<16xf32> to vector<1xf32>
        %squeeze3A_656 = vector.extract %slice3A_655[0] : f32 from vector<1xf32>
        %mul3A_657 = vector.broadcast %squeeze3A_656 : f32 to vector<16xf32>
        %mul3A_658 = arith.mulf %get3A_654, %mul3A_657 : vector<16xf32>
        %swap3A_659 = arith.index_cast %add3A_637 : i32 to index
        %swap3A_660 = arith.constant 16 : index
        %swap3A_661 = tpu.vector_load %arg11[%swap3A_659, %swap3A_660] {strides = array<i32>} : memref<128x32xf32, #tpu.memory_space<vmem>>, vector<1x16xf32>,
        %swap3A_662 = vector.shape_cast %swap3A_661 : vector<1x16xf32> to vector<16xf32>
        %swap3A_663 = vector.shape_cast %mul3A_658 : vector<16xf32> to vector<1x16xf32>
        tpu.vector_store %arg11[%swap3A_659, %swap3A_660], %swap3A_663 {strides = array<i32>} : memref<128x32xf32, #tpu.memory_space<vmem>>, vector<1x16xf32>,
        %scan3A_664 = arith.constant 0 : i32
        scf.yield %scan3A_664 : i32
      }
      %scan3A_138 = arith.constant 8 : i32
      %mul3A_139 = arith.constant 128 : i32
      %mul3A_140 = arith.muli %add3A_116, %mul3A_139 : i32
      %dma_start3A_141 = tpu.memref_slice %arg8[%mul3A_140] : memref<8448xi32, #tpu.memory_space<vmem>> -> memref<128xi32, #tpu.memory_space<vmem>>
      %dma_start3A_142 = arith.constant 0 : i32
      %dma_start3A_143 = arith.constant 0 : i32
      %dma_start3A_144 = tpu.memref_slice %arg13[%dma_start3A_142, %dma_start3A_143] : memref<16384x32xf32, #tpu.memory_space<vmem_shared>> -> memref<16384x32xf32, #tpu.memory_space<vmem_shared>>
      tpu.enqueue_indirect_dma source(%arg11 : memref<128x32xf32, #tpu.memory_space<vmem>>) target(%dma_start3A_144 : memref<16384x32xf32, #tpu.memory_space<vmem_shared>>) offsets(%dma_start3A_141 : memref<128xi32, #tpu.memory_space<vmem>>) semaphore(%arg23 : memref<!tpu.dma_semaphore, #tpu.memory_space<semaphore_mem>>) {add = true}
      %mul3A_145 = arith.constant 3 : i32
      %mul3A_146 = arith.muli %scan3A_80, %mul3A_145 : i32
      %add3A_147 = arith.constant 2 : i32
      %add3A_148 = arith.addi %mul3A_146, %add3A_147 : i32
      %mul3A_149 = arith.constant 128 : i32
      %mul3A_150 = arith.muli %add3A_148, %mul3A_149 : i32
      %dma_wait3A_151 = tpu.memref_slice %arg7[%mul3A_150] : memref<8448xi32, #tpu.memory_space<vmem>> -> memref<128xi32, #tpu.memory_space<vmem>>
      %dma_wait3A_152 = arith.constant 0 : i32
      %dma_wait3A_153 = arith.constant 0 : i32
      %dma_wait3A_154 = tpu.memref_slice %arg14[%dma_wait3A_152, %dma_wait3A_153] : memref<16384x32xf32, #tpu.memory_space<vmem_shared>> -> memref<16384x32xf32, #tpu.memory_space<vmem_shared>>
      tpu.wait_indirect_dma semaphore(%arg21 : memref<!tpu.dma_semaphore, #tpu.memory_space<semaphore_mem>>) src(%dma_wait3A_154 : memref<16384x32xf32, #tpu.memory_space<vmem_shared>>) dst(%arg12 : memref<128x32xf32, #tpu.memory_space<vmem>>)
      %add3A_155 = arith.constant 3 : i32
      %add3A_156 = arith.addi %add3A_148, %add3A_155 : i32
      %sub3A_157 = arith.constant 1 : i32
      %sub3A_158 = arith.subi %add3A_156, %sub3A_157 : i32
      %lt3A_159 = arith.constant 66 : i32
      %lt3A_160 = arith.cmpi slt, %sub3A_158, %lt3A_159 : i32
      %convert_element_type3A_161 = arith.extui %lt3A_160 : i1 to i32
      %cond3A_162 = arith.constant 0 : i32
      %cond3A_163 = arith.cmpi ne, %convert_element_type3A_161, %cond3A_162 : i32
      scf.if %cond3A_163 {
        %ge3A = arith.constant 1 : i32
        %ge3A_178 = arith.cmpi sge, %add3A_148, %ge3A : i32
        %convert_element_type3A_179 = arith.extui %ge3A_178 : i1 to i32
        %cond3A_180 = arith.constant 0 : i32
        %cond3A_181 = arith.cmpi ne, %convert_element_type3A_179, %cond3A_180 : i32
        scf.if %cond3A_181 {
          %sub3A_188 = arith.constant 1 : i32
          %sub3A_189 = arith.subi %add3A_148, %sub3A_188 : i32
          %mul3A_190 = arith.constant 128 : i32
          %mul3A_191 = arith.muli %sub3A_189, %mul3A_190 : i32
          %dma_wait3A_192 = tpu.memref_slice %arg8[%mul3A_191] : memref<8448xi32, #tpu.memory_space<vmem>> -> memref<128xi32, #tpu.memory_space<vmem>>
          %dma_wait3A_193 = arith.constant 0 : i32
          %dma_wait3A_194 = arith.constant 0 : i32
          %dma_wait3A_195 = tpu.memref_slice %arg13[%dma_wait3A_193, %dma_wait3A_194] : memref<16384x32xf32, #tpu.memory_space<vmem_shared>> -> memref<16384x32xf32, #tpu.memory_space<vmem_shared>>
          tpu.wait_indirect_dma semaphore(%arg23 : memref<!tpu.dma_semaphore, #tpu.memory_space<semaphore_mem>>) src(%arg11 : memref<128x32xf32, #tpu.memory_space<vmem>>) dst(%dma_wait3A_195 : memref<16384x32xf32, #tpu.memory_space<vmem_shared>>)
        } else {
        }
        %mul3A_182 = arith.constant 128 : i32
        %mul3A_183 = arith.muli %sub3A_158, %mul3A_182 : i32
        %dma_start3A_184 = tpu.memref_slice %arg7[%mul3A_183] : memref<8448xi32, #tpu.memory_space<vmem>> -> memref<128xi32, #tpu.memory_space<vmem>>
        %dma_start3A_185 = arith.constant 0 : i32
        %dma_start3A_186 = arith.constant 0 : i32
        %dma_start3A_187 = tpu.memref_slice %arg14[%dma_start3A_185, %dma_start3A_186] : memref<16384x32xf32, #tpu.memory_space<vmem_shared>> -> memref<16384x32xf32, #tpu.memory_space<vmem_shared>>
        tpu.enqueue_indirect_dma source(%dma_start3A_187 : memref<16384x32xf32, #tpu.memory_space<vmem_shared>>) target(%arg11 : memref<128x32xf32, #tpu.memory_space<vmem>>) offsets(%dma_start3A_184 : memref<128xi32, #tpu.memory_space<vmem>>) semaphore(%arg20 : memref<!tpu.dma_semaphore, #tpu.memory_space<semaphore_mem>>)
      } else {
      }
      %scan3A_164 = arith.constant 0 : i32
      %scan3A_165 = arith.constant 0 : i32
      %scan3A_166 = arith.constant 8 : i32
      %scan3A_167 = arith.addi %scan3A_165, %scan3A_166 : i32
      %scan3A_168 = arith.constant 1 : i32
      %scan3A_169 = scf.for %scan3A_178 = %scan3A_165 to %scan3A_167 step %scan3A_168 iter_args(%scan3A_179 = %scan3A_164) -> (i32)  : i32 {
        %mul3A_180 = arith.constant 128 : i32
        %mul3A_181 = arith.muli %add3A_148, %mul3A_180 : i32
        %mul3A_182 = arith.constant 16 : i32
        %mul3A_183 = arith.muli %scan3A_178, %mul3A_182 : i32
        %add3A_184 = arith.addi %mul3A_181, %mul3A_183 : i32
        %get3A = arith.index_cast %add3A_184 : i32 to index
        %get3A_185 = tpu.vector_load %arg9[%get3A] {strides = array<i32>} : memref<8448xf32, #tpu.memory_space<vmem>>, vector<16xf32>,
        %get3A_186 = vector.shape_cast %get3A_185 : vector<16xf32> to vector<16xf32>
        %mul3A_187 = arith.constant 16 : i32
        %mul3A_188 = arith.muli %scan3A_178, %mul3A_187 : i32
        %add3A_189 = arith.constant 0 : i32
        %add3A_190 = arith.addi %mul3A_188, %add3A_189 : i32
        %get3A_191 = arith.index_cast %add3A_190 : i32 to index
        %get3A_192 = arith.constant 0 : index
        %get3A_193 = tpu.vector_load %arg12[%get3A_191, %get3A_192] {strides = array<i32>} : memref<128x32xf32, #tpu.memory_space<vmem>>, vector<1x16xf32>,
        %get3A_194 = vector.shape_cast %get3A_193 : vector<1x16xf32> to vector<16xf32>
        %slice3A = vector.extract_strided_slice %get3A_186 {offsets = [0], sizes = [1], strides = [1]} : vector<16xf32> to vector<1xf32>
        %squeeze3A = vector.extract %slice3A[0] : f32 from vector<1xf32>
        %mul3A_195 = vector.broadcast %squeeze3A : f32 to vector<16xf32>
        %mul3A_196 = arith.mulf %get3A_194, %mul3A_195 : vector<16xf32>
        %swap3A = arith.index_cast %add3A_190 : i32 to index
        %swap3A_197 = arith.constant 0 : index
        %swap3A_198 = tpu.vector_load %arg12[%swap3A, %swap3A_197] {strides = array<i32>} : memref<128x32xf32, #tpu.memory_space<vmem>>, vector<1x16xf32>,
        %swap3A_199 = vector.shape_cast %swap3A_198 : vector<1x16xf32> to vector<16xf32>
        %swap3A_200 = vector.shape_cast %mul3A_196 : vector<16xf32> to vector<1x16xf32>
        tpu.vector_store %arg12[%swap3A, %swap3A_197], %swap3A_200 {strides = array<i32>} : memref<128x32xf32, #tpu.memory_space<vmem>>, vector<1x16xf32>,
        %get3A_201 = arith.index_cast %add3A_190 : i32 to index
        %get3A_202 = arith.constant 16 : index
        %get3A_203 = tpu.vector_load %arg12[%get3A_201, %get3A_202] {strides = array<i32>} : memref<128x32xf32, #tpu.memory_space<vmem>>, vector<1x16xf32>,
        %get3A_204 = vector.shape_cast %get3A_203 : vector<1x16xf32> to vector<16xf32>
        %slice3A_205 = vector.extract_strided_slice %get3A_186 {offsets = [0], sizes = [1], strides = [1]} : vector<16xf32> to vector<1xf32>
        %squeeze3A_206 = vector.extract %slice3A_205[0] : f32 from vector<1xf32>
        %mul3A_207 = vector.broadcast %squeeze3A_206 : f32 to vector<16xf32>
        %mul3A_208 = arith.mulf %get3A_204, %mul3A_207 : vector<16xf32>
        %swap3A_209 = arith.index_cast %add3A_190 : i32 to index
        %swap3A_210 = arith.constant 16 : index
        %swap3A_211 = tpu.vector_load %arg12[%swap3A_209, %swap3A_210] {strides = array<i32>} : memref<128x32xf32, #tpu.memory_space<vmem>>, vector<1x16xf32>,
        %swap3A_212 = vector.shape_cast %swap3A_211 : vector<1x16xf32> to vector<16xf32>
        %swap3A_213 = vector.shape_cast %mul3A_208 : vector<16xf32> to vector<1x16xf32>
        tpu.vector_store %arg12[%swap3A_209, %swap3A_210], %swap3A_213 {strides = array<i32>} : memref<128x32xf32, #tpu.memory_space<vmem>>, vector<1x16xf32>,
        %mul3A_214 = arith.constant 16 : i32
        %mul3A_215 = arith.muli %scan3A_178, %mul3A_214 : i32
        %add3A_216 = arith.constant 1 : i32
        %add3A_217 = arith.addi %mul3A_215, %add3A_216 : i32
        %get3A_218 = arith.index_cast %add3A_217 : i32 to index
        %get3A_219 = arith.constant 0 : index
        %get3A_220 = tpu.vector_load %arg12[%get3A_218, %get3A_219] {strides = array<i32>} : memref<128x32xf32, #tpu.memory_space<vmem>>, vector<1x16xf32>,
        %get3A_221 = vector.shape_cast %get3A_220 : vector<1x16xf32> to vector<16xf32>
        %slice3A_222 = vector.extract_strided_slice %get3A_186 {offsets = [1], sizes = [1], strides = [1]} : vector<16xf32> to vector<1xf32>
        %squeeze3A_223 = vector.extract %slice3A_222[0] : f32 from vector<1xf32>
        %mul3A_224 = vector.broadcast %squeeze3A_223 : f32 to vector<16xf32>
        %mul3A_225 = arith.mulf %get3A_221, %mul3A_224 : vector<16xf32>
        %swap3A_226 = arith.index_cast %add3A_217 : i32 to index
        %swap3A_227 = arith.constant 0 : index
        %swap3A_228 = tpu.vector_load %arg12[%swap3A_226, %swap3A_227] {strides = array<i32>} : memref<128x32xf32, #tpu.memory_space<vmem>>, vector<1x16xf32>,
        %swap3A_229 = vector.shape_cast %swap3A_228 : vector<1x16xf32> to vector<16xf32>
        %swap3A_230 = vector.shape_cast %mul3A_225 : vector<16xf32> to vector<1x16xf32>
        tpu.vector_store %arg12[%swap3A_226, %swap3A_227], %swap3A_230 {strides = array<i32>} : memref<128x32xf32, #tpu.memory_space<vmem>>, vector<1x16xf32>,
        %get3A_231 = arith.index_cast %add3A_217 : i32 to index
        %get3A_232 = arith.constant 16 : index
        %get3A_233 = tpu.vector_load %arg12[%get3A_231, %get3A_232] {strides = array<i32>} : memref<128x32xf32, #tpu.memory_space<vmem>>, vector<1x16xf32>,
        %get3A_234 = vector.shape_cast %get3A_233 : vector<1x16xf32> to vector<16xf32>
        %slice3A_235 = vector.extract_strided_slice %get3A_186 {offsets = [1], sizes = [1], strides = [1]} : vector<16xf32> to vector<1xf32>
        %squeeze3A_236 = vector.extract %slice3A_235[0] : f32 from vector<1xf32>
        %mul3A_237 = vector.broadcast %squeeze3A_236 : f32 to vector<16xf32>
        %mul3A_238 = arith.mulf %get3A_234, %mul3A_237 : vector<16xf32>
        %swap3A_239 = arith.index_cast %add3A_217 : i32 to index
        %swap3A_240 = arith.constant 16 : index
        %swap3A_241 = tpu.vector_load %arg12[%swap3A_239, %swap3A_240] {strides = array<i32>} : memref<128x32xf32, #tpu.memory_space<vmem>>, vector<1x16xf32>,
        %swap3A_242 = vector.shape_cast %swap3A_241 : vector<1x16xf32> to vector<16xf32>
        %swap3A_243 = vector.shape_cast %mul3A_238 : vector<16xf32> to vector<1x16xf32>
        tpu.vector_store %arg12[%swap3A_239, %swap3A_240], %swap3A_243 {strides = array<i32>} : memref<128x32xf32, #tpu.memory_space<vmem>>, vector<1x16xf32>,
        %mul3A_244 = arith.constant 16 : i32
        %mul3A_245 = arith.muli %scan3A_178, %mul3A_244 : i32
        %add3A_246 = arith.constant 2 : i32
        %add3A_247 = arith.addi %mul3A_245, %add3A_246 : i32
        %get3A_248 = arith.index_cast %add3A_247 : i32 to index
        %get3A_249 = arith.constant 0 : index
        %get3A_250 = tpu.vector_load %arg12[%get3A_248, %get3A_249] {strides = array<i32>} : memref<128x32xf32, #tpu.memory_space<vmem>>, vector<1x16xf32>,
        %get3A_251 = vector.shape_cast %get3A_250 : vector<1x16xf32> to vector<16xf32>
        %slice3A_252 = vector.extract_strided_slice %get3A_186 {offsets = [2], sizes = [1], strides = [1]} : vector<16xf32> to vector<1xf32>
        %squeeze3A_253 = vector.extract %slice3A_252[0] : f32 from vector<1xf32>
        %mul3A_254 = vector.broadcast %squeeze3A_253 : f32 to vector<16xf32>
        %mul3A_255 = arith.mulf %get3A_251, %mul3A_254 : vector<16xf32>
        %swap3A_256 = arith.index_cast %add3A_247 : i32 to index
        %swap3A_257 = arith.constant 0 : index
        %swap3A_258 = tpu.vector_load %arg12[%swap3A_256, %swap3A_257] {strides = array<i32>} : memref<128x32xf32, #tpu.memory_space<vmem>>, vector<1x16xf32>,
        %swap3A_259 = vector.shape_cast %swap3A_258 : vector<1x16xf32> to vector<16xf32>
        %swap3A_260 = vector.shape_cast %mul3A_255 : vector<16xf32> to vector<1x16xf32>
        tpu.vector_store %arg12[%swap3A_256, %swap3A_257], %swap3A_260 {strides = array<i32>} : memref<128x32xf32, #tpu.memory_space<vmem>>, vector<1x16xf32>,
        %get3A_261 = arith.index_cast %add3A_247 : i32 to index
        %get3A_262 = arith.constant 16 : index
        %get3A_263 = tpu.vector_load %arg12[%get3A_261, %get3A_262] {strides = array<i32>} : memref<128x32xf32, #tpu.memory_space<vmem>>, vector<1x16xf32>,
        %get3A_264 = vector.shape_cast %get3A_263 : vector<1x16xf32> to vector<16xf32>
        %slice3A_265 = vector.extract_strided_slice %get3A_186 {offsets = [2], sizes = [1], strides = [1]} : vector<16xf32> to vector<1xf32>
        %squeeze3A_266 = vector.extract %slice3A_265[0] : f32 from vector<1xf32>
        %mul3A_267 = vector.broadcast %squeeze3A_266 : f32 to vector<16xf32>
        %mul3A_268 = arith.mulf %get3A_264, %mul3A_267 : vector<16xf32>
        %swap3A_269 = arith.index_cast %add3A_247 : i32 to index
        %swap3A_270 = arith.constant 16 : index
        %swap3A_271 = tpu.vector_load %arg12[%swap3A_269, %swap3A_270] {strides = array<i32>} : memref<128x32xf32, #tpu.memory_space<vmem>>, vector<1x16xf32>,
        %swap3A_272 = vector.shape_cast %swap3A_271 : vector<1x16xf32> to vector<16xf32>
        %swap3A_273 = vector.shape_cast %mul3A_268 : vector<16xf32> to vector<1x16xf32>
        tpu.vector_store %arg12[%swap3A_269, %swap3A_270], %swap3A_273 {strides = array<i32>} : memref<128x32xf32, #tpu.memory_space<vmem>>, vector<1x16xf32>,
        %mul3A_274 = arith.constant 16 : i32
        %mul3A_275 = arith.muli %scan3A_178, %mul3A_274 : i32
        %add3A_276 = arith.constant 3 : i32
        %add3A_277 = arith.addi %mul3A_275, %add3A_276 : i32
        %get3A_278 = arith.index_cast %add3A_277 : i32 to index
        %get3A_279 = arith.constant 0 : index
        %get3A_280 = tpu.vector_load %arg12[%get3A_278, %get3A_279] {strides = array<i32>} : memref<128x32xf32, #tpu.memory_space<vmem>>, vector<1x16xf32>,
        %get3A_281 = vector.shape_cast %get3A_280 : vector<1x16xf32> to vector<16xf32>
        %slice3A_282 = vector.extract_strided_slice %get3A_186 {offsets = [3], sizes = [1], strides = [1]} : vector<16xf32> to vector<1xf32>
        %squeeze3A_283 = vector.extract %slice3A_282[0] : f32 from vector<1xf32>
        %mul3A_284 = vector.broadcast %squeeze3A_283 : f32 to vector<16xf32>
        %mul3A_285 = arith.mulf %get3A_281, %mul3A_284 : vector<16xf32>
        %swap3A_286 = arith.index_cast %add3A_277 : i32 to index
        %swap3A_287 = arith.constant 0 : index
        %swap3A_288 = tpu.vector_load %arg12[%swap3A_286, %swap3A_287] {strides = array<i32>} : memref<128x32xf32, #tpu.memory_space<vmem>>, vector<1x16xf32>,
        %swap3A_289 = vector.shape_cast %swap3A_288 : vector<1x16xf32> to vector<16xf32>
        %swap3A_290 = vector.shape_cast %mul3A_285 : vector<16xf32> to vector<1x16xf32>
        tpu.vector_store %arg12[%swap3A_286, %swap3A_287], %swap3A_290 {strides = array<i32>} : memref<128x32xf32, #tpu.memory_space<vmem>>, vector<1x16xf32>,
        %get3A_291 = arith.index_cast %add3A_277 : i32 to index
        %get3A_292 = arith.constant 16 : index
        %get3A_293 = tpu.vector_load %arg12[%get3A_291, %get3A_292] {strides = array<i32>} : memref<128x32xf32, #tpu.memory_space<vmem>>, vector<1x16xf32>,
        %get3A_294 = vector.shape_cast %get3A_293 : vector<1x16xf32> to vector<16xf32>
        %slice3A_295 = vector.extract_strided_slice %get3A_186 {offsets = [3], sizes = [1], strides = [1]} : vector<16xf32> to vector<1xf32>
        %squeeze3A_296 = vector.extract %slice3A_295[0] : f32 from vector<1xf32>
        %mul3A_297 = vector.broadcast %squeeze3A_296 : f32 to vector<16xf32>
        %mul3A_298 = arith.mulf %get3A_294, %mul3A_297 : vector<16xf32>
        %swap3A_299 = arith.index_cast %add3A_277 : i32 to index
        %swap3A_300 = arith.constant 16 : index
        %swap3A_301 = tpu.vector_load %arg12[%swap3A_299, %swap3A_300] {strides = array<i32>} : memref<128x32xf32, #tpu.memory_space<vmem>>, vector<1x16xf32>,
        %swap3A_302 = vector.shape_cast %swap3A_301 : vector<1x16xf32> to vector<16xf32>
        %swap3A_303 = vector.shape_cast %mul3A_298 : vector<16xf32> to vector<1x16xf32>
        tpu.vector_store %arg12[%swap3A_299, %swap3A_300], %swap3A_303 {strides = array<i32>} : memref<128x32xf32, #tpu.memory_space<vmem>>, vector<1x16xf32>,
        %mul3A_304 = arith.constant 16 : i32
        %mul3A_305 = arith.muli %scan3A_178, %mul3A_304 : i32
        %add3A_306 = arith.constant 4 : i32
        %add3A_307 = arith.addi %mul3A_305, %add3A_306 : i32
        %get3A_308 = arith.index_cast %add3A_307 : i32 to index
        %get3A_309 = arith.constant 0 : index
        %get3A_310 = tpu.vector_load %arg12[%get3A_308, %get3A_309] {strides = array<i32>} : memref<128x32xf32, #tpu.memory_space<vmem>>, vector<1x16xf32>,
        %get3A_311 = vector.shape_cast %get3A_310 : vector<1x16xf32> to vector<16xf32>
        %slice3A_312 = vector.extract_strided_slice %get3A_186 {offsets = [4], sizes = [1], strides = [1]} : vector<16xf32> to vector<1xf32>
        %squeeze3A_313 = vector.extract %slice3A_312[0] : f32 from vector<1xf32>
        %mul3A_314 = vector.broadcast %squeeze3A_313 : f32 to vector<16xf32>
        %mul3A_315 = arith.mulf %get3A_311, %mul3A_314 : vector<16xf32>
        %swap3A_316 = arith.index_cast %add3A_307 : i32 to index
        %swap3A_317 = arith.constant 0 : index
        %swap3A_318 = tpu.vector_load %arg12[%swap3A_316, %swap3A_317] {strides = array<i32>} : memref<128x32xf32, #tpu.memory_space<vmem>>, vector<1x16xf32>,
        %swap3A_319 = vector.shape_cast %swap3A_318 : vector<1x16xf32> to vector<16xf32>
        %swap3A_320 = vector.shape_cast %mul3A_315 : vector<16xf32> to vector<1x16xf32>
        tpu.vector_store %arg12[%swap3A_316, %swap3A_317], %swap3A_320 {strides = array<i32>} : memref<128x32xf32, #tpu.memory_space<vmem>>, vector<1x16xf32>,
        %get3A_321 = arith.index_cast %add3A_307 : i32 to index
        %get3A_322 = arith.constant 16 : index
        %get3A_323 = tpu.vector_load %arg12[%get3A_321, %get3A_322] {strides = array<i32>} : memref<128x32xf32, #tpu.memory_space<vmem>>, vector<1x16xf32>,
        %get3A_324 = vector.shape_cast %get3A_323 : vector<1x16xf32> to vector<16xf32>
        %slice3A_325 = vector.extract_strided_slice %get3A_186 {offsets = [4], sizes = [1], strides = [1]} : vector<16xf32> to vector<1xf32>
        %squeeze3A_326 = vector.extract %slice3A_325[0] : f32 from vector<1xf32>
        %mul3A_327 = vector.broadcast %squeeze3A_326 : f32 to vector<16xf32>
        %mul3A_328 = arith.mulf %get3A_324, %mul3A_327 : vector<16xf32>
        %swap3A_329 = arith.index_cast %add3A_307 : i32 to index
        %swap3A_330 = arith.constant 16 : index
        %swap3A_331 = tpu.vector_load %arg12[%swap3A_329, %swap3A_330] {strides = array<i32>} : memref<128x32xf32, #tpu.memory_space<vmem>>, vector<1x16xf32>,
        %swap3A_332 = vector.shape_cast %swap3A_331 : vector<1x16xf32> to vector<16xf32>
        %swap3A_333 = vector.shape_cast %mul3A_328 : vector<16xf32> to vector<1x16xf32>
        tpu.vector_store %arg12[%swap3A_329, %swap3A_330], %swap3A_333 {strides = array<i32>} : memref<128x32xf32, #tpu.memory_space<vmem>>, vector<1x16xf32>,
        %mul3A_334 = arith.constant 16 : i32
        %mul3A_335 = arith.muli %scan3A_178, %mul3A_334 : i32
        %add3A_336 = arith.constant 5 : i32
        %add3A_337 = arith.addi %mul3A_335, %add3A_336 : i32
        %get3A_338 = arith.index_cast %add3A_337 : i32 to index
        %get3A_339 = arith.constant 0 : index
        %get3A_340 = tpu.vector_load %arg12[%get3A_338, %get3A_339] {strides = array<i32>} : memref<128x32xf32, #tpu.memory_space<vmem>>, vector<1x16xf32>,
        %get3A_341 = vector.shape_cast %get3A_340 : vector<1x16xf32> to vector<16xf32>
        %slice3A_342 = vector.extract_strided_slice %get3A_186 {offsets = [5], sizes = [1], strides = [1]} : vector<16xf32> to vector<1xf32>
        %squeeze3A_343 = vector.extract %slice3A_342[0] : f32 from vector<1xf32>
        %mul3A_344 = vector.broadcast %squeeze3A_343 : f32 to vector<16xf32>
        %mul3A_345 = arith.mulf %get3A_341, %mul3A_344 : vector<16xf32>
        %swap3A_346 = arith.index_cast %add3A_337 : i32 to index
        %swap3A_347 = arith.constant 0 : index
        %swap3A_348 = tpu.vector_load %arg12[%swap3A_346, %swap3A_347] {strides = array<i32>} : memref<128x32xf32, #tpu.memory_space<vmem>>, vector<1x16xf32>,
        %swap3A_349 = vector.shape_cast %swap3A_348 : vector<1x16xf32> to vector<16xf32>
        %swap3A_350 = vector.shape_cast %mul3A_345 : vector<16xf32> to vector<1x16xf32>
        tpu.vector_store %arg12[%swap3A_346, %swap3A_347], %swap3A_350 {strides = array<i32>} : memref<128x32xf32, #tpu.memory_space<vmem>>, vector<1x16xf32>,
        %get3A_351 = arith.index_cast %add3A_337 : i32 to index
        %get3A_352 = arith.constant 16 : index
        %get3A_353 = tpu.vector_load %arg12[%get3A_351, %get3A_352] {strides = array<i32>} : memref<128x32xf32, #tpu.memory_space<vmem>>, vector<1x16xf32>,
        %get3A_354 = vector.shape_cast %get3A_353 : vector<1x16xf32> to vector<16xf32>
        %slice3A_355 = vector.extract_strided_slice %get3A_186 {offsets = [5], sizes = [1], strides = [1]} : vector<16xf32> to vector<1xf32>
        %squeeze3A_356 = vector.extract %slice3A_355[0] : f32 from vector<1xf32>
        %mul3A_357 = vector.broadcast %squeeze3A_356 : f32 to vector<16xf32>
        %mul3A_358 = arith.mulf %get3A_354, %mul3A_357 : vector<16xf32>
        %swap3A_359 = arith.index_cast %add3A_337 : i32 to index
        %swap3A_360 = arith.constant 16 : index
        %swap3A_361 = tpu.vector_load %arg12[%swap3A_359, %swap3A_360] {strides = array<i32>} : memref<128x32xf32, #tpu.memory_space<vmem>>, vector<1x16xf32>,
        %swap3A_362 = vector.shape_cast %swap3A_361 : vector<1x16xf32> to vector<16xf32>
        %swap3A_363 = vector.shape_cast %mul3A_358 : vector<16xf32> to vector<1x16xf32>
        tpu.vector_store %arg12[%swap3A_359, %swap3A_360], %swap3A_363 {strides = array<i32>} : memref<128x32xf32, #tpu.memory_space<vmem>>, vector<1x16xf32>,
        %mul3A_364 = arith.constant 16 : i32
        %mul3A_365 = arith.muli %scan3A_178, %mul3A_364 : i32
        %add3A_366 = arith.constant 6 : i32
        %add3A_367 = arith.addi %mul3A_365, %add3A_366 : i32
        %get3A_368 = arith.index_cast %add3A_367 : i32 to index
        %get3A_369 = arith.constant 0 : index
        %get3A_370 = tpu.vector_load %arg12[%get3A_368, %get3A_369] {strides = array<i32>} : memref<128x32xf32, #tpu.memory_space<vmem>>, vector<1x16xf32>,
        %get3A_371 = vector.shape_cast %get3A_370 : vector<1x16xf32> to vector<16xf32>
        %slice3A_372 = vector.extract_strided_slice %get3A_186 {offsets = [6], sizes = [1], strides = [1]} : vector<16xf32> to vector<1xf32>
        %squeeze3A_373 = vector.extract %slice3A_372[0] : f32 from vector<1xf32>
        %mul3A_374 = vector.broadcast %squeeze3A_373 : f32 to vector<16xf32>
        %mul3A_375 = arith.mulf %get3A_371, %mul3A_374 : vector<16xf32>
        %swap3A_376 = arith.index_cast %add3A_367 : i32 to index
        %swap3A_377 = arith.constant 0 : index
        %swap3A_378 = tpu.vector_load %arg12[%swap3A_376, %swap3A_377] {strides = array<i32>} : memref<128x32xf32, #tpu.memory_space<vmem>>, vector<1x16xf32>,
        %swap3A_379 = vector.shape_cast %swap3A_378 : vector<1x16xf32> to vector<16xf32>
        %swap3A_380 = vector.shape_cast %mul3A_375 : vector<16xf32> to vector<1x16xf32>
        tpu.vector_store %arg12[%swap3A_376, %swap3A_377], %swap3A_380 {strides = array<i32>} : memref<128x32xf32, #tpu.memory_space<vmem>>, vector<1x16xf32>,
        %get3A_381 = arith.index_cast %add3A_367 : i32 to index
        %get3A_382 = arith.constant 16 : index
        %get3A_383 = tpu.vector_load %arg12[%get3A_381, %get3A_382] {strides = array<i32>} : memref<128x32xf32, #tpu.memory_space<vmem>>, vector<1x16xf32>,
        %get3A_384 = vector.shape_cast %get3A_383 : vector<1x16xf32> to vector<16xf32>
        %slice3A_385 = vector.extract_strided_slice %get3A_186 {offsets = [6], sizes = [1], strides = [1]} : vector<16xf32> to vector<1xf32>
        %squeeze3A_386 = vector.extract %slice3A_385[0] : f32 from vector<1xf32>
        %mul3A_387 = vector.broadcast %squeeze3A_386 : f32 to vector<16xf32>
        %mul3A_388 = arith.mulf %get3A_384, %mul3A_387 : vector<16xf32>
        %swap3A_389 = arith.index_cast %add3A_367 : i32 to index
        %swap3A_390 = arith.constant 16 : index
        %swap3A_391 = tpu.vector_load %arg12[%swap3A_389, %swap3A_390] {strides = array<i32>} : memref<128x32xf32, #tpu.memory_space<vmem>>, vector<1x16xf32>,
        %swap3A_392 = vector.shape_cast %swap3A_391 : vector<1x16xf32> to vector<16xf32>
        %swap3A_393 = vector.shape_cast %mul3A_388 : vector<16xf32> to vector<1x16xf32>
        tpu.vector_store %arg12[%swap3A_389, %swap3A_390], %swap3A_393 {strides = array<i32>} : memref<128x32xf32, #tpu.memory_space<vmem>>, vector<1x16xf32>,
        %mul3A_394 = arith.constant 16 : i32
        %mul3A_395 = arith.muli %scan3A_178, %mul3A_394 : i32
        %add3A_396 = arith.constant 7 : i32
        %add3A_397 = arith.addi %mul3A_395, %add3A_396 : i32
        %get3A_398 = arith.index_cast %add3A_397 : i32 to index
        %get3A_399 = arith.constant 0 : index
        %get3A_400 = tpu.vector_load %arg12[%get3A_398, %get3A_399] {strides = array<i32>} : memref<128x32xf32, #tpu.memory_space<vmem>>, vector<1x16xf32>,
        %get3A_401 = vector.shape_cast %get3A_400 : vector<1x16xf32> to vector<16xf32>
        %slice3A_402 = vector.extract_strided_slice %get3A_186 {offsets = [7], sizes = [1], strides = [1]} : vector<16xf32> to vector<1xf32>
        %squeeze3A_403 = vector.extract %slice3A_402[0] : f32 from vector<1xf32>
        %mul3A_404 = vector.broadcast %squeeze3A_403 : f32 to vector<16xf32>
        %mul3A_405 = arith.mulf %get3A_401, %mul3A_404 : vector<16xf32>
        %swap3A_406 = arith.index_cast %add3A_397 : i32 to index
        %swap3A_407 = arith.constant 0 : index
        %swap3A_408 = tpu.vector_load %arg12[%swap3A_406, %swap3A_407] {strides = array<i32>} : memref<128x32xf32, #tpu.memory_space<vmem>>, vector<1x16xf32>,
        %swap3A_409 = vector.shape_cast %swap3A_408 : vector<1x16xf32> to vector<16xf32>
        %swap3A_410 = vector.shape_cast %mul3A_405 : vector<16xf32> to vector<1x16xf32>
        tpu.vector_store %arg12[%swap3A_406, %swap3A_407], %swap3A_410 {strides = array<i32>} : memref<128x32xf32, #tpu.memory_space<vmem>>, vector<1x16xf32>,
        %get3A_411 = arith.index_cast %add3A_397 : i32 to index
        %get3A_412 = arith.constant 16 : index
        %get3A_413 = tpu.vector_load %arg12[%get3A_411, %get3A_412] {strides = array<i32>} : memref<128x32xf32, #tpu.memory_space<vmem>>, vector<1x16xf32>,
        %get3A_414 = vector.shape_cast %get3A_413 : vector<1x16xf32> to vector<16xf32>
        %slice3A_415 = vector.extract_strided_slice %get3A_186 {offsets = [7], sizes = [1], strides = [1]} : vector<16xf32> to vector<1xf32>
        %squeeze3A_416 = vector.extract %slice3A_415[0] : f32 from vector<1xf32>
        %mul3A_417 = vector.broadcast %squeeze3A_416 : f32 to vector<16xf32>
        %mul3A_418 = arith.mulf %get3A_414, %mul3A_417 : vector<16xf32>
        %swap3A_419 = arith.index_cast %add3A_397 : i32 to index
        %swap3A_420 = arith.constant 16 : index
        %swap3A_421 = tpu.vector_load %arg12[%swap3A_419, %swap3A_420] {strides = array<i32>} : memref<128x32xf32, #tpu.memory_space<vmem>>, vector<1x16xf32>,
        %swap3A_422 = vector.shape_cast %swap3A_421 : vector<1x16xf32> to vector<16xf32>
        %swap3A_423 = vector.shape_cast %mul3A_418 : vector<16xf32> to vector<1x16xf32>
        tpu.vector_store %arg12[%swap3A_419, %swap3A_420], %swap3A_423 {strides = array<i32>} : memref<128x32xf32, #tpu.memory_space<vmem>>, vector<1x16xf32>,
        %mul3A_424 = arith.constant 16 : i32
        %mul3A_425 = arith.muli %scan3A_178, %mul3A_424 : i32
        %add3A_426 = arith.constant 8 : i32
        %add3A_427 = arith.addi %mul3A_425, %add3A_426 : i32
        %get3A_428 = arith.index_cast %add3A_427 : i32 to index
        %get3A_429 = arith.constant 0 : index
        %get3A_430 = tpu.vector_load %arg12[%get3A_428, %get3A_429] {strides = array<i32>} : memref<128x32xf32, #tpu.memory_space<vmem>>, vector<1x16xf32>,
        %get3A_431 = vector.shape_cast %get3A_430 : vector<1x16xf32> to vector<16xf32>
        %slice3A_432 = vector.extract_strided_slice %get3A_186 {offsets = [8], sizes = [1], strides = [1]} : vector<16xf32> to vector<1xf32>
        %squeeze3A_433 = vector.extract %slice3A_432[0] : f32 from vector<1xf32>
        %mul3A_434 = vector.broadcast %squeeze3A_433 : f32 to vector<16xf32>
        %mul3A_435 = arith.mulf %get3A_431, %mul3A_434 : vector<16xf32>
        %swap3A_436 = arith.index_cast %add3A_427 : i32 to index
        %swap3A_437 = arith.constant 0 : index
        %swap3A_438 = tpu.vector_load %arg12[%swap3A_436, %swap3A_437] {strides = array<i32>} : memref<128x32xf32, #tpu.memory_space<vmem>>, vector<1x16xf32>,
        %swap3A_439 = vector.shape_cast %swap3A_438 : vector<1x16xf32> to vector<16xf32>
        %swap3A_440 = vector.shape_cast %mul3A_435 : vector<16xf32> to vector<1x16xf32>
        tpu.vector_store %arg12[%swap3A_436, %swap3A_437], %swap3A_440 {strides = array<i32>} : memref<128x32xf32, #tpu.memory_space<vmem>>, vector<1x16xf32>,
        %get3A_441 = arith.index_cast %add3A_427 : i32 to index
        %get3A_442 = arith.constant 16 : index
        %get3A_443 = tpu.vector_load %arg12[%get3A_441, %get3A_442] {strides = array<i32>} : memref<128x32xf32, #tpu.memory_space<vmem>>, vector<1x16xf32>,
        %get3A_444 = vector.shape_cast %get3A_443 : vector<1x16xf32> to vector<16xf32>
        %slice3A_445 = vector.extract_strided_slice %get3A_186 {offsets = [8], sizes = [1], strides = [1]} : vector<16xf32> to vector<1xf32>
        %squeeze3A_446 = vector.extract %slice3A_445[0] : f32 from vector<1xf32>
        %mul3A_447 = vector.broadcast %squeeze3A_446 : f32 to vector<16xf32>
        %mul3A_448 = arith.mulf %get3A_444, %mul3A_447 : vector<16xf32>
        %swap3A_449 = arith.index_cast %add3A_427 : i32 to index
        %swap3A_450 = arith.constant 16 : index
        %swap3A_451 = tpu.vector_load %arg12[%swap3A_449, %swap3A_450] {strides = array<i32>} : memref<128x32xf32, #tpu.memory_space<vmem>>, vector<1x16xf32>,
        %swap3A_452 = vector.shape_cast %swap3A_451 : vector<1x16xf32> to vector<16xf32>
        %swap3A_453 = vector.shape_cast %mul3A_448 : vector<16xf32> to vector<1x16xf32>
        tpu.vector_store %arg12[%swap3A_449, %swap3A_450], %swap3A_453 {strides = array<i32>} : memref<128x32xf32, #tpu.memory_space<vmem>>, vector<1x16xf32>,
        %mul3A_454 = arith.constant 16 : i32
        %mul3A_455 = arith.muli %scan3A_178, %mul3A_454 : i32
        %add3A_456 = arith.constant 9 : i32
        %add3A_457 = arith.addi %mul3A_455, %add3A_456 : i32
        %get3A_458 = arith.index_cast %add3A_457 : i32 to index
        %get3A_459 = arith.constant 0 : index
        %get3A_460 = tpu.vector_load %arg12[%get3A_458, %get3A_459] {strides = array<i32>} : memref<128x32xf32, #tpu.memory_space<vmem>>, vector<1x16xf32>,
        %get3A_461 = vector.shape_cast %get3A_460 : vector<1x16xf32> to vector<16xf32>
        %slice3A_462 = vector.extract_strided_slice %get3A_186 {offsets = [9], sizes = [1], strides = [1]} : vector<16xf32> to vector<1xf32>
        %squeeze3A_463 = vector.extract %slice3A_462[0] : f32 from vector<1xf32>
        %mul3A_464 = vector.broadcast %squeeze3A_463 : f32 to vector<16xf32>
        %mul3A_465 = arith.mulf %get3A_461, %mul3A_464 : vector<16xf32>
        %swap3A_466 = arith.index_cast %add3A_457 : i32 to index
        %swap3A_467 = arith.constant 0 : index
        %swap3A_468 = tpu.vector_load %arg12[%swap3A_466, %swap3A_467] {strides = array<i32>} : memref<128x32xf32, #tpu.memory_space<vmem>>, vector<1x16xf32>,
        %swap3A_469 = vector.shape_cast %swap3A_468 : vector<1x16xf32> to vector<16xf32>
        %swap3A_470 = vector.shape_cast %mul3A_465 : vector<16xf32> to vector<1x16xf32>
        tpu.vector_store %arg12[%swap3A_466, %swap3A_467], %swap3A_470 {strides = array<i32>} : memref<128x32xf32, #tpu.memory_space<vmem>>, vector<1x16xf32>,
        %get3A_471 = arith.index_cast %add3A_457 : i32 to index
        %get3A_472 = arith.constant 16 : index
        %get3A_473 = tpu.vector_load %arg12[%get3A_471, %get3A_472] {strides = array<i32>} : memref<128x32xf32, #tpu.memory_space<vmem>>, vector<1x16xf32>,
        %get3A_474 = vector.shape_cast %get3A_473 : vector<1x16xf32> to vector<16xf32>
        %slice3A_475 = vector.extract_strided_slice %get3A_186 {offsets = [9], sizes = [1], strides = [1]} : vector<16xf32> to vector<1xf32>
        %squeeze3A_476 = vector.extract %slice3A_475[0] : f32 from vector<1xf32>
        %mul3A_477 = vector.broadcast %squeeze3A_476 : f32 to vector<16xf32>
        %mul3A_478 = arith.mulf %get3A_474, %mul3A_477 : vector<16xf32>
        %swap3A_479 = arith.index_cast %add3A_457 : i32 to index
        %swap3A_480 = arith.constant 16 : index
        %swap3A_481 = tpu.vector_load %arg12[%swap3A_479, %swap3A_480] {strides = array<i32>} : memref<128x32xf32, #tpu.memory_space<vmem>>, vector<1x16xf32>,
        %swap3A_482 = vector.shape_cast %swap3A_481 : vector<1x16xf32> to vector<16xf32>
        %swap3A_483 = vector.shape_cast %mul3A_478 : vector<16xf32> to vector<1x16xf32>
        tpu.vector_store %arg12[%swap3A_479, %swap3A_480], %swap3A_483 {strides = array<i32>} : memref<128x32xf32, #tpu.memory_space<vmem>>, vector<1x16xf32>,
        %mul3A_484 = arith.constant 16 : i32
        %mul3A_485 = arith.muli %scan3A_178, %mul3A_484 : i32
        %add3A_486 = arith.constant 10 : i32
        %add3A_487 = arith.addi %mul3A_485, %add3A_486 : i32
        %get3A_488 = arith.index_cast %add3A_487 : i32 to index
        %get3A_489 = arith.constant 0 : index
        %get3A_490 = tpu.vector_load %arg12[%get3A_488, %get3A_489] {strides = array<i32>} : memref<128x32xf32, #tpu.memory_space<vmem>>, vector<1x16xf32>,
        %get3A_491 = vector.shape_cast %get3A_490 : vector<1x16xf32> to vector<16xf32>
        %slice3A_492 = vector.extract_strided_slice %get3A_186 {offsets = [10], sizes = [1], strides = [1]} : vector<16xf32> to vector<1xf32>
        %squeeze3A_493 = vector.extract %slice3A_492[0] : f32 from vector<1xf32>
        %mul3A_494 = vector.broadcast %squeeze3A_493 : f32 to vector<16xf32>
        %mul3A_495 = arith.mulf %get3A_491, %mul3A_494 : vector<16xf32>
        %swap3A_496 = arith.index_cast %add3A_487 : i32 to index
        %swap3A_497 = arith.constant 0 : index
        %swap3A_498 = tpu.vector_load %arg12[%swap3A_496, %swap3A_497] {strides = array<i32>} : memref<128x32xf32, #tpu.memory_space<vmem>>, vector<1x16xf32>,
        %swap3A_499 = vector.shape_cast %swap3A_498 : vector<1x16xf32> to vector<16xf32>
        %swap3A_500 = vector.shape_cast %mul3A_495 : vector<16xf32> to vector<1x16xf32>
        tpu.vector_store %arg12[%swap3A_496, %swap3A_497], %swap3A_500 {strides = array<i32>} : memref<128x32xf32, #tpu.memory_space<vmem>>, vector<1x16xf32>,
        %get3A_501 = arith.index_cast %add3A_487 : i32 to index
        %get3A_502 = arith.constant 16 : index
        %get3A_503 = tpu.vector_load %arg12[%get3A_501, %get3A_502] {strides = array<i32>} : memref<128x32xf32, #tpu.memory_space<vmem>>, vector<1x16xf32>,
        %get3A_504 = vector.shape_cast %get3A_503 : vector<1x16xf32> to vector<16xf32>
        %slice3A_505 = vector.extract_strided_slice %get3A_186 {offsets = [10], sizes = [1], strides = [1]} : vector<16xf32> to vector<1xf32>
        %squeeze3A_506 = vector.extract %slice3A_505[0] : f32 from vector<1xf32>
        %mul3A_507 = vector.broadcast %squeeze3A_506 : f32 to vector<16xf32>
        %mul3A_508 = arith.mulf %get3A_504, %mul3A_507 : vector<16xf32>
        %swap3A_509 = arith.index_cast %add3A_487 : i32 to index
        %swap3A_510 = arith.constant 16 : index
        %swap3A_511 = tpu.vector_load %arg12[%swap3A_509, %swap3A_510] {strides = array<i32>} : memref<128x32xf32, #tpu.memory_space<vmem>>, vector<1x16xf32>,
        %swap3A_512 = vector.shape_cast %swap3A_511 : vector<1x16xf32> to vector<16xf32>
        %swap3A_513 = vector.shape_cast %mul3A_508 : vector<16xf32> to vector<1x16xf32>
        tpu.vector_store %arg12[%swap3A_509, %swap3A_510], %swap3A_513 {strides = array<i32>} : memref<128x32xf32, #tpu.memory_space<vmem>>, vector<1x16xf32>,
        %mul3A_514 = arith.constant 16 : i32
        %mul3A_515 = arith.muli %scan3A_178, %mul3A_514 : i32
        %add3A_516 = arith.constant 11 : i32
        %add3A_517 = arith.addi %mul3A_515, %add3A_516 : i32
        %get3A_518 = arith.index_cast %add3A_517 : i32 to index
        %get3A_519 = arith.constant 0 : index
        %get3A_520 = tpu.vector_load %arg12[%get3A_518, %get3A_519] {strides = array<i32>} : memref<128x32xf32, #tpu.memory_space<vmem>>, vector<1x16xf32>,
        %get3A_521 = vector.shape_cast %get3A_520 : vector<1x16xf32> to vector<16xf32>
        %slice3A_522 = vector.extract_strided_slice %get3A_186 {offsets = [11], sizes = [1], strides = [1]} : vector<16xf32> to vector<1xf32>
        %squeeze3A_523 = vector.extract %slice3A_522[0] : f32 from vector<1xf32>
        %mul3A_524 = vector.broadcast %squeeze3A_523 : f32 to vector<16xf32>
        %mul3A_525 = arith.mulf %get3A_521, %mul3A_524 : vector<16xf32>
        %swap3A_526 = arith.index_cast %add3A_517 : i32 to index
        %swap3A_527 = arith.constant 0 : index
        %swap3A_528 = tpu.vector_load %arg12[%swap3A_526, %swap3A_527] {strides = array<i32>} : memref<128x32xf32, #tpu.memory_space<vmem>>, vector<1x16xf32>,
        %swap3A_529 = vector.shape_cast %swap3A_528 : vector<1x16xf32> to vector<16xf32>
        %swap3A_530 = vector.shape_cast %mul3A_525 : vector<16xf32> to vector<1x16xf32>
        tpu.vector_store %arg12[%swap3A_526, %swap3A_527], %swap3A_530 {strides = array<i32>} : memref<128x32xf32, #tpu.memory_space<vmem>>, vector<1x16xf32>,
        %get3A_531 = arith.index_cast %add3A_517 : i32 to index
        %get3A_532 = arith.constant 16 : index
        %get3A_533 = tpu.vector_load %arg12[%get3A_531, %get3A_532] {strides = array<i32>} : memref<128x32xf32, #tpu.memory_space<vmem>>, vector<1x16xf32>,
        %get3A_534 = vector.shape_cast %get3A_533 : vector<1x16xf32> to vector<16xf32>
        %slice3A_535 = vector.extract_strided_slice %get3A_186 {offsets = [11], sizes = [1], strides = [1]} : vector<16xf32> to vector<1xf32>
        %squeeze3A_536 = vector.extract %slice3A_535[0] : f32 from vector<1xf32>
        %mul3A_537 = vector.broadcast %squeeze3A_536 : f32 to vector<16xf32>
        %mul3A_538 = arith.mulf %get3A_534, %mul3A_537 : vector<16xf32>
        %swap3A_539 = arith.index_cast %add3A_517 : i32 to index
        %swap3A_540 = arith.constant 16 : index
        %swap3A_541 = tpu.vector_load %arg12[%swap3A_539, %swap3A_540] {strides = array<i32>} : memref<128x32xf32, #tpu.memory_space<vmem>>, vector<1x16xf32>,
        %swap3A_542 = vector.shape_cast %swap3A_541 : vector<1x16xf32> to vector<16xf32>
        %swap3A_543 = vector.shape_cast %mul3A_538 : vector<16xf32> to vector<1x16xf32>
        tpu.vector_store %arg12[%swap3A_539, %swap3A_540], %swap3A_543 {strides = array<i32>} : memref<128x32xf32, #tpu.memory_space<vmem>>, vector<1x16xf32>,
        %mul3A_544 = arith.constant 16 : i32
        %mul3A_545 = arith.muli %scan3A_178, %mul3A_544 : i32
        %add3A_546 = arith.constant 12 : i32
        %add3A_547 = arith.addi %mul3A_545, %add3A_546 : i32
        %get3A_548 = arith.index_cast %add3A_547 : i32 to index
        %get3A_549 = arith.constant 0 : index
        %get3A_550 = tpu.vector_load %arg12[%get3A_548, %get3A_549] {strides = array<i32>} : memref<128x32xf32, #tpu.memory_space<vmem>>, vector<1x16xf32>,
        %get3A_551 = vector.shape_cast %get3A_550 : vector<1x16xf32> to vector<16xf32>
        %slice3A_552 = vector.extract_strided_slice %get3A_186 {offsets = [12], sizes = [1], strides = [1]} : vector<16xf32> to vector<1xf32>
        %squeeze3A_553 = vector.extract %slice3A_552[0] : f32 from vector<1xf32>
        %mul3A_554 = vector.broadcast %squeeze3A_553 : f32 to vector<16xf32>
        %mul3A_555 = arith.mulf %get3A_551, %mul3A_554 : vector<16xf32>
        %swap3A_556 = arith.index_cast %add3A_547 : i32 to index
        %swap3A_557 = arith.constant 0 : index
        %swap3A_558 = tpu.vector_load %arg12[%swap3A_556, %swap3A_557] {strides = array<i32>} : memref<128x32xf32, #tpu.memory_space<vmem>>, vector<1x16xf32>,
        %swap3A_559 = vector.shape_cast %swap3A_558 : vector<1x16xf32> to vector<16xf32>
        %swap3A_560 = vector.shape_cast %mul3A_555 : vector<16xf32> to vector<1x16xf32>
        tpu.vector_store %arg12[%swap3A_556, %swap3A_557], %swap3A_560 {strides = array<i32>} : memref<128x32xf32, #tpu.memory_space<vmem>>, vector<1x16xf32>,
        %get3A_561 = arith.index_cast %add3A_547 : i32 to index
        %get3A_562 = arith.constant 16 : index
        %get3A_563 = tpu.vector_load %arg12[%get3A_561, %get3A_562] {strides = array<i32>} : memref<128x32xf32, #tpu.memory_space<vmem>>, vector<1x16xf32>,
        %get3A_564 = vector.shape_cast %get3A_563 : vector<1x16xf32> to vector<16xf32>
        %slice3A_565 = vector.extract_strided_slice %get3A_186 {offsets = [12], sizes = [1], strides = [1]} : vector<16xf32> to vector<1xf32>
        %squeeze3A_566 = vector.extract %slice3A_565[0] : f32 from vector<1xf32>
        %mul3A_567 = vector.broadcast %squeeze3A_566 : f32 to vector<16xf32>
        %mul3A_568 = arith.mulf %get3A_564, %mul3A_567 : vector<16xf32>
        %swap3A_569 = arith.index_cast %add3A_547 : i32 to index
        %swap3A_570 = arith.constant 16 : index
        %swap3A_571 = tpu.vector_load %arg12[%swap3A_569, %swap3A_570] {strides = array<i32>} : memref<128x32xf32, #tpu.memory_space<vmem>>, vector<1x16xf32>,
        %swap3A_572 = vector.shape_cast %swap3A_571 : vector<1x16xf32> to vector<16xf32>
        %swap3A_573 = vector.shape_cast %mul3A_568 : vector<16xf32> to vector<1x16xf32>
        tpu.vector_store %arg12[%swap3A_569, %swap3A_570], %swap3A_573 {strides = array<i32>} : memref<128x32xf32, #tpu.memory_space<vmem>>, vector<1x16xf32>,
        %mul3A_574 = arith.constant 16 : i32
        %mul3A_575 = arith.muli %scan3A_178, %mul3A_574 : i32
        %add3A_576 = arith.constant 13 : i32
        %add3A_577 = arith.addi %mul3A_575, %add3A_576 : i32
        %get3A_578 = arith.index_cast %add3A_577 : i32 to index
        %get3A_579 = arith.constant 0 : index
        %get3A_580 = tpu.vector_load %arg12[%get3A_578, %get3A_579] {strides = array<i32>} : memref<128x32xf32, #tpu.memory_space<vmem>>, vector<1x16xf32>,
        %get3A_581 = vector.shape_cast %get3A_580 : vector<1x16xf32> to vector<16xf32>
        %slice3A_582 = vector.extract_strided_slice %get3A_186 {offsets = [13], sizes = [1], strides = [1]} : vector<16xf32> to vector<1xf32>
        %squeeze3A_583 = vector.extract %slice3A_582[0] : f32 from vector<1xf32>
        %mul3A_584 = vector.broadcast %squeeze3A_583 : f32 to vector<16xf32>
        %mul3A_585 = arith.mulf %get3A_581, %mul3A_584 : vector<16xf32>
        %swap3A_586 = arith.index_cast %add3A_577 : i32 to index
        %swap3A_587 = arith.constant 0 : index
        %swap3A_588 = tpu.vector_load %arg12[%swap3A_586, %swap3A_587] {strides = array<i32>} : memref<128x32xf32, #tpu.memory_space<vmem>>, vector<1x16xf32>,
        %swap3A_589 = vector.shape_cast %swap3A_588 : vector<1x16xf32> to vector<16xf32>
        %swap3A_590 = vector.shape_cast %mul3A_585 : vector<16xf32> to vector<1x16xf32>
        tpu.vector_store %arg12[%swap3A_586, %swap3A_587], %swap3A_590 {strides = array<i32>} : memref<128x32xf32, #tpu.memory_space<vmem>>, vector<1x16xf32>,
        %get3A_591 = arith.index_cast %add3A_577 : i32 to index
        %get3A_592 = arith.constant 16 : index
        %get3A_593 = tpu.vector_load %arg12[%get3A_591, %get3A_592] {strides = array<i32>} : memref<128x32xf32, #tpu.memory_space<vmem>>, vector<1x16xf32>,
        %get3A_594 = vector.shape_cast %get3A_593 : vector<1x16xf32> to vector<16xf32>
        %slice3A_595 = vector.extract_strided_slice %get3A_186 {offsets = [13], sizes = [1], strides = [1]} : vector<16xf32> to vector<1xf32>
        %squeeze3A_596 = vector.extract %slice3A_595[0] : f32 from vector<1xf32>
        %mul3A_597 = vector.broadcast %squeeze3A_596 : f32 to vector<16xf32>
        %mul3A_598 = arith.mulf %get3A_594, %mul3A_597 : vector<16xf32>
        %swap3A_599 = arith.index_cast %add3A_577 : i32 to index
        %swap3A_600 = arith.constant 16 : index
        %swap3A_601 = tpu.vector_load %arg12[%swap3A_599, %swap3A_600] {strides = array<i32>} : memref<128x32xf32, #tpu.memory_space<vmem>>, vector<1x16xf32>,
        %swap3A_602 = vector.shape_cast %swap3A_601 : vector<1x16xf32> to vector<16xf32>
        %swap3A_603 = vector.shape_cast %mul3A_598 : vector<16xf32> to vector<1x16xf32>
        tpu.vector_store %arg12[%swap3A_599, %swap3A_600], %swap3A_603 {strides = array<i32>} : memref<128x32xf32, #tpu.memory_space<vmem>>, vector<1x16xf32>,
        %mul3A_604 = arith.constant 16 : i32
        %mul3A_605 = arith.muli %scan3A_178, %mul3A_604 : i32
        %add3A_606 = arith.constant 14 : i32
        %add3A_607 = arith.addi %mul3A_605, %add3A_606 : i32
        %get3A_608 = arith.index_cast %add3A_607 : i32 to index
        %get3A_609 = arith.constant 0 : index
        %get3A_610 = tpu.vector_load %arg12[%get3A_608, %get3A_609] {strides = array<i32>} : memref<128x32xf32, #tpu.memory_space<vmem>>, vector<1x16xf32>,
        %get3A_611 = vector.shape_cast %get3A_610 : vector<1x16xf32> to vector<16xf32>
        %slice3A_612 = vector.extract_strided_slice %get3A_186 {offsets = [14], sizes = [1], strides = [1]} : vector<16xf32> to vector<1xf32>
        %squeeze3A_613 = vector.extract %slice3A_612[0] : f32 from vector<1xf32>
        %mul3A_614 = vector.broadcast %squeeze3A_613 : f32 to vector<16xf32>
        %mul3A_615 = arith.mulf %get3A_611, %mul3A_614 : vector<16xf32>
        %swap3A_616 = arith.index_cast %add3A_607 : i32 to index
        %swap3A_617 = arith.constant 0 : index
        %swap3A_618 = tpu.vector_load %arg12[%swap3A_616, %swap3A_617] {strides = array<i32>} : memref<128x32xf32, #tpu.memory_space<vmem>>, vector<1x16xf32>,
        %swap3A_619 = vector.shape_cast %swap3A_618 : vector<1x16xf32> to vector<16xf32>
        %swap3A_620 = vector.shape_cast %mul3A_615 : vector<16xf32> to vector<1x16xf32>
        tpu.vector_store %arg12[%swap3A_616, %swap3A_617], %swap3A_620 {strides = array<i32>} : memref<128x32xf32, #tpu.memory_space<vmem>>, vector<1x16xf32>,
        %get3A_621 = arith.index_cast %add3A_607 : i32 to index
        %get3A_622 = arith.constant 16 : index
        %get3A_623 = tpu.vector_load %arg12[%get3A_621, %get3A_622] {strides = array<i32>} : memref<128x32xf32, #tpu.memory_space<vmem>>, vector<1x16xf32>,
        %get3A_624 = vector.shape_cast %get3A_623 : vector<1x16xf32> to vector<16xf32>
        %slice3A_625 = vector.extract_strided_slice %get3A_186 {offsets = [14], sizes = [1], strides = [1]} : vector<16xf32> to vector<1xf32>
        %squeeze3A_626 = vector.extract %slice3A_625[0] : f32 from vector<1xf32>
        %mul3A_627 = vector.broadcast %squeeze3A_626 : f32 to vector<16xf32>
        %mul3A_628 = arith.mulf %get3A_624, %mul3A_627 : vector<16xf32>
        %swap3A_629 = arith.index_cast %add3A_607 : i32 to index
        %swap3A_630 = arith.constant 16 : index
        %swap3A_631 = tpu.vector_load %arg12[%swap3A_629, %swap3A_630] {strides = array<i32>} : memref<128x32xf32, #tpu.memory_space<vmem>>, vector<1x16xf32>,
        %swap3A_632 = vector.shape_cast %swap3A_631 : vector<1x16xf32> to vector<16xf32>
        %swap3A_633 = vector.shape_cast %mul3A_628 : vector<16xf32> to vector<1x16xf32>
        tpu.vector_store %arg12[%swap3A_629, %swap3A_630], %swap3A_633 {strides = array<i32>} : memref<128x32xf32, #tpu.memory_space<vmem>>, vector<1x16xf32>,
        %mul3A_634 = arith.constant 16 : i32
        %mul3A_635 = arith.muli %scan3A_178, %mul3A_634 : i32
        %add3A_636 = arith.constant 15 : i32
        %add3A_637 = arith.addi %mul3A_635, %add3A_636 : i32
        %get3A_638 = arith.index_cast %add3A_637 : i32 to index
        %get3A_639 = arith.constant 0 : index
        %get3A_640 = tpu.vector_load %arg12[%get3A_638, %get3A_639] {strides = array<i32>} : memref<128x32xf32, #tpu.memory_space<vmem>>, vector<1x16xf32>,
        %get3A_641 = vector.shape_cast %get3A_640 : vector<1x16xf32> to vector<16xf32>
        %slice3A_642 = vector.extract_strided_slice %get3A_186 {offsets = [15], sizes = [1], strides = [1]} : vector<16xf32> to vector<1xf32>
        %squeeze3A_643 = vector.extract %slice3A_642[0] : f32 from vector<1xf32>
        %mul3A_644 = vector.broadcast %squeeze3A_643 : f32 to vector<16xf32>
        %mul3A_645 = arith.mulf %get3A_641, %mul3A_644 : vector<16xf32>
        %swap3A_646 = arith.index_cast %add3A_637 : i32 to index
        %swap3A_647 = arith.constant 0 : index
        %swap3A_648 = tpu.vector_load %arg12[%swap3A_646, %swap3A_647] {strides = array<i32>} : memref<128x32xf32, #tpu.memory_space<vmem>>, vector<1x16xf32>,
        %swap3A_649 = vector.shape_cast %swap3A_648 : vector<1x16xf32> to vector<16xf32>
        %swap3A_650 = vector.shape_cast %mul3A_645 : vector<16xf32> to vector<1x16xf32>
        tpu.vector_store %arg12[%swap3A_646, %swap3A_647], %swap3A_650 {strides = array<i32>} : memref<128x32xf32, #tpu.memory_space<vmem>>, vector<1x16xf32>,
        %get3A_651 = arith.index_cast %add3A_637 : i32 to index
        %get3A_652 = arith.constant 16 : index
        %get3A_653 = tpu.vector_load %arg12[%get3A_651, %get3A_652] {strides = array<i32>} : memref<128x32xf32, #tpu.memory_space<vmem>>, vector<1x16xf32>,
        %get3A_654 = vector.shape_cast %get3A_653 : vector<1x16xf32> to vector<16xf32>
        %slice3A_655 = vector.extract_strided_slice %get3A_186 {offsets = [15], sizes = [1], strides = [1]} : vector<16xf32> to vector<1xf32>
        %squeeze3A_656 = vector.extract %slice3A_655[0] : f32 from vector<1xf32>
        %mul3A_657 = vector.broadcast %squeeze3A_656 : f32 to vector<16xf32>
        %mul3A_658 = arith.mulf %get3A_654, %mul3A_657 : vector<16xf32>
        %swap3A_659 = arith.index_cast %add3A_637 : i32 to index
        %swap3A_660 = arith.constant 16 : index
        %swap3A_661 = tpu.vector_load %arg12[%swap3A_659, %swap3A_660] {strides = array<i32>} : memref<128x32xf32, #tpu.memory_space<vmem>>, vector<1x16xf32>,
        %swap3A_662 = vector.shape_cast %swap3A_661 : vector<1x16xf32> to vector<16xf32>
        %swap3A_663 = vector.shape_cast %mul3A_658 : vector<16xf32> to vector<1x16xf32>
        tpu.vector_store %arg12[%swap3A_659, %swap3A_660], %swap3A_663 {strides = array<i32>} : memref<128x32xf32, #tpu.memory_space<vmem>>, vector<1x16xf32>,
        %scan3A_664 = arith.constant 0 : i32
        scf.yield %scan3A_664 : i32
      }
      %scan3A_170 = arith.constant 8 : i32
      %mul3A_171 = arith.constant 128 : i32
      %mul3A_172 = arith.muli %add3A_148, %mul3A_171 : i32
      %dma_start3A_173 = tpu.memref_slice %arg8[%mul3A_172] : memref<8448xi32, #tpu.memory_space<vmem>> -> memref<128xi32, #tpu.memory_space<vmem>>
      %dma_start3A_174 = arith.constant 0 : i32
      %dma_start3A_175 = arith.constant 0 : i32
      %dma_start3A_176 = tpu.memref_slice %arg13[%dma_start3A_174, %dma_start3A_175] : memref<16384x32xf32, #tpu.memory_space<vmem_shared>> -> memref<16384x32xf32, #tpu.memory_space<vmem_shared>>
      tpu.enqueue_indirect_dma source(%arg12 : memref<128x32xf32, #tpu.memory_space<vmem>>) target(%dma_start3A_176 : memref<16384x32xf32, #tpu.memory_space<vmem_shared>>) offsets(%dma_start3A_173 : memref<128xi32, #tpu.memory_space<vmem>>) semaphore(%arg24 : memref<!tpu.dma_semaphore, #tpu.memory_space<semaphore_mem>>) {add = true}
      %scan3A_177 = arith.constant 0 : i32
      scf.yield %scan3A_177 : i32
    }
    %scan3A_56 = arith.constant 22 : i32
    %dma_wait3A_57 = arith.constant 8064 : i32
    %dma_wait3A_58 = tpu.memref_slice %arg8[%dma_wait3A_57] : memref<8448xi32, #tpu.memory_space<vmem>> -> memref<128xi32, #tpu.memory_space<vmem>>
    %dma_wait3A_59 = arith.constant 0 : i32
    %dma_wait3A_60 = arith.constant 0 : i32
    %dma_wait3A_61 = tpu.memref_slice %arg13[%dma_wait3A_59, %dma_wait3A_60] : memref<16384x32xf32, #tpu.memory_space<vmem_shared>> -> memref<16384x32xf32, #tpu.memory_space<vmem_shared>>
    tpu.wait_indirect_dma semaphore(%arg22 : memref<!tpu.dma_semaphore, #tpu.memory_space<semaphore_mem>>) src(%arg10 : memref<128x32xf32, #tpu.memory_space<vmem>>) dst(%dma_wait3A_61 : memref<16384x32xf32, #tpu.memory_space<vmem_shared>>)
    %dma_wait3A_62 = arith.constant 8192 : i32
    %dma_wait3A_63 = tpu.memref_slice %arg8[%dma_wait3A_62] : memref<8448xi32, #tpu.memory_space<vmem>> -> memref<128xi32, #tpu.memory_space<vmem>>
    %dma_wait3A_64 = arith.constant 0 : i32
    %dma_wait3A_65 = arith.constant 0 : i32
    %dma_wait3A_66 = tpu.memref_slice %arg13[%dma_wait3A_64, %dma_wait3A_65] : memref<16384x32xf32, #tpu.memory_space<vmem_shared>> -> memref<16384x32xf32, #tpu.memory_space<vmem_shared>>
    tpu.wait_indirect_dma semaphore(%arg23 : memref<!tpu.dma_semaphore, #tpu.memory_space<semaphore_mem>>) src(%arg11 : memref<128x32xf32, #tpu.memory_space<vmem>>) dst(%dma_wait3A_66 : memref<16384x32xf32, #tpu.memory_space<vmem_shared>>)
    %dma_wait3A_67 = arith.constant 8320 : i32
    %dma_wait3A_68 = tpu.memref_slice %arg8[%dma_wait3A_67] : memref<8448xi32, #tpu.memory_space<vmem>> -> memref<128xi32, #tpu.memory_space<vmem>>
    %dma_wait3A_69 = arith.constant 0 : i32
    %dma_wait3A_70 = arith.constant 0 : i32
    %dma_wait3A_71 = tpu.memref_slice %arg13[%dma_wait3A_69, %dma_wait3A_70] : memref<16384x32xf32, #tpu.memory_space<vmem_shared>> -> memref<16384x32xf32, #tpu.memory_space<vmem_shared>>
    tpu.wait_indirect_dma semaphore(%arg24 : memref<!tpu.dma_semaphore, #tpu.memory_space<semaphore_mem>>) src(%arg12 : memref<128x32xf32, #tpu.memory_space<vmem>>) dst(%dma_wait3A_71 : memref<16384x32xf32, #tpu.memory_space<vmem_shared>>)
    %barrier3A_72 = arith.constant 0 : index
    tpu.barrier barrier_id(%barrier3A_72)
    %mul3A_73 = arith.constant 1024 : i32
    %mul3A_74 = arith.muli %arg1, %mul3A_73 : i32
    %mul3A_75 = arith.constant 16384 : i32
    %mul3A_76 = arith.muli %arg0, %mul3A_75 : i32
    %mul3A_77 = arith.constant 1024 : i32
    %mul3A_78 = arith.muli %arg1, %mul3A_77 : i32
    %add3A_79 = arith.addi %mul3A_76, %mul3A_78 : i32
    "tpu.region"() ({
      %run_scoped3A = tpu.sem_alloc : memref<!tpu.dma_semaphore, #tpu.memory_space<semaphore_mem>>
      %dma_start3A_80 = arith.constant 0 : i32
      %dma_start3A_81 = tpu.memref_slice %arg6[%add3A_79, %dma_start3A_80] : memref<32768x32xf32, #tpu.memory_space<hbm>> -> memref<1024x32xf32, #tpu.memory_space<hbm>>
      %dma_start3A_82 = arith.constant 0 : i32
      %dma_start3A_83 = tpu.memref_slice %arg13[%mul3A_74, %dma_start3A_82] : memref<16384x32xf32, #tpu.memory_space<vmem_shared>> -> memref<1024x32xf32, #tpu.memory_space<vmem_shared>>
      tpu.enqueue_dma source(%dma_start3A_83 : memref<1024x32xf32, #tpu.memory_space<vmem_shared>>) target(%dma_start3A_81 : memref<1024x32xf32, #tpu.memory_space<hbm>>) target_semaphore(%run_scoped3A : memref<!tpu.dma_semaphore, #tpu.memory_space<semaphore_mem>>)
      %dma_wait3A_84 = arith.constant 0 : i32
      %dma_wait3A_85 = tpu.memref_slice %arg6[%add3A_79, %dma_wait3A_84] : memref<32768x32xf32, #tpu.memory_space<hbm>> -> memref<1024x32xf32, #tpu.memory_space<hbm>>
      %dma_wait3A_86 = arith.constant 0 : i32
      %dma_wait3A_87 = tpu.memref_slice %arg13[%mul3A_74, %dma_wait3A_86] : memref<16384x32xf32, #tpu.memory_space<vmem_shared>> -> memref<1024x32xf32, #tpu.memory_space<vmem_shared>>
      tpu.wait_dma2 semaphore(%run_scoped3A : memref<!tpu.dma_semaphore, #tpu.memory_space<semaphore_mem>>) src(%dma_wait3A_87 : memref<1024x32xf32, #tpu.memory_space<vmem_shared>>) dst(%dma_wait3A_85 : memref<1024x32xf32, #tpu.memory_space<hbm>>)
      tpu.yield
    }) : () -> ()
    return
  }
}

module attributes {stable_mosaic.version = 14 : i64} {
  func.func @body(%arg0: i32, %arg1: memref<2048x1024xf32, #tpu.memory_space<vmem>>, %arg2: memref<1024x32xf32, #tpu.memory_space<vmem>>, %arg3: memref<1x32xf32, #tpu.memory_space<vmem>>, %arg4: memref<2048x32xf32, #tpu.memory_space<vmem>>) attributes {dimension_semantics = [#tpu.dimension_semantics<arbitrary>], iteration_bounds = array<i64: 8>, scalar_prefetch = 0 : i64, scratch_operands = 0 : i64, tpu.core_type = #tpu.core_type<tc>, window_params = [{transform_indices = @transform_0, window_bounds = array<i64: 2048, 1024>}, {pipeline_mode = #tpu.pipeline_mode<synchronous>, transform_indices = @transform_1, window_bounds = array<i64: 1024, 32>}, {pipeline_mode = #tpu.pipeline_mode<synchronous>, transform_indices = @transform_2, window_bounds = array<i64: 1, 32>}, {transform_indices = @transform_3, window_bounds = array<i64: 2048, 32>}]} {
    %get3A = arith.constant 0 : index
    %get3A_0 = arith.constant 0 : index
    %get3A_1 = vector.load %arg1[%get3A, %get3A_0] : memref<2048x1024xf32, #tpu.memory_space<vmem>>, vector<2048x1024xf32>
    %get3A_2 = arith.constant 0 : index
    %get3A_3 = arith.constant 0 : index
    %get3A_4 = vector.load %arg2[%get3A_2, %get3A_3] : memref<1024x32xf32, #tpu.memory_space<vmem>>, vector<1024x32xf32>
    %dot_general3A = arith.constant dense<0.000000e+00> : vector<2048x32xf32>
    %dot_general3A_5 = tpu.matmul %get3A_1, %get3A_4, %dot_general3A {dimension_numbers = #tpu.dot_dimension_numbers<[1], [0], [0], [1], [0, 0, 1, 1], [], []>, transpose_lhs_hint = false} : vector<2048x1024xf32>, vector<1024x32xf32>, vector<2048x32xf32> -> vector<2048x32xf32>
    %get3A_6 = arith.constant 0 : index
    %get3A_7 = arith.constant 0 : index
    %get3A_8 = vector.load %arg3[%get3A_6, %get3A_7] : memref<1x32xf32, #tpu.memory_space<vmem>>, vector<1x32xf32>
    %add3A = vector.broadcast %get3A_8 : vector<1x32xf32> to vector<2048x32xf32>
    %add3A_9 = arith.addf %dot_general3A_5, %add3A : vector<2048x32xf32>
    %swap3A = arith.constant 0 : index
    %swap3A_10 = arith.constant 0 : index
    %swap3A_11 = vector.load %arg4[%swap3A, %swap3A_10] : memref<2048x32xf32, #tpu.memory_space<vmem>>, vector<2048x32xf32>
    tpu.vector_store %arg4[%swap3A, %swap3A_10], %add3A_9 {strides = array<i32>} : memref<2048x32xf32, #tpu.memory_space<vmem>>, vector<2048x32xf32>,
    return
  }
  func.func @transform_0(%arg0: i32) -> (i32, i32) {
    %c0_i32 = arith.constant 0 : i32
    %c0_i32_0 = arith.constant 0 : i32
    return %arg0, %c0_i32 : i32, i32
  }
  func.func @transform_1(%arg0: i32) -> (i32, i32) {
    %c0_i32 = arith.constant 0 : i32
    %c0_i32_0 = arith.constant 0 : i32
    %c0_i32_1 = arith.constant 0 : i32
    return %c0_i32, %c0_i32_0 : i32, i32
  }
  func.func @transform_2(%arg0: i32) -> (i32, i32) {
    %c0_i32 = arith.constant 0 : i32
    %c0_i32_0 = arith.constant 0 : i32
    %c0_i32_1 = arith.constant 0 : i32
    return %c0_i32, %c0_i32_0 : i32, i32
  }
  func.func @transform_3(%arg0: i32) -> (i32, i32) {
    %c0_i32 = arith.constant 0 : i32
    %c0_i32_0 = arith.constant 0 : i32
    return %arg0, %c0_i32 : i32, i32
  }
}

</mosaic_0001>

<sc_bundles>
// kernel: kernel.5.cloned.1.call-start
scs
__scs_entry_jumppad:
0x0: {  	(pc) =	sbr.rel $0x88, $3  }
0x1: {  	(tag) =	ssettag $0x0;
	lr =	simm.s32 $0x1  }
0x2: {  	[smem:$0x3F9C] =	sst lr;
	_ =	strace $0xD0000000  }
0x3: {  	_ = 	snop  }
0x4: {  	_ = 	snop  }
0x5: {  	_ = 	snop  }
0x6: {  	_ = 	snop  }
0x7: {  	_ = 	snop  }
__scs_overlays_trampoline_lowered:
0x8: {  	[smem:$0x3FAB] =	sst s0  }
0x9: {  	[smem:$0x3FAC] =	sst s1  }
0xa: {  	[smem:$0x3FAD] =	sst s2  }
0xb: {  	[smem:$0x3FAE] =	sst s3  }
0xc: {  	[smem:$0x3FAF] =	sst s4  }
0xd: {  	[smem:$0x3FB0] =	sst s5  }
0xe: {  	[smem:$0x3FB1] =	sst s6  }
0xf: {  	[smem:$0x3FB2] =	sst s7  }
0x10: {  	[smem:$0x3FB3] =	sst s8  }
0x11: {  	[smem:$0x3FB4] =	sst s9;
	s0 =	simm.s32 @!p0 $0x0  }
0x12: {  	s1 =	sld [smem:$0x3F9A];
	s0 =	simm.s32 @p0 $0x1  }
0x13: {  	[smem:$0x3FB5] =	sst s0;
	s0 =	simm.s32 @!p1 $0x0  }
0x14: {  	s2 =	sld [smem:$0x3F99];
	s0 =	simm.s32 @p1 $0x1  }
0x15: {  	[smem:$0x3FB6] =	sst s0;
	s0 =	simm.s32 @!p2 $0x0  }
0x16: {  	s3 =	sld [smem:$0x3FDB];
	s0 =	simm.s32 @p2 $0x1  }
0x17: {  	s4 =	simm.s32 $0x1BF5;
	[smem:$0x3FB8] =	sst s0  }
0x18: {  	s0 =	sld [smem:$0x3F9B];
	_ =	swait.ge [sflag:s4], $0x0  }
0x19: {  	s7 =	sld [smem:$0x3F9C]  }
0x1a: {  	s8 =	sadd.s32 $0xFFFFE003, lr  }
0x1b: {  	s9 =	sadd.s32 $0xFFFFFEF7, lr;
	s5 =	simm.s32 $0xFFFFFFFF;
	p2 =	slt.u32 s8, $0xFFFFF086  }
0x1c: {  	p1 =	slt.u32 s9, $0xF7A;
	s5 =	simm.s32 @!p2 $0x0  }
0x1d: {  	s5 =	simm.s32 @p1 $0x1;
	p0 =	seq.s32 s7, s2  }
0x1e: {  	s7 =	smul.u32 @!p0 $0xF7A, s2;
	p2 =	seq.s32 @!p0 s5, $0x0  }
0x1f: {  	s9 =	smul.u32 $0xF7A, s1;
	s8 =	simm.s32 @!p0 $0x1BF5;
	p2 =	por !p2, p0  }
0x20: {  	[sflag:s8] =	ssyncset.s32 @!p0 $0xFFFFF086;
	s6 =	sadd.s32 @!p0 s3, s7;
	s7 =	simm.s32 @!p0 $0x108  }
0x21: {  	s3 =	sadd.s32 s3, s9;
	s6 =	sadd.s32 @!p0 $0x88, s6;
	s7 =	simm.s32 @p2 $0x1082  }
0x22: {  	[simem:s7], [sflag:s8] =	dma.local @!p0 [hbm:s6], $0xF7A  }
0x23: {  	s9 =	sor.u32 $0xD0000000, s2;
	s6 =	simm.s32 $0x108;
	_ =	swait.ge @!p0 [sflag:s8], $0x0  }
0x24: {  	s3 =	sadd.s32 $0x88, s3;
	s6 =	simm.s32 @!p1 $0x1082;
	[sflag:s4] =	ssyncset.s32 $0xFFFFF086  }
0x25: {  	[simem:s6], [sflag:s4] =	dma.local [hbm:s3], $0xF7A  }
0x26: {  	[smem:$0x3F9C] =	sst s1;
	(tag) =	ssettag s2;
	_ =	strace s9  }
0x27: {  	s1 =	sld [smem:$0x3FAC]  }
0x28: {  	s2 =	sld [smem:$0x3FAD]  }
0x29: {  	s4 =	sld [smem:$0x3FAF]  }
0x2a: {  	p0 =	seq.s32 s5, $0x0;
	s5 =	sld [smem:$0x3FB0]  }
0x2b: {  	s6 =	sld [smem:$0x3FB1]  }
0x2c: {  	s7 =	sld [smem:$0x3FB2]  }
0x2d: {  	s3 =	simm.s32 $0x108;
	s8 =	sld [smem:$0x3FB3]  }
0x2e: {  	s3 =	simm.s32 @!p0 $0x1082;
	s9 =	sld [smem:$0x3FB4]  }
0x2f: {  	lr =	sadd.s32 s0, s3;
	s0 =	sld [smem:$0x3FAB]  }
0x30: {  	s3 =	sld [smem:$0x3FAE]  }
0x31: {  	[smem:$0x3FB7] =	sst s10  }
0x32: {  	s10 =	sld [smem:$0x3FB5];
	_ =	sdelay $0x3  }
0x33: {  	p0 =	seq.s32 s10, $0x1;
	s10 =	sld [smem:$0x3FB7];
	_ =	sdelay $0x3  }
0x34: {  	[smem:$0x3FB7] =	sst s10  }
0x35: {  	s10 =	sld [smem:$0x3FB6];
	_ =	sdelay $0x3  }
0x36: {  	p1 =	seq.s32 s10, $0x1;
	s10 =	sld [smem:$0x3FB7];
	_ =	sdelay $0x3  }
0x37: {  	[smem:$0x3FB7] =	sst s10  }
0x38: {  	s10 =	sld [smem:$0x3FB8]  }
0x39: {  	_ = 	snop;
	(pc) =	sbr.ind lr, $3  }
0x3a: {  	_ = 	snop  }
0x3b: {  	_ = 	snop  }
0x3c: {  	p2 =	seq.s32 s10, $0x1;
	s10 =	sld [smem:$0x3FB7]  }
0x3d: {  	_ =	shalt  }
0x3e: {  	_ =	shalt  }
0x3f: {  	_ =	shalt  }
0x40: {  	_ =	shalt  }
0x41: {  	_ =	shalt  }
0x42: {  	_ =	shalt  }
0x43: {  	_ =	shalt  }
0x44: {  	_ =	shalt  }
0x45: {  	_ =	shalt  }
0x46: {  	_ =	shalt  }
0x47: {  	_ =	shalt  }
0x48: {  	_ =	shalt  }
0x49: {  	_ =	shalt  }
0x4a: {  	_ =	shalt  }
0x4b: {  	_ =	shalt  }
0x4c: {  	_ =	shalt  }
0x4d: {  	_ =	shalt  }
0x4e: {  	_ =	shalt  }
0x4f: {  	_ =	shalt  }
0x50: {  	_ =	shalt  }
0x51: {  	_ =	shalt  }
0x52: {  	_ =	shalt  }
0x53: {  	_ =	shalt  }
0x54: {  	_ =	shalt  }
0x55: {  	_ =	shalt  }
0x56: {  	_ =	shalt  }
0x57: {  	_ =	shalt  }
0x58: {  	_ =	shalt  }
0x59: {  	_ =	shalt  }
0x5a: {  	_ =	shalt  }
0x5b: {  	_ =	shalt  }
0x5c: {  	_ =	shalt  }
0x5d: {  	_ =	shalt  }
0x5e: {  	_ =	shalt  }
0x5f: {  	_ =	shalt  }
0x60: {  	_ =	shalt  }
0x61: {  	_ =	shalt  }
0x62: {  	_ =	shalt  }
0x63: {  	_ =	shalt  }
0x64: {  	_ =	shalt  }
0x65: {  	_ =	shalt  }
0x66: {  	_ =	shalt  }
0x67: {  	_ =	shalt  }
0x68: {  	_ =	shalt  }
0x69: {  	_ =	shalt  }
0x6a: {  	_ =	shalt  }
0x6b: {  	_ =	shalt  }
0x6c: {  	_ =	shalt  }
0x6d: {  	_ =	shalt  }
0x6e: {  	_ =	shalt  }
0x6f: {  	_ =	shalt  }
0x70: {  	_ =	shalt  }
0x71: {  	_ =	shalt  }
0x72: {  	_ =	shalt  }
0x73: {  	_ =	shalt  }
0x74: {  	_ =	shalt  }
0x75: {  	_ =	shalt  }
0x76: {  	_ =	shalt  }
0x77: {  	_ =	shalt  }
0x78: {  	_ =	shalt  }
0x79: {  	_ =	shalt  }
0x7a: {  	_ =	shalt  }
0x7b: {  	_ =	shalt  }
0x7c: {  	_ =	shalt  }
0x7d: {  	_ =	shalt  }
0x7e: {  	_ =	shalt  }
0x7f: {  	_ =	shalt  }
0x80: {  	_ =	shalt  }
0x81: {  	_ =	shalt  }
0x82: {  	_ =	shalt  }
0x83: {  	_ =	shalt  }
0x84: {  	_ =	shalt  }
0x85: {  	_ =	shalt  }
0x86: {  	_ =	shalt  }
0x87: {  	_ =	shalt  }
.Lfunc_end0:
.L_simem_size_0:
called_computation_lowered:
.L_overlay_start_0:
0x88: {  	s2 =	sld [smem:$0x3FD9]  }
0x89: {  	s3 =	sld [smem:$0x3FFE];
	_ =	sdelay $0x1  }
0x8a: {  	s1 =	srdreg.scid  }
0x8b: {  	s0 =	sand.u32 $0x1, s1  }
0x8c: {  	s17 =	sshll.u32 s0, $0xA;
	s2 =	sadd.s32 s3, s2  }
0x8d: {  	s2 =	sadd.s32 s2, s17  }
0x8e: {  	[smem:$0x3FC3] =	sst s2  }
0x8f: {  	_ = 	snop  }
0x90: {  	s2 =	sld [smem:$0x3FC8]  }
0x91: {  	s18 =	sld [smem:$0x3FD0];
	(tm) =	ssettm $0x1  }
0x92: {  	s4 =	sld [smem:$0x3FFB];
	_ =	sdelay $0x3  }
0x93: {  	_ =	strace s4  }
0x94: {  	s4 =	sld [smem:$0x3FFC];
	_ =	sdelay $0x3  }
0x95: {  	_ =	strace s4  }
0x96: {  	s4 =	sld [smem:$0x3FFD];
	_ =	sdelay $0x3  }
0x97: {  	_ =	strace s4  }
0x98: {  	_ =	strace $0x8FFFFFFF  }
0x99: {  	s19 =	sld [smem:$0x3FDB];
	_ =	sdelay $0x1  }
0x9a: {  	s5 =	simm.s32 $_scs_section_size  }
0x9b: {  	s6 =	simm.s32 $_size__tile_overlayer_lowered;
	s7 =	simm.s32 $_tile_overlayer_lowered  }
0x9c: {  	s22 =	simm.s32 $0x1BFF;
	s21 =	sshll.u32 s7, $0x1;
	s4 =	sadd.s32 s5, s19  }
0x9d: {  	s8 =	simm.s32 $0x0;
	s20 =	sshll.u32 s6, $0x1;
	s6 =	sadd.s32 s21, s4  }
0x9e: {  	[timem:s8], [sflag:s22] =	dma.local [hbm:s6], s20  }
0x9f: {  	_ =	swait.ge [sflag:s22], s20  }
0xa0: {  	s5 =	ssub.s32 $0x0, s20;
	[sflag:s22] =	ssyncset.done $0x0  }
0xa1: {  	[sflag:s22] =	ssyncadd.s32 s5;
	_ =	sdelay $0x1  }
0xa2: {  	s23 =	simm.s32 $0x1B8B  }
0xa3: {  	_ =	swait.ge [sflag:s23], $0x1  }
0xa4: {  	[sflag:s23] =	ssyncset.done $0x0  }
0xa5: {  	s25 =	simm.s32 $0x1B8E;
	s24 =	sld [smem:$0x3FFE];
	[sflag:s23] =	ssyncadd.s32 $0xFFFFFFFF  }
0xa6: {  	s26 =	simm.s32 $execute0_lowered;
	[smem:$0x3FD2] =	sst s25  }
0xa7: {  	s6 =	sshll.u32 s26, $0x1;
	_ =	strace $0x80000046;
	[dreg:$0x1] =	wrdreg $0xFFFFFFFF  }
0xa8: {  	s28 =	simm.s32 $_size_execute0_lowered;
	s4 =	sadd.s32 s4, s6;
	[dreg:$0x0] =	wrdreg $0x0  }
0xa9: {  	s6 =	sshll.u32 s28, $0x1;
	[dreg:$0x2] =	wrdreg s4  }
0xaa: {  	[dreg:$0x3] =	wrdreg s6  }
0xab: {  	[dreg:$0x4] =	wrdreg $0xC0  }
0xac: {  	_ =	task [dreg:s8], $0x5FFFF  }
0xad: {  	[dreg:$0x1] =	wrdreg $0xFFFFFFFF  }
0xae: {  	[dreg:$0x0] =	wrdreg $0x60  }
0xaf: {  	[dreg:$0x2] =	wrdreg s24  }
0xb0: {  	[dreg:$0x3] =	wrdreg s2  }
0xb1: {  	[dreg:$0x4] =	wrdreg s18  }
0xb2: {  	[dreg:$0x5] =	wrdreg $0x113000  }
0xb3: {  	[dreg:$0x6] =	wrdreg $0x93000  }
0xb4: {  	[dreg:$0x7] =	wrdreg $0x9  }
0xb5: {  	_ =	task.clear_ibuf [dreg:s8], $0x8FFFF;
	_ =	strace $0x90000046  }
0xb6: {  	s29 =	simm.s32 $0x9;
	_ =	strace $0x80000048  }
0xb7: {  	_ =	swait.ge [sflag:s29], $0x1  }
0xb8: {  	[sflag:s29] =	ssyncadd.s32 $0xFFFFFFFF  }
0xb9: {  	_ =	strace $0x90000048  }
0xba: {  	_ =	sfence  }
0xbb: {  	s30 =	sld [smem:$0x0];
	_ =	sdelay $0x2  }
0xbc: {  	s31 =	sshll.u32 s1, $0xD;
	s1 =	sshrl.u32 s1, $0x2  }
0xbd: {  	s3 =	sand.u32 $0x4000, s31;
	s1 =	sadd.s32 s1, s30  }
0xbe: {  	s0 =	sor.u32 s3, s0;
	s1 =	sshll.u32 s1, $0x11  }
0xbf: {  	s0 =	sor.u32 s1, s0  }
0xc0: {  	s0 =	sadd.s32 $0x8F2B, s0  }
0xc1: {  	[sflag:s0] =	ssyncadd.remote.s32 $0x1  }
0xc2: {  	_ =	sfence.sel $0xFFFF  }
0xc3: {  	[dreg:$0x0] =	wrdreg $0xFFFFFFFF;
	(pc) =	sbr.abs _section_cstart, $3  }
0xc4: {  	[dreg:$0x1] =	wrdreg $0xFFFFFFFF  }
0xc5: {  	_ =	task.clear_ibuf [dreg:s8], $0x2FFFF;
	_ =	strace $0x9FFFFFFF  }
0xc6: {  	(tm) =	ssettm $0x7FFFFFFF  }
0xc7: {  	_ =	shalt  }
tec
execute0_lowered:
.L_overlay_start_1:
0x0: {  	(tag) =	ssettag $0x1  }
0x1: {  	s0 =	rddreg [dreg:$0x0]  }
0x2: {  	s3 =	rddreg [dreg:$0x1]  }
0x3: {  	s5 =	rddreg [dreg:$0x2]  }
0x4: {  	s1 =	rddreg [dreg:$0x3]  }
0x5: {  	s2 =	rddreg [dreg:$0x4];
	s6 =	srdreg.scid  }
0x6: {  	s4 =	simm.s32 $0x0;
	s13 =	stileid.u32;
	s29 =	simm.s32 $0xB  }
0x7: {  	s30 =	simm.s32 $0x4;
	s31 =	simm.s32 $0x80;
	s28 =	simm.s32 $0x5  }
0x8: {  	s6 =	sand.u32 $0x1, s6;
	[smem:$0x7FF] =	sst s4;
	s8 =	sshll.u32 s13, $0xF  }
0x9: {  	s14 =	sadd.s32 $0x81E0, s0;
	s15 =	sadd.s32 $0x7FE0, s3;
	s16 =	sadd.s32 $0x10910, s0  }
0xa: {  	s17 =	sshll.u32 s13, $0xC;
	_ =	strace $0x80000047;
	[dreg:$0xa] =	wrdreg s14  }
0xb: {  	s7 =	sshll.u32 s6, $0x4;
	s9 =	sshll.u32 s6, $0x13;
	[dreg:$0xb] =	wrdreg s15  }
0xc: {  	s6 =	ssub.s32 $0x2, s6;
	[dreg:$0xc] =	wrdreg s16;
	s15 =	sadd.s32 s8, s2  }
0xd: {  	s7 =	sor.u32 s13, s7;
	s9 =	sor.u32 s8, s9;
	s21 =	sadd.s32 $0x1000, s15  }
0xe: {  	s11 =	sshrl.u32 s6, $0x1;
	s22 =	sadd.s32 $0x2000, s15;
	[dreg:$0x12] =	wrdreg s21  }
0xf: {  	s23 =	sadd.s32 $0x3000, s15;
	s24 =	sadd.s32 $0x4000, s15;
	[dreg:$0x13] =	wrdreg s22  }
0x10: {  	s10 =	smul.u32 $0x420, s7;
	s6 =	ssub.s32 s6, s11;
	[dreg:$0x14] =	wrdreg s23  }
0x11: {  	s9 =	sshrl.u32 s9, $0x3;
	[dreg:$0x15] =	wrdreg s24;
	s20 =	smax.u32 s6, $0x1  }
0x12: {  	s12 =	sadd.s32 s10, s0;
	s10 =	sadd.s32 s3, s10;
	[dreg:$0x11] =	wrdreg s20  }
0x13: {  	s9 =	sadd.s32 s9, s0;
	s3 =	sadd.s32 $0x8310, s3;
	[dreg:$0x8] =	wrdreg s10  }
0x14: {  	s18 =	sadd.s32 s8, s1;
	s19 =	sadd.s32 $0x10A00, s9;
	[dreg:$0xe] =	wrdreg s3  }
0x15: {  	s8 =	simm.s32 $0x8;
	s25 =	sadd.s32 $0x8600, s12;
	[dreg:$0x10] =	wrdreg s19  }
0x16: {  	p0 =	seq.s32 s7, $0x1F;
	s26 =	sadd.s32 $0x200, s12;
	[dreg:$0x6] =	wrdreg s25  }
0x17: {  	s24 =	sadd.s32 $0x7000, s15;
	s12 =	sadd.s32 $0x105E0, s0;
	[dreg:$0x7] =	wrdreg s26  }
0x18: {  	s7 =	simm.s32 $0x7;
	s0 =	sadd.s32 $0x8510, s0;
	[dreg:$0x9] =	wrdreg s12  }
0x19: {  	s11 =	simm.s32 $0x0;
	[dreg:$0xd] =	wrdreg s0;
	s0 =	sadd.s32 s5, s17  }
0x1a: {  	s6 =	simm.s32 $0x6;
	s25 =	sadd.s32 $0x5000, s15;
	[dreg:$0xf] =	wrdreg s0  }
0x1b: {  	s9 =	simm.s32 $0x9;
	s26 =	sadd.s32 $0x6000, s15;
	[dreg:$0x16] =	wrdreg s25  }
0x1c: {  	s10 =	simm.s32 $0xA;
	s5 =	simm.s32 $0x8300;
	[dreg:$0x17] =	wrdreg s26  }
0x1d: {  	v0 =	vimm.s32 $0x0;
	v1 =	vimm.f32 $0.0e+00;
	s25 =	sshrl.u32 s18, $0x3;
	s0 =	simm.s32 $0x6300;
	s26 =	simm.s32 $0x7300  }
.LBB2_1:
.Ltmp0:
0x1e: {  	(pc) =	sbr.rel @!p0 .LBB2_17-.Ltmp0, $1  }
0x1f: {  	_ =	sdelay $0x3  }
0x20: {  	s13 =	simm.s32 $0x19C0  }
0x21: {  	s3 =	simm.s32 $0x3AC0;
	[tilespmem:s13+$0xFFFFFFD0] =	vst v0  }
0x22: {  	s12 =	simm.s32 $0x5BC0;
	[tilespmem:s3+$0xFFFFFFD0] =	vst v0  }
0x23: {  	[tilespmem:s12+$0xFFFFFFD0] =	vst v1  }
0x24: {  	[tilespmem:s13+$0xFFFFFFE0] =	vst v0  }
0x25: {  	[tilespmem:s3+$0xFFFFFFE0] =	vst v0  }
0x26: {  	[tilespmem:s12+$0xFFFFFFE0] =	vst v1  }
0x27: {  	[tilespmem:s13+$0xFFFFFFF0] =	vst v0  }
0x28: {  	[tilespmem:s3+$0xFFFFFFF0] =	vst v0  }
0x29: {  	[tilespmem:s12+$0xFFFFFFF0] =	vst v1  }
0x2a: {  	[tilespmem:s13+$0x0] =	vst v0  }
0x2b: {  	[tilespmem:s3+$0x0] =	vst v0  }
0x2c: {  	s14 =	simm.s32 $0x1A00;
	s13 =	simm.s32 $0x0;
	[tilespmem:s12+$0x0] =	vst v1  }
.LBB2_3:
0x2d: {  	[tilespmem:s14+$0xFFFFFFD0] =	vst v0;
	s3 =	sadd.s32 $0x40, s3  }
0x2e: {  	s12 =	sadd.s32 $0x40, s12;
	[tilespmem:s3+$0xFFFFFFD0] =	vst v0  }
0x2f: {  	[tilespmem:s12+$0xFFFFFFD0] =	vst v1  }
0x30: {  	[tilespmem:s14+$0xFFFFFFE0] =	vst v0  }
0x31: {  	[tilespmem:s3+$0xFFFFFFE0] =	vst v0  }
0x32: {  	s13 =	sadd.s32 $0x4, s13;
	[tilespmem:s12+$0xFFFFFFE0] =	vst v1  }
0x33: {  	p1 =	slt.u32 s13, $0x70;
	[tilespmem:s14+$0xFFFFFFF0] =	vst v0  }
.Ltmp1:
0x34: {  	[tilespmem:s3+$0xFFFFFFF0] =	vst v0;
	(pc) =	sbr.rel @p1 .LBB2_3-.Ltmp1, $4  }
0x35: {  	[tilespmem:s12+$0xFFFFFFF0] =	vst v1  }
0x36: {  	[tilespmem:s14+$0x0] =	vst v0  }
0x37: {  	[tilespmem:s3+$0x0] =	vst v0  }
0x38: {  	s14 =	sadd.s32 $0x40, s14;
	[tilespmem:s12+$0x0] =	vst v1  }
0x39: {  	[tilespmem:$0x20D0] =	vst v0  }
0x3a: {  	[tilespmem:$0x41D0] =	vst v0  }
0x3b: {  	[tilespmem:$0x62D0] =	vst v1  }
0x3c: {  	[tilespmem:$0x20E0] =	vst v0  }
0x3d: {  	[tilespmem:$0x41E0] =	vst v0  }
0x3e: {  	[tilespmem:$0x62E0] =	vst v1  }
0x3f: {  	[tilespmem:$0x20F0] =	vst v0  }
0x40: {  	[tilespmem:$0x41F0] =	vst v0  }
0x41: {  	[tilespmem:$0x62F0] =	vst v1;
	s3 =	rddreg [dreg:$0x9]  }
0x42: {  	[tilespmem:s4], [sflag:$0x1] =	stream.linear.gather [hbm4b:s3+s4], $0x1980, $0x38;
	[tilespmem:$0x19300] =	vst v63  }
0x43: {  	s14 =	rddreg [dreg:$0xa];
	s12 =	simm.s32 $0x2100  }
0x44: {  	[tilespmem:s12], [sflag:$0x2] =	stream.linear.gather [hbm4b:s14+s4], $0x1980, $0x38;
	[tilespmem:$0x19300] =	vst v63  }
0x45: {  	s16 =	rddreg [dreg:$0xb];
	s17 =	simm.s32 $0x4200  }
0x46: {  	[tilespmem:s17], [sflag:$0x3] =	stream.linear.gather [hbm4b:s16+s4], $0x1980, $0x38;
	[tilespmem:$0x19300] =	vst v63  }
0x47: {  	s18 =	rddreg [dreg:$0xc];
	s19 =	simm.s32 $0x1980  }
0x48: {  	[tilespmem:s19], [sflag:$0x1] =	stream.linear.gather [hbm4b:s18+s4], $0x13, $0x38;
	[tilespmem:$0x19300] =	vst v63  }
.Ltmp2:
0x49: {  	_ = 	snop;
	(pc) =	sbr.rel .LBB2_5-.Ltmp2, $4  }
0x4a: {  	s20 =	rddreg [dreg:$0xd];
	s21 =	simm.s32 $0x3A80  }
0x4b: {  	[tilespmem:s21], [sflag:$0x2] =	stream.linear.gather [hbm4b:s20+s4], $0x13, $0x38;
	[tilespmem:$0x19300] =	vst v63  }
0x4c: {  	s22 =	rddreg [dreg:$0xe];
	s23 =	simm.s32 $0x5B80  }
0x4d: {  	[tilespmem:s23], [sflag:$0x3] =	stream.linear.gather [hbm4b:s22+s4], $0x13, $0x38;
	[tilespmem:$0x19300] =	vst v63  }
.LBB2_17:
0x4e: {  	s3 =	rddreg [dreg:$0x6]  }
0x4f: {  	[tilespmem:s4], [sflag:$0x1] =	stream.linear.gather [hbm4b:s3+s4], $0x2100, $0x38;
	[tilespmem:$0x19300] =	vst v63  }
0x50: {  	s21 =	rddreg [dreg:$0x7];
	s12 =	simm.s32 $0x2100  }
0x51: {  	[tilespmem:s12], [sflag:$0x2] =	stream.linear.gather [hbm4b:s21+s4], $0x2100, $0x38;
	[tilespmem:$0x19300] =	vst v63  }
0x52: {  	s22 =	rddreg [dreg:$0x8];
	s23 =	simm.s32 $0x4200  }
0x53: {  	[tilespmem:s23], [sflag:$0x3] =	stream.linear.gather [hbm4b:s22+s4], $0x2100, $0x38;
	[tilespmem:$0x19300] =	vst v63  }
.LBB2_5:
0x54: {  	s3 =	stileid.u32  }
0x55: {  	s12 =	sshll.u32 s3, $0x6  }
0x56: {  	s13 =	rddreg [dreg:$0xf];
	s3 =	sor.u32 $0x1C04, s12  }
0x57: {  	[spmem:s25], [sflag:s3] =	dma.local [hbm:s13], $0x1000  }
0x58: {  	s3 =	simm.s32 $0x6340  }
0x59: {  	[tilespmem:s3+$0xFFFFFFC0] =	vst v1  }
0x5a: {  	[tilespmem:s3+$0x30] =	vst v1  }
0x5b: {  	[tilespmem:s3+$0x20] =	vst v1  }
0x5c: {  	[tilespmem:s3+$0x10] =	vst v1  }
0x5d: {  	[tilespmem:s3+$0x0] =	vst v1  }
0x5e: {  	[tilespmem:s3+$0xFFFFFFF0] =	vst v1  }
0x5f: {  	s13 =	simm.s32 $0x0;
	[tilespmem:s3+$0xFFFFFFE0] =	vst v1  }
.LBB2_6:
0x60: {  	s13 =	sadd.s32 $0x4, s13;
	[tilespmem:s3+$0xFFFFFFD0] =	vst v1;
	s3 =	sadd.s32 $0x80, s3  }
0x61: {  	[tilespmem:s3+$0xFFFFFFC0] =	vst v1;
	p1 =	slt.u32 s13, $0x7C  }
0x62: {  	[tilespmem:s3+$0x30] =	vst v1  }
.Ltmp3:
0x63: {  	[tilespmem:s3+$0x20] =	vst v1;
	(pc) =	sbr.rel @p1 .LBB2_6-.Ltmp3, $4  }
0x64: {  	[tilespmem:s3+$0x10] =	vst v1  }
0x65: {  	[tilespmem:s3+$0x0] =	vst v1  }
0x66: {  	[tilespmem:s3+$0xFFFFFFF0] =	vst v1  }
0x67: {  	[tilespmem:s3+$0xFFFFFFE0] =	vst v1  }
0x68: {  	[tilespmem:s3+$0xFFFFFFD0] =	vst v1  }
0x69: {  	[spmem:s15] =	stream.linear.scatter [tilespmem:s0], [sflag:$0xB], $0x1000, $0x38;
	[tilespmem:$0x19300] =	vst v63  }
0x6a: {  	_ =	swait.ge [sflag:s29], $0x1000  }
0x6b: {  	[sflag:s29] =	ssyncset.done $0x0  }
0x6c: {  	s18 =	rddreg [dreg:$0x12];
	[sflag:s29] =	ssyncadd.s32 $0xFFFFF000  }
0x6d: {  	[spmem:s18] =	stream.linear.scatter [tilespmem:s0], [sflag:$0xB], $0x1000, $0x38;
	[tilespmem:$0x19300] =	vst v63  }
0x6e: {  	_ =	swait.ge [sflag:s29], $0x1000  }
0x6f: {  	[sflag:s29] =	ssyncset.done $0x0  }
0x70: {  	s19 =	rddreg [dreg:$0x13];
	[sflag:s29] =	ssyncadd.s32 $0xFFFFF000  }
0x71: {  	[spmem:s19] =	stream.linear.scatter [tilespmem:s0], [sflag:$0xB], $0x1000, $0x38;
	[tilespmem:$0x19300] =	vst v63  }
0x72: {  	_ =	swait.ge [sflag:s29], $0x1000  }
0x73: {  	[sflag:s29] =	ssyncset.done $0x0  }
0x74: {  	s20 =	rddreg [dreg:$0x14];
	[sflag:s29] =	ssyncadd.s32 $0xFFFFF000  }
0x75: {  	[spmem:s20] =	stream.linear.scatter [tilespmem:s0], [sflag:$0xB], $0x1000, $0x38;
	[tilespmem:$0x19300] =	vst v63  }
0x76: {  	_ =	swait.ge [sflag:s29], $0x1000  }
0x77: {  	[sflag:s29] =	ssyncset.done $0x0  }
0x78: {  	s21 =	rddreg [dreg:$0x15];
	[sflag:s29] =	ssyncadd.s32 $0xFFFFF000  }
0x79: {  	[spmem:s21] =	stream.linear.scatter [tilespmem:s0], [sflag:$0xB], $0x1000, $0x38;
	[tilespmem:$0x19300] =	vst v63  }
0x7a: {  	_ =	swait.ge [sflag:s29], $0x1000  }
0x7b: {  	[sflag:s29] =	ssyncset.done $0x0  }
0x7c: {  	s22 =	rddreg [dreg:$0x16];
	[sflag:s29] =	ssyncadd.s32 $0xFFFFF000  }
0x7d: {  	[spmem:s22] =	stream.linear.scatter [tilespmem:s0], [sflag:$0xB], $0x1000, $0x38;
	[tilespmem:$0x19300] =	vst v63  }
0x7e: {  	_ =	swait.ge [sflag:s29], $0x1000  }
0x7f: {  	[sflag:s29] =	ssyncset.done $0x0  }
0x80: {  	s23 =	rddreg [dreg:$0x17];
	[sflag:s29] =	ssyncadd.s32 $0xFFFFF000  }
0x81: {  	[spmem:s23] =	stream.linear.scatter [tilespmem:s0], [sflag:$0xB], $0x1000, $0x38;
	[tilespmem:$0x19300] =	vst v63  }
0x82: {  	_ =	swait.ge [sflag:s29], $0x1000  }
0x83: {  	[sflag:s29] =	ssyncset.done $0x0  }
0x84: {  	[sflag:s29] =	ssyncadd.s32 $0xFFFFF000  }
0x85: {  	[spmem:s24] =	stream.linear.scatter [tilespmem:s0], [sflag:$0xB], $0x1000, $0x38;
	[tilespmem:$0x19300] =	vst v63  }
0x86: {  	_ =	swait.ge [sflag:s29], $0x1000  }
0x87: {  	[sflag:s29] =	ssyncset.done $0x0  }
0x88: {  	s3 =	simm.s32 @p0 $0x1;
	[sflag:s29] =	ssyncadd.s32 $0xFFFFF000  }
0x89: {  	_ =	swait.ge @p0 [sflag:s3], $0x1980  }
0x8a: {  	[sflag:s3] =	ssyncset.done @p0 $0x0  }
0x8b: {  	[sflag:s3] =	ssyncadd.s32 @p0 $0xFFFFE680  }
0x8c: {  	_ =	swait.ge @p0 [sflag:s3], $0x13  }
0x8d: {  	[sflag:s3] =	ssyncset.done @p0 $0x0  }
0x8e: {  	[sflag:s3] =	ssyncadd.s32 @p0 $0xFFFFFFED;
	s3 =	simm.s32 @p0 $0x2  }
0x8f: {  	_ =	swait.ge @p0 [sflag:s3], $0x1980  }
0x90: {  	[sflag:s3] =	ssyncset.done @p0 $0x0  }
0x91: {  	[sflag:s3] =	ssyncadd.s32 @p0 $0xFFFFE680  }
0x92: {  	_ =	swait.ge @p0 [sflag:s3], $0x13  }
0x93: {  	[sflag:s3] =	ssyncset.done @p0 $0x0  }
0x94: {  	[sflag:s3] =	ssyncadd.s32 @p0 $0xFFFFFFED;
	s3 =	simm.s32 @p0 $0x3  }
0x95: {  	_ =	swait.ge @p0 [sflag:s3], $0x1980  }
0x96: {  	[sflag:s3] =	ssyncset.done @p0 $0x0  }
0x97: {  	[sflag:s3] =	ssyncadd.s32 @p0 $0xFFFFE680  }
0x98: {  	_ =	swait.ge @p0 [sflag:s3], $0x13  }
0x99: {  	[sflag:s3] =	ssyncset.done @p0 $0x0  }
0x9a: {  	[sflag:s3] =	ssyncadd.s32 @p0 $0xFFFFFFED;
	s3 =	simm.s32 @!p0 $0x1  }
0x9b: {  	_ =	swait.ge @!p0 [sflag:s3], $0x2100  }
0x9c: {  	[sflag:s3] =	ssyncset.done @!p0 $0x0  }
0x9d: {  	[sflag:s3] =	ssyncadd.s32 @!p0 $0xFFFFDF00;
	s3 =	simm.s32 @!p0 $0x2  }
0x9e: {  	_ =	swait.ge @!p0 [sflag:s3], $0x2100  }
0x9f: {  	[sflag:s3] =	ssyncset.done @!p0 $0x0  }
0xa0: {  	[sflag:s3] =	ssyncadd.s32 @!p0 $0xFFFFDF00;
	s3 =	simm.s32 @!p0 $0x3  }
0xa1: {  	_ =	swait.ge @!p0 [sflag:s3], $0x2100  }
0xa2: {  	[sflag:s3] =	ssyncset.done @!p0 $0x0  }
0xa3: {  	[sflag:s3] =	ssyncadd.s32 @!p0 $0xFFFFDF00  }
0xa4: {  	_ =	swait.ge [sflag:s30], $0x1000  }
0xa5: {  	[sflag:s30] =	ssyncset.done $0x0  }
0xa6: {  	[sflag:s30] =	ssyncadd.s32 $0xFFFFF000  }
0xa7: {  	s13 =	simm.s32 $0x0;
	[bflag:$0x0] =	sbarrier.arrive $0xFFFF  }
0xa8: {  	[tilespmem:s0], [sflag:$0x5] =	stream.indirect.gather [spmem:s1], $0x20, s13, s31, $0xb8;
	[tilespmem:$0x19300] =	vst v63  }
0xa9: {  	s14 =	simm.s32 $0x4280;
	s16 =	simm.s32 $0x4300;
	s3 =	simm.s32 $0x4200  }
0xaa: {  	[tilespmem:s26], [sflag:$0x6] =	stream.indirect.gather [spmem:s1], $0x20, s31, s31, $0xb8;
	[tilespmem:$0x19300] =	vst v63  }
.LBB2_8:
0xab: {  	_ =	swait.ge [sflag:s28], $0x1000  }
0xac: {  	p1 =	seq.s32 s13, $0x0;
	[sflag:s28] =	ssyncset.done $0x0  }
0xad: {  	s18 =	smul.u32 $0x600, s13;
	s17 =	simm.s32 @!p1 $0xA;
	[sflag:s28] =	ssyncadd.s32 $0xFFFFF000  }
0xae: {  	_ =	swait.ge @!p1 [sflag:s17], $0x1000  }
0xaf: {  	s19 =	sadd.s32 $0x400, s18;
	[sflag:s17] =	ssyncset.done @!p1 $0x0  }
0xb0: {  	[sflag:s17] =	ssyncadd.s32 @!p1 $0xFFFFF000;
	s17 =	sshra.s32 s19, $0x2;
	s19 =	simm.s32 $0x6400  }
0xb1: {  	[tilespmem:s5], [sflag:$0x7] =	stream.indirect.gather [spmem:s1], $0x20, s17, s31, $0xb8;
	[tilespmem:$0x19300] =	vst v63  }
0xb2: {  	v8 =	vld [tilespmem:s19+$0xFFFFFFA0]  }
0xb3: {  	v5 =	vld [tilespmem:s19+$0xFFFFFFF0]  }
0xb4: {  	v2 =	vld [tilespmem:s19+$0xFFFFFF60]  }
0xb5: {  	v6 =	vmov s3;
	v9 =	vld [tilespmem:s19+$0xFFFFFFD0]  }
0xb6: {  	v10 =	vld [tilespmem:s19+$0x80]  }
0xb7: {  	v13 =	vld [tilespmem:s19+$0xFFFFFF10]  }
0xb8: {  	v17 =	vld [tilespmem:s19+$0xE0]  }
0xb9: {  	s20 =	simm.s32 $0x0;
	v12 =	vld [tilespmem:s19+$0xFFFFFF40]  }
0xba: {  	v3 =	vld.idx.msk [tilespmem:v6+s20+$0x0 ss:$0x1], $0xffff  }
0xbb: {  	v4 =	vld [tilespmem:s19+$0xFFFFFF90]  }
0xbc: {  	v11 =	vld [tilespmem:s19+$0xFFFFFFC0]  }
0xbd: {  	v14 =	vld [tilespmem:s19+$0xFFFFFF00]  }
0xbe: {  	v15 =	vld [tilespmem:s19+$0xD0]  }
0xbf: {  	v24 =	vld [tilespmem:s19+$0xC0]  }
0xc0: {  	v22 =	vld [tilespmem:s19+$0x90];
	v20 =	vbroadcast v3, $0x0;
	v7 =	vbroadcast v3, $0xF  }
0xc1: {  	v23 =	vld [tilespmem:s19+$0xFFFFFF50];
	v21 =	vbroadcast v3, $0x2;
	v19 =	vbroadcast v3, $0xE  }
0xc2: {  	v18 =	vld [tilespmem:s19+$0xB0];
	v16 =	vbroadcast v3, $0xC;
	v26 =	vmul.f32 v20, v14  }
0xc3: {  	s21 =	simm.s32 $0x6400;
	s20 =	simm.s32 $0x40;
	v14 =	vbroadcast v3, $0xD;
	v25 =	vmul.f32 v12, v21;
	v12 =	vld [tilespmem:s19+$0x60]  }
.LBB2_9:
0xc4: {  	p1 =	sne.s32 s20, $0x1C0  }
0xc5: {  	[tilespmem:s19+$0xFFFFFF00] =	vst v26;
	v26 =	vld [tilespmem:s19+$0xFFFFFFB0];
	v24 =	vmul.f32 v24, v19;
	v17 =	vmul.f32 v17, v7;
	s21 =	sadd.s32 $0x200, s21;
	s22 =	smov.u32 s20;
	s20 =	sadd.s32 $0x40, s20  }
0xc6: {  	[tilespmem:s19+$0xFFFFFF40] =	vst v25;
	v25 =	vbroadcast v3, $0xA;
	v22 =	vmul.f32 v22, v16;
	v27 =	vld [tilespmem:s19+$0xA0]  }
0xc7: {  	v13 =	vmul.f32 v13, v20;
	v20 =	vmul.f32 v23, v21;
	v21 =	vld [tilespmem:s19+$0x70];
	[tilespmem:s19+$0xE0] =	vst v17  }
0xc8: {  	v17 =	vbroadcast v3, $0x5;
	v23 =	vld [tilespmem:s19+$0xFFFFFFE0];
	v18 =	vmul.f32 v18, v14;
	[tilespmem:s19+$0xC0] =	vst v24  }
0xc9: {  	v15 =	vmul.f32 v15, v19;
	[tilespmem:s19+$0xFFFFFF10] =	vst v13;
	v13 =	vbroadcast v3, $0x6;
	v24 =	vld [tilespmem:s19+$0x40]  }
0xca: {  	v28 =	vbroadcast v3, $0xB;
	v8 =	vmul.f32 v8, v17;
	v19 =	vld [tilespmem:s19+$0xFFFFFF20];
	[tilespmem:s19+$0x90] =	vst v22  }
0xcb: {  	v22 =	vbroadcast v3, $0x9;
	[tilespmem:s19+$0xFFFFFF50] =	vst v20;
	v20 =	vld [tilespmem:s19+$0x20];
	v14 =	vmul.f32 v27, v14  }
0xcc: {  	v17 =	vmul.f32 v26, v17;
	v26 =	vld [tilespmem:s19+$0x50];
	v21 =	vmul.f32 v21, v28;
	[tilespmem:s19+$0xD0] =	vst v15  }
0xcd: {  	v10 =	vmul.f32 v10, v16;
	v15 =	vbroadcast v3, $0x7;
	v27 =	vld [tilespmem:s19+$0x30];
	[tilespmem:s19+$0xA0] =	vst v14  }
0xce: {  	v11 =	vmul.f32 v11, v13;
	v14 =	vbroadcast v3, $0x3;
	v16 =	vld [tilespmem:s19+$0x0];
	[tilespmem:s19+$0x70] =	vst v21  }
0xcf: {  	v12 =	vmul.f32 v12, v28;
	v9 =	vmul.f32 v9, v13;
	v13 =	vld [tilespmem:s19+$0x10];
	[tilespmem:s19+$0x80] =	vst v10  }
0xd0: {  	v21 =	vbroadcast v3, $0x8;
	v24 =	vmul.f32 v24, v25;
	v10 =	vld [tilespmem:s19+$0xFFFFFF30];
	[tilespmem:s19+$0xB0] =	vst v18  }
0xd1: {  	v18 =	vbroadcast v3, $0x1;
	v28 =	vld [tilespmem:s19+$0xFFFFFF70];
	[tilespmem:s19+$0xFFFFFFD0] =	vst v9;
	v25 =	vmul.f32 v26, v25  }
0xd2: {  	v5 =	vmul.f32 v5, v15;
	v9 =	vmul.f32 v23, v15;
	[tilespmem:s19+$0xFFFFFFC0] =	vst v11;
	v11 =	vld [tilespmem:s19+$0xF0]  }
0xd3: {  	v23 =	vmul.f32 v27, v22;
	v15 =	vld [tilespmem:s19+$0xFFFFFF80];
	[tilespmem:s19+$0xFFFFFFA0] =	vst v8;
	v16 =	vmul.f32 v16, v21  }
0xd4: {  	v8 =	vld [tilespmem:s21+$0xFFFFFFA0];
	[tilespmem:s19+$0xFFFFFFF0] =	vst v5;
	v21 =	vmul.f32 v13, v21;
	v13 =	vmul.f32 v20, v22  }
0xd5: {  	v5 =	vmul.f32 v19, v18;
	v18 =	vmul.f32 v10, v18;
	[tilespmem:s19+$0x60] =	vst v12  }
0xd6: {  	v2 =	vmul.f32 v2, v14;
	v10 =	vmul.f32 v28, v14;
	[tilespmem:s19+$0xFFFFFFB0] =	vst v17  }
0xd7: {  	v3 =	vbroadcast v3, $0x4;
	[tilespmem:s19+$0xFFFFFF20] =	vst v5;
	v5 =	vmul.f32 v11, v7  }
0xd8: {  	[tilespmem:s19+$0xFFFFFF60] =	vst v2  }
0xd9: {  	v7 =	vmul.f32 v15, v3;
	v2 =	vmul.f32 v4, v3;
	[tilespmem:s19+$0x40] =	vst v24  }
0xda: {  	[tilespmem:s19+$0xFFFFFFE0] =	vst v9  }
0xdb: {  	[tilespmem:s19+$0xF0] =	vst v5  }
0xdc: {  	[tilespmem:s19+$0xFFFFFF90] =	vst v2  }
0xdd: {  	[tilespmem:s19+$0xFFFFFF70] =	vst v10  }
0xde: {  	v5 =	vld [tilespmem:s21+$0xFFFFFFF0];
	[tilespmem:s19+$0x20] =	vst v13  }
0xdf: {  	v2 =	vld [tilespmem:s21+$0xFFFFFF60];
	[tilespmem:s19+$0x30] =	vst v23  }
0xe0: {  	v9 =	vld [tilespmem:s21+$0xFFFFFFD0];
	[tilespmem:s19+$0xFFFFFF80] =	vst v7  }
0xe1: {  	v10 =	vld [tilespmem:s21+$0x80];
	[tilespmem:s19+$0x50] =	vst v25  }
0xe2: {  	v13 =	vld [tilespmem:s21+$0xFFFFFF10];
	[tilespmem:s19+$0x0] =	vst v16  }
0xe3: {  	v17 =	vld [tilespmem:s21+$0xE0];
	[tilespmem:s19+$0xFFFFFF30] =	vst v18  }
0xe4: {  	s22 =	sshra.s32 s22, $0x2;
	v12 =	vld [tilespmem:s21+$0xFFFFFF40];
	[tilespmem:s19+$0x10] =	vst v21;
	s19 =	smov.u32 s21  }
0xe5: {  	v3 =	vld.idx.msk [tilespmem:v6+s22+$0x0 ss:$0x1], $0xffff  }
0xe6: {  	v4 =	vld [tilespmem:s21+$0xFFFFFF90]  }
0xe7: {  	v11 =	vld [tilespmem:s21+$0xFFFFFFC0]  }
0xe8: {  	v14 =	vld [tilespmem:s21+$0xFFFFFF00]  }
0xe9: {  	v15 =	vld [tilespmem:s21+$0xD0]  }
.Ltmp4:
0xea: {  	v24 =	vld [tilespmem:s21+$0xC0];
	(pc) =	sbr.rel @p1 .LBB2_9-.Ltmp4, $4  }
0xeb: {  	v20 =	vbroadcast v3, $0x0;
	v7 =	vbroadcast v3, $0xF;
	v22 =	vld [tilespmem:s21+$0x90]  }
0xec: {  	v21 =	vbroadcast v3, $0x2;
	v19 =	vbroadcast v3, $0xE;
	v23 =	vld [tilespmem:s21+$0xFFFFFF50]  }
0xed: {  	v26 =	vmul.f32 v20, v14;
	v14 =	vbroadcast v3, $0xD;
	v18 =	vld [tilespmem:s21+$0xB0]  }
0xee: {  	v16 =	vbroadcast v3, $0xC;
	v25 =	vmul.f32 v12, v21;
	v12 =	vld [tilespmem:s21+$0x60]  }
0xef: {  	[tilespmem:s19+$0xFFFFFF00] =	vst v26;
	v6 =	vmul.f32 v17, v7  }
0xf0: {  	v17 =	vmul.f32 v24, v19;
	[tilespmem:s19+$0xFFFFFF40] =	vst v25  }
0xf1: {  	v13 =	vmul.f32 v13, v20;
	[tilespmem:s19+$0xE0] =	vst v6  }
0xf2: {  	v24 =	vld [tilespmem:s19+$0xA0];
	v10 =	vmul.f32 v10, v16;
	[tilespmem:s19+$0xC0] =	vst v17  }
0xf3: {  	v20 =	vld [tilespmem:s19+$0x70];
	v6 =	vmul.f32 v22, v16;
	v21 =	vmul.f32 v23, v21;
	[tilespmem:s19+$0xFFFFFF10] =	vst v13  }
0xf4: {  	v13 =	vmul.f32 v15, v19;
	v19 =	vbroadcast v3, $0xB;
	[tilespmem:s19+$0x80] =	vst v10  }
0xf5: {  	[tilespmem:s19+$0x90] =	vst v6  }
0xf6: {  	[tilespmem:s19+$0xFFFFFF50] =	vst v21;
	v12 =	vmul.f32 v12, v19  }
0xf7: {  	[tilespmem:s19+$0xD0] =	vst v13;
	v21 =	vmul.f32 v24, v14  }
0xf8: {  	v10 =	vbroadcast v3, $0x7;
	v20 =	vmul.f32 v20, v19;
	[tilespmem:s19+$0x60] =	vst v12  }
0xf9: {  	v15 =	vld [tilespmem:s19+$0xFFFFFF20];
	v13 =	vbroadcast v3, $0x6;
	v14 =	vmul.f32 v18, v14;
	[tilespmem:s19+$0xA0] =	vst v21  }
0xfa: {  	v17 =	vld [tilespmem:s19+$0xFFFFFFB0];
	v5 =	vmul.f32 v5, v10;
	[tilespmem:s19+$0x70] =	vst v20  }
0xfb: {  	v6 =	vld [tilespmem:s19+$0xFFFFFFE0];
	v18 =	vbroadcast v3, $0x5;
	v9 =	vmul.f32 v9, v13;
	[tilespmem:s19+$0xB0] =	vst v14  }
0xfc: {  	v19 =	vbroadcast v3, $0x1;
	v11 =	vmul.f32 v11, v13;
	[tilespmem:s19+$0xFFFFFFF0] =	vst v5  }
0xfd: {  	v22 =	vld [tilespmem:s19+$0x40];
	v8 =	vmul.f32 v8, v18;
	[tilespmem:s19+$0xFFFFFFD0] =	vst v9  }
0xfe: {  	v15 =	vmul.f32 v15, v19;
	[tilespmem:s19+$0xFFFFFFC0] =	vst v11  }
0xff: {  	v14 =	vld [tilespmem:s19+$0xFFFFFF70];
	[tilespmem:s19+$0xFFFFFFA0] =	vst v8;
	v8 =	vmul.f32 v17, v18;
	v17 =	vbroadcast v3, $0x3  }
0x100: {  	v5 =	vbroadcast v3, $0xA;
	v18 =	vld [tilespmem:s19+$0xF0];
	[tilespmem:s19+$0xFFFFFF20] =	vst v15;
	v6 =	vmul.f32 v6, v10  }
0x101: {  	v9 =	vld [tilespmem:s19+$0xFFFFFF80];
	v10 =	vbroadcast v3, $0x4;
	v2 =	vmul.f32 v2, v17;
	[tilespmem:s19+$0xFFFFFFB0] =	vst v8  }
0x102: {  	v16 =	vld [tilespmem:s19+$0x20];
	v8 =	vmul.f32 v22, v5;
	[tilespmem:s19+$0xFFFFFFE0] =	vst v6  }
0x103: {  	v20 =	vld [tilespmem:s19+$0x30];
	v4 =	vmul.f32 v4, v10;
	[tilespmem:s19+$0xFFFFFF60] =	vst v2  }
0x104: {  	v23 =	vld [tilespmem:s19+$0x50];
	v6 =	vmul.f32 v14, v17;
	[tilespmem:s19+$0x40] =	vst v8  }
0x105: {  	v13 =	vld [tilespmem:s19+$0x0];
	[tilespmem:s19+$0xFFFFFF90] =	vst v4;
	v2 =	vmul.f32 v18, v7;
	v7 =	vbroadcast v3, $0x9  }
0x106: {  	v12 =	vld [tilespmem:s19+$0xFFFFFF30];
	[tilespmem:s19+$0xFFFFFF70] =	vst v6;
	v6 =	vmul.f32 v9, v10  }
0x107: {  	v11 =	vld [tilespmem:s19+$0x10];
	[tilespmem:s19+$0xF0] =	vst v2;
	v2 =	vmul.f32 v16, v7  }
0x108: {  	v3 =	vbroadcast v3, $0x8;
	v4 =	vmul.f32 v20, v7;
	[tilespmem:s19+$0xFFFFFF80] =	vst v6  }
0x109: {  	[tilespmem:s19+$0x20] =	vst v2;
	v2 =	vmul.f32 v23, v5  }
0x10a: {  	[tilespmem:s19+$0x30] =	vst v4;
	v4 =	vmul.f32 v13, v3  }
0x10b: {  	v5 =	vmul.f32 v12, v19;
	[tilespmem:s19+$0x50] =	vst v2  }
0x10c: {  	v2 =	vmul.f32 v11, v3;
	[tilespmem:s19+$0x0] =	vst v4  }
0x10d: {  	s20 =	sshra.s32 s18, $0x2;
	[tilespmem:s19+$0xFFFFFF30] =	vst v5  }
0x10e: {  	s22 =	sadd.s32 $0x2100, s20;
	[tilespmem:s19+$0x10] =	vst v2  }
0x10f: {  	[spmem:s2] =	stream.indirect.scatter.add.f32 [tilespmem:s0], [sflag:$0x8], $0x20, s22, s31, $0xb8;
	[tilespmem:$0x19300] =	vst v63  }
0x110: {  	_ =	swait.ge [sflag:s6], $0x1000  }
0x111: {  	p1 =	seq.s32 s13, $0x15;
	[sflag:s6] =	ssyncset.done $0x0  }
0x112: {  	s19 =	simm.s32 @!p1 $0x8;
	[sflag:s6] =	ssyncadd.s32 $0xFFFFF000  }
0x113: {  	_ =	swait.ge @!p1 [sflag:s19], $0x1000  }
0x114: {  	[sflag:s19] =	ssyncset.done @!p1 $0x0  }
0x115: {  	[sflag:s19] =	ssyncadd.s32 @!p1 $0xFFFFF000;
	s19 =	sshra.s32 @!p1 s18, $0x2  }
0x116: {  	s21 =	simm.s32 @!p1 $0x80;
	s22 =	simm.s32 @!p1 $0x6300;
	s20 =	sadd.s32 @!p1 $0x180, s19  }
0x117: {  	[tilespmem:s22], [sflag:$0x5] =	stream.indirect.gather @!p1 [spmem:s1], $0x20, s20, s21, $0xb8;
	[tilespmem:$0x19300] =	vst v63  }
0x118: {  	s20 =	simm.s32 $0x7400  }
0x119: {  	v8 =	vld [tilespmem:s20+$0xFFFFFFA0]  }
0x11a: {  	v5 =	vld [tilespmem:s20+$0xFFFFFFF0]  }
0x11b: {  	v2 =	vld [tilespmem:s20+$0xFFFFFF60]  }
0x11c: {  	v6 =	vmov s14;
	v9 =	vld [tilespmem:s20+$0xFFFFFFD0]  }
0x11d: {  	v10 =	vld [tilespmem:s20+$0x80]  }
0x11e: {  	v13 =	vld [tilespmem:s20+$0xFFFFFF10]  }
0x11f: {  	v17 =	vld [tilespmem:s20+$0xE0]  }
0x120: {  	s23 =	simm.s32 $0x0;
	v12 =	vld [tilespmem:s20+$0xFFFFFF40]  }
0x121: {  	v3 =	vld.idx.msk [tilespmem:v6+s23+$0x0 ss:$0x1], $0xffff  }
0x122: {  	v4 =	vld [tilespmem:s20+$0xFFFFFF90]  }
0x123: {  	v11 =	vld [tilespmem:s20+$0xFFFFFFC0]  }
0x124: {  	v14 =	vld [tilespmem:s20+$0xFFFFFF00]  }
0x125: {  	v15 =	vld [tilespmem:s20+$0xD0]  }
0x126: {  	v24 =	vld [tilespmem:s20+$0xC0]  }
0x127: {  	v22 =	vld [tilespmem:s20+$0x90];
	v20 =	vbroadcast v3, $0x0;
	v7 =	vbroadcast v3, $0xF  }
0x128: {  	v23 =	vld [tilespmem:s20+$0xFFFFFF50];
	v21 =	vbroadcast v3, $0x2;
	v19 =	vbroadcast v3, $0xE  }
0x129: {  	v18 =	vld [tilespmem:s20+$0xB0];
	v16 =	vbroadcast v3, $0xC;
	v26 =	vmul.f32 v20, v14  }
0x12a: {  	s18 =	sadd.s32 $0x200, s18;
	s21 =	simm.s32 $0x40;
	s22 =	simm.s32 $0x7400;
	v14 =	vbroadcast v3, $0xD;
	v25 =	vmul.f32 v12, v21;
	v12 =	vld [tilespmem:s20+$0x60]  }
.LBB2_11:
0x12b: {  	p2 =	sne.s32 s21, $0x1C0  }
0x12c: {  	[tilespmem:s20+$0xFFFFFF00] =	vst v26;
	v26 =	vld [tilespmem:s20+$0xFFFFFFB0];
	v24 =	vmul.f32 v24, v19;
	v17 =	vmul.f32 v17, v7;
	s22 =	sadd.s32 $0x200, s22;
	s23 =	smov.u32 s21;
	s21 =	sadd.s32 $0x40, s21  }
0x12d: {  	[tilespmem:s20+$0xFFFFFF40] =	vst v25;
	v25 =	vbroadcast v3, $0xA;
	v22 =	vmul.f32 v22, v16;
	v27 =	vld [tilespmem:s20+$0xA0]  }
0x12e: {  	v13 =	vmul.f32 v13, v20;
	v20 =	vmul.f32 v23, v21;
	v21 =	vld [tilespmem:s20+$0x70];
	[tilespmem:s20+$0xE0] =	vst v17  }
0x12f: {  	v17 =	vbroadcast v3, $0x5;
	v23 =	vld [tilespmem:s20+$0xFFFFFFE0];
	v18 =	vmul.f32 v18, v14;
	[tilespmem:s20+$0xC0] =	vst v24  }
0x130: {  	v15 =	vmul.f32 v15, v19;
	[tilespmem:s20+$0xFFFFFF10] =	vst v13;
	v13 =	vbroadcast v3, $0x6;
	v24 =	vld [tilespmem:s20+$0x40]  }
0x131: {  	v28 =	vbroadcast v3, $0xB;
	v8 =	vmul.f32 v8, v17;
	v19 =	vld [tilespmem:s20+$0xFFFFFF20];
	[tilespmem:s20+$0x90] =	vst v22  }
0x132: {  	v22 =	vbroadcast v3, $0x9;
	[tilespmem:s20+$0xFFFFFF50] =	vst v20;
	v20 =	vld [tilespmem:s20+$0x20];
	v14 =	vmul.f32 v27, v14  }
0x133: {  	v17 =	vmul.f32 v26, v17;
	v26 =	vld [tilespmem:s20+$0x50];
	v21 =	vmul.f32 v21, v28;
	[tilespmem:s20+$0xD0] =	vst v15  }
0x134: {  	v10 =	vmul.f32 v10, v16;
	v15 =	vbroadcast v3, $0x7;
	v27 =	vld [tilespmem:s20+$0x30];
	[tilespmem:s20+$0xA0] =	vst v14  }
0x135: {  	v11 =	vmul.f32 v11, v13;
	v14 =	vbroadcast v3, $0x3;
	v16 =	vld [tilespmem:s20+$0x0];
	[tilespmem:s20+$0x70] =	vst v21  }
0x136: {  	v12 =	vmul.f32 v12, v28;
	v9 =	vmul.f32 v9, v13;
	v13 =	vld [tilespmem:s20+$0x10];
	[tilespmem:s20+$0x80] =	vst v10  }
0x137: {  	v21 =	vbroadcast v3, $0x8;
	v24 =	vmul.f32 v24, v25;
	v10 =	vld [tilespmem:s20+$0xFFFFFF30];
	[tilespmem:s20+$0xB0] =	vst v18  }
0x138: {  	v18 =	vbroadcast v3, $0x1;
	v28 =	vld [tilespmem:s20+$0xFFFFFF70];
	[tilespmem:s20+$0xFFFFFFD0] =	vst v9;
	v25 =	vmul.f32 v26, v25  }
0x139: {  	v5 =	vmul.f32 v5, v15;
	v9 =	vmul.f32 v23, v15;
	[tilespmem:s20+$0xFFFFFFC0] =	vst v11;
	v11 =	vld [tilespmem:s20+$0xF0]  }
0x13a: {  	v23 =	vmul.f32 v27, v22;
	v15 =	vld [tilespmem:s20+$0xFFFFFF80];
	[tilespmem:s20+$0xFFFFFFA0] =	vst v8;
	v16 =	vmul.f32 v16, v21  }
0x13b: {  	v8 =	vld [tilespmem:s22+$0xFFFFFFA0];
	[tilespmem:s20+$0xFFFFFFF0] =	vst v5;
	v21 =	vmul.f32 v13, v21;
	v13 =	vmul.f32 v20, v22  }
0x13c: {  	v5 =	vmul.f32 v19, v18;
	v18 =	vmul.f32 v10, v18;
	[tilespmem:s20+$0x60] =	vst v12  }
0x13d: {  	v2 =	vmul.f32 v2, v14;
	v10 =	vmul.f32 v28, v14;
	[tilespmem:s20+$0xFFFFFFB0] =	vst v17  }
0x13e: {  	v3 =	vbroadcast v3, $0x4;
	[tilespmem:s20+$0xFFFFFF20] =	vst v5;
	v5 =	vmul.f32 v11, v7  }
0x13f: {  	[tilespmem:s20+$0xFFFFFF60] =	vst v2  }
0x140: {  	v7 =	vmul.f32 v15, v3;
	v2 =	vmul.f32 v4, v3;
	[tilespmem:s20+$0x40] =	vst v24  }
0x141: {  	[tilespmem:s20+$0xFFFFFFE0] =	vst v9  }
0x142: {  	[tilespmem:s20+$0xF0] =	vst v5  }
0x143: {  	[tilespmem:s20+$0xFFFFFF90] =	vst v2  }
0x144: {  	[tilespmem:s20+$0xFFFFFF70] =	vst v10  }
0x145: {  	v5 =	vld [tilespmem:s22+$0xFFFFFFF0];
	[tilespmem:s20+$0x20] =	vst v13  }
0x146: {  	v2 =	vld [tilespmem:s22+$0xFFFFFF60];
	[tilespmem:s20+$0x30] =	vst v23  }
0x147: {  	v9 =	vld [tilespmem:s22+$0xFFFFFFD0];
	[tilespmem:s20+$0xFFFFFF80] =	vst v7  }
0x148: {  	v10 =	vld [tilespmem:s22+$0x80];
	[tilespmem:s20+$0x50] =	vst v25  }
0x149: {  	v13 =	vld [tilespmem:s22+$0xFFFFFF10];
	[tilespmem:s20+$0x0] =	vst v16  }
0x14a: {  	v17 =	vld [tilespmem:s22+$0xE0];
	[tilespmem:s20+$0xFFFFFF30] =	vst v18  }
0x14b: {  	s23 =	sshra.s32 s23, $0x2;
	v12 =	vld [tilespmem:s22+$0xFFFFFF40];
	[tilespmem:s20+$0x10] =	vst v21;
	s20 =	smov.u32 s22  }
0x14c: {  	v3 =	vld.idx.msk [tilespmem:v6+s23+$0x0 ss:$0x1], $0xffff  }
0x14d: {  	v4 =	vld [tilespmem:s22+$0xFFFFFF90]  }
0x14e: {  	v11 =	vld [tilespmem:s22+$0xFFFFFFC0]  }
0x14f: {  	v14 =	vld [tilespmem:s22+$0xFFFFFF00]  }
0x150: {  	v15 =	vld [tilespmem:s22+$0xD0]  }
.Ltmp5:
0x151: {  	v24 =	vld [tilespmem:s22+$0xC0];
	(pc) =	sbr.rel @p2 .LBB2_11-.Ltmp5, $4  }
0x152: {  	v20 =	vbroadcast v3, $0x0;
	v7 =	vbroadcast v3, $0xF;
	v22 =	vld [tilespmem:s22+$0x90]  }
0x153: {  	v21 =	vbroadcast v3, $0x2;
	v19 =	vbroadcast v3, $0xE;
	v23 =	vld [tilespmem:s22+$0xFFFFFF50]  }
0x154: {  	v26 =	vmul.f32 v20, v14;
	v14 =	vbroadcast v3, $0xD;
	v18 =	vld [tilespmem:s22+$0xB0]  }
0x155: {  	v16 =	vbroadcast v3, $0xC;
	v25 =	vmul.f32 v12, v21;
	v12 =	vld [tilespmem:s22+$0x60]  }
0x156: {  	[tilespmem:s20+$0xFFFFFF00] =	vst v26;
	v6 =	vmul.f32 v17, v7  }
0x157: {  	v17 =	vmul.f32 v24, v19;
	[tilespmem:s20+$0xFFFFFF40] =	vst v25  }
0x158: {  	v13 =	vmul.f32 v13, v20;
	[tilespmem:s20+$0xE0] =	vst v6  }
0x159: {  	v24 =	vld [tilespmem:s20+$0xA0];
	v10 =	vmul.f32 v10, v16;
	[tilespmem:s20+$0xC0] =	vst v17  }
0x15a: {  	v20 =	vld [tilespmem:s20+$0x70];
	v6 =	vmul.f32 v22, v16;
	v21 =	vmul.f32 v23, v21;
	[tilespmem:s20+$0xFFFFFF10] =	vst v13  }
0x15b: {  	v13 =	vmul.f32 v15, v19;
	v19 =	vbroadcast v3, $0xB;
	[tilespmem:s20+$0x80] =	vst v10  }
0x15c: {  	[tilespmem:s20+$0x90] =	vst v6  }
0x15d: {  	[tilespmem:s20+$0xFFFFFF50] =	vst v21;
	v12 =	vmul.f32 v12, v19  }
0x15e: {  	[tilespmem:s20+$0xD0] =	vst v13;
	v21 =	vmul.f32 v24, v14  }
0x15f: {  	v10 =	vbroadcast v3, $0x7;
	v20 =	vmul.f32 v20, v19;
	[tilespmem:s20+$0x60] =	vst v12  }
0x160: {  	v15 =	vld [tilespmem:s20+$0xFFFFFF20];
	v13 =	vbroadcast v3, $0x6;
	v14 =	vmul.f32 v18, v14;
	[tilespmem:s20+$0xA0] =	vst v21  }
0x161: {  	v17 =	vld [tilespmem:s20+$0xFFFFFFB0];
	v5 =	vmul.f32 v5, v10;
	[tilespmem:s20+$0x70] =	vst v20  }
0x162: {  	v6 =	vld [tilespmem:s20+$0xFFFFFFE0];
	v18 =	vbroadcast v3, $0x5;
	v9 =	vmul.f32 v9, v13;
	[tilespmem:s20+$0xB0] =	vst v14  }
0x163: {  	v19 =	vbroadcast v3, $0x1;
	v11 =	vmul.f32 v11, v13;
	[tilespmem:s20+$0xFFFFFFF0] =	vst v5  }
0x164: {  	v22 =	vld [tilespmem:s20+$0x40];
	v8 =	vmul.f32 v8, v18;
	[tilespmem:s20+$0xFFFFFFD0] =	vst v9  }
0x165: {  	v15 =	vmul.f32 v15, v19;
	[tilespmem:s20+$0xFFFFFFC0] =	vst v11  }
0x166: {  	v14 =	vld [tilespmem:s20+$0xFFFFFF70];
	[tilespmem:s20+$0xFFFFFFA0] =	vst v8;
	v8 =	vmul.f32 v17, v18;
	v17 =	vbroadcast v3, $0x3  }
0x167: {  	v5 =	vbroadcast v3, $0xA;
	v18 =	vld [tilespmem:s20+$0xF0];
	[tilespmem:s20+$0xFFFFFF20] =	vst v15;
	v6 =	vmul.f32 v6, v10  }
0x168: {  	v9 =	vld [tilespmem:s20+$0xFFFFFF80];
	v10 =	vbroadcast v3, $0x4;
	v2 =	vmul.f32 v2, v17;
	[tilespmem:s20+$0xFFFFFFB0] =	vst v8  }
0x169: {  	v16 =	vld [tilespmem:s20+$0x20];
	v8 =	vmul.f32 v22, v5;
	[tilespmem:s20+$0xFFFFFFE0] =	vst v6  }
0x16a: {  	v20 =	vld [tilespmem:s20+$0x30];
	v4 =	vmul.f32 v4, v10;
	[tilespmem:s20+$0xFFFFFF60] =	vst v2  }
0x16b: {  	v23 =	vld [tilespmem:s20+$0x50];
	v6 =	vmul.f32 v14, v17;
	[tilespmem:s20+$0x40] =	vst v8  }
0x16c: {  	v13 =	vld [tilespmem:s20+$0x0];
	[tilespmem:s20+$0xFFFFFF90] =	vst v4;
	v2 =	vmul.f32 v18, v7;
	v7 =	vbroadcast v3, $0x9  }
0x16d: {  	v12 =	vld [tilespmem:s20+$0xFFFFFF30];
	[tilespmem:s20+$0xFFFFFF70] =	vst v6;
	v6 =	vmul.f32 v9, v10  }
0x16e: {  	v11 =	vld [tilespmem:s20+$0x10];
	[tilespmem:s20+$0xF0] =	vst v2;
	v2 =	vmul.f32 v16, v7  }
0x16f: {  	v3 =	vbroadcast v3, $0x8;
	v4 =	vmul.f32 v20, v7;
	[tilespmem:s20+$0xFFFFFF80] =	vst v6  }
0x170: {  	[tilespmem:s20+$0x20] =	vst v2;
	v2 =	vmul.f32 v23, v5  }
0x171: {  	[tilespmem:s20+$0x30] =	vst v4;
	v4 =	vmul.f32 v13, v3  }
0x172: {  	v5 =	vmul.f32 v12, v19;
	[tilespmem:s20+$0x50] =	vst v2  }
0x173: {  	v2 =	vmul.f32 v11, v3;
	[tilespmem:s20+$0x0] =	vst v4  }
0x174: {  	s18 =	sshra.s32 s18, $0x2;
	[tilespmem:s20+$0xFFFFFF30] =	vst v5  }
0x175: {  	s18 =	sadd.s32 $0x2100, s18;
	[tilespmem:s20+$0x10] =	vst v2  }
0x176: {  	[spmem:s2] =	stream.indirect.scatter.add.f32 [tilespmem:s26], [sflag:$0x9], $0x20, s18, s31, $0xb8;
	[tilespmem:$0x19300] =	vst v63  }
0x177: {  	_ =	swait.ge [sflag:s7], $0x1000  }
0x178: {  	[sflag:s7] =	ssyncset.done $0x0  }
0x179: {  	s18 =	simm.s32 @!p1 $0x9;
	[sflag:s7] =	ssyncadd.s32 $0xFFFFF000  }
0x17a: {  	_ =	swait.ge @!p1 [sflag:s18], $0x1000  }
0x17b: {  	s20 =	simm.s32 @!p1 $0x7300;
	[sflag:s18] =	ssyncset.done @!p1 $0x0  }
0x17c: {  	[sflag:s18] =	ssyncadd.s32 @!p1 $0xFFFFF000;
	s18 =	sadd.s32 @!p1 $0x200, s19;
	s19 =	simm.s32 @!p1 $0x80  }
0x17d: {  	[tilespmem:s20], [sflag:$0x6] =	stream.indirect.gather @!p1 [spmem:s1], $0x20, s18, s19, $0xb8;
	[tilespmem:$0x19300] =	vst v63  }
0x17e: {  	s18 =	simm.s32 $0x8400  }
0x17f: {  	v8 =	vld [tilespmem:s18+$0xFFFFFFA0]  }
0x180: {  	v5 =	vld [tilespmem:s18+$0xFFFFFFF0]  }
0x181: {  	v2 =	vld [tilespmem:s18+$0xFFFFFF60]  }
0x182: {  	v6 =	vmov s16;
	v9 =	vld [tilespmem:s18+$0xFFFFFFD0]  }
0x183: {  	v10 =	vld [tilespmem:s18+$0x80]  }
0x184: {  	v13 =	vld [tilespmem:s18+$0xFFFFFF10]  }
0x185: {  	v17 =	vld [tilespmem:s18+$0xE0]  }
0x186: {  	s23 =	simm.s32 $0x0;
	v12 =	vld [tilespmem:s18+$0xFFFFFF40]  }
0x187: {  	v3 =	vld.idx.msk [tilespmem:v6+s23+$0x0 ss:$0x1], $0xffff  }
0x188: {  	v4 =	vld [tilespmem:s18+$0xFFFFFF90]  }
0x189: {  	v11 =	vld [tilespmem:s18+$0xFFFFFFC0]  }
0x18a: {  	v14 =	vld [tilespmem:s18+$0xFFFFFF00]  }
0x18b: {  	v15 =	vld [tilespmem:s18+$0xD0]  }
0x18c: {  	v24 =	vld [tilespmem:s18+$0xC0]  }
0x18d: {  	v22 =	vld [tilespmem:s18+$0x90];
	v20 =	vbroadcast v3, $0x0;
	v7 =	vbroadcast v3, $0xF  }
0x18e: {  	v23 =	vld [tilespmem:s18+$0xFFFFFF50];
	v21 =	vbroadcast v3, $0x2;
	v19 =	vbroadcast v3, $0xE  }
0x18f: {  	v18 =	vld [tilespmem:s18+$0xB0];
	v16 =	vbroadcast v3, $0xC;
	v26 =	vmul.f32 v20, v14  }
0x190: {  	s19 =	simm.s32 $0x40;
	s20 =	simm.s32 $0x8400;
	v14 =	vbroadcast v3, $0xD;
	v25 =	vmul.f32 v12, v21;
	v12 =	vld [tilespmem:s18+$0x60]  }
.LBB2_13:
0x191: {  	p1 =	sne.s32 s19, $0x1C0  }
0x192: {  	[tilespmem:s18+$0xFFFFFF00] =	vst v26;
	v26 =	vld [tilespmem:s18+$0xFFFFFFB0];
	v24 =	vmul.f32 v24, v19;
	v17 =	vmul.f32 v17, v7;
	s20 =	sadd.s32 $0x200, s20;
	s21 =	smov.u32 s19;
	s19 =	sadd.s32 $0x40, s19  }
0x193: {  	[tilespmem:s18+$0xFFFFFF40] =	vst v25;
	v25 =	vbroadcast v3, $0xA;
	v22 =	vmul.f32 v22, v16;
	v27 =	vld [tilespmem:s18+$0xA0]  }
0x194: {  	v13 =	vmul.f32 v13, v20;
	v20 =	vmul.f32 v23, v21;
	v21 =	vld [tilespmem:s18+$0x70];
	[tilespmem:s18+$0xE0] =	vst v17  }
0x195: {  	v17 =	vbroadcast v3, $0x5;
	v23 =	vld [tilespmem:s18+$0xFFFFFFE0];
	v18 =	vmul.f32 v18, v14;
	[tilespmem:s18+$0xC0] =	vst v24  }
0x196: {  	v15 =	vmul.f32 v15, v19;
	[tilespmem:s18+$0xFFFFFF10] =	vst v13;
	v13 =	vbroadcast v3, $0x6;
	v24 =	vld [tilespmem:s18+$0x40]  }
0x197: {  	v28 =	vbroadcast v3, $0xB;
	v8 =	vmul.f32 v8, v17;
	v19 =	vld [tilespmem:s18+$0xFFFFFF20];
	[tilespmem:s18+$0x90] =	vst v22  }
0x198: {  	v22 =	vbroadcast v3, $0x9;
	[tilespmem:s18+$0xFFFFFF50] =	vst v20;
	v20 =	vld [tilespmem:s18+$0x20];
	v14 =	vmul.f32 v27, v14  }
0x199: {  	v17 =	vmul.f32 v26, v17;
	v26 =	vld [tilespmem:s18+$0x50];
	v21 =	vmul.f32 v21, v28;
	[tilespmem:s18+$0xD0] =	vst v15  }
0x19a: {  	v10 =	vmul.f32 v10, v16;
	v15 =	vbroadcast v3, $0x7;
	v27 =	vld [tilespmem:s18+$0x30];
	[tilespmem:s18+$0xA0] =	vst v14  }
0x19b: {  	v11 =	vmul.f32 v11, v13;
	v14 =	vbroadcast v3, $0x3;
	v16 =	vld [tilespmem:s18+$0x0];
	[tilespmem:s18+$0x70] =	vst v21  }
0x19c: {  	v12 =	vmul.f32 v12, v28;
	v9 =	vmul.f32 v9, v13;
	v13 =	vld [tilespmem:s18+$0x10];
	[tilespmem:s18+$0x80] =	vst v10  }
0x19d: {  	v21 =	vbroadcast v3, $0x8;
	v24 =	vmul.f32 v24, v25;
	v10 =	vld [tilespmem:s18+$0xFFFFFF30];
	[tilespmem:s18+$0xB0] =	vst v18  }
0x19e: {  	v18 =	vbroadcast v3, $0x1;
	v28 =	vld [tilespmem:s18+$0xFFFFFF70];
	[tilespmem:s18+$0xFFFFFFD0] =	vst v9;
	v25 =	vmul.f32 v26, v25  }
0x19f: {  	v5 =	vmul.f32 v5, v15;
	v9 =	vmul.f32 v23, v15;
	[tilespmem:s18+$0xFFFFFFC0] =	vst v11;
	v11 =	vld [tilespmem:s18+$0xF0]  }
0x1a0: {  	v23 =	vmul.f32 v27, v22;
	v15 =	vld [tilespmem:s18+$0xFFFFFF80];
	[tilespmem:s18+$0xFFFFFFA0] =	vst v8;
	v16 =	vmul.f32 v16, v21  }
0x1a1: {  	v8 =	vld [tilespmem:s20+$0xFFFFFFA0];
	[tilespmem:s18+$0xFFFFFFF0] =	vst v5;
	v21 =	vmul.f32 v13, v21;
	v13 =	vmul.f32 v20, v22  }
0x1a2: {  	v5 =	vmul.f32 v19, v18;
	v18 =	vmul.f32 v10, v18;
	[tilespmem:s18+$0x60] =	vst v12  }
0x1a3: {  	v2 =	vmul.f32 v2, v14;
	v10 =	vmul.f32 v28, v14;
	[tilespmem:s18+$0xFFFFFFB0] =	vst v17  }
0x1a4: {  	v3 =	vbroadcast v3, $0x4;
	[tilespmem:s18+$0xFFFFFF20] =	vst v5;
	v5 =	vmul.f32 v11, v7  }
0x1a5: {  	[tilespmem:s18+$0xFFFFFF60] =	vst v2  }
0x1a6: {  	v7 =	vmul.f32 v15, v3;
	v2 =	vmul.f32 v4, v3;
	[tilespmem:s18+$0x40] =	vst v24  }
0x1a7: {  	[tilespmem:s18+$0xFFFFFFE0] =	vst v9  }
0x1a8: {  	[tilespmem:s18+$0xF0] =	vst v5  }
0x1a9: {  	[tilespmem:s18+$0xFFFFFF90] =	vst v2  }
0x1aa: {  	[tilespmem:s18+$0xFFFFFF70] =	vst v10  }
0x1ab: {  	v5 =	vld [tilespmem:s20+$0xFFFFFFF0];
	[tilespmem:s18+$0x20] =	vst v13  }
0x1ac: {  	v2 =	vld [tilespmem:s20+$0xFFFFFF60];
	[tilespmem:s18+$0x30] =	vst v23  }
0x1ad: {  	v9 =	vld [tilespmem:s20+$0xFFFFFFD0];
	[tilespmem:s18+$0xFFFFFF80] =	vst v7  }
0x1ae: {  	v10 =	vld [tilespmem:s20+$0x80];
	[tilespmem:s18+$0x50] =	vst v25  }
0x1af: {  	v13 =	vld [tilespmem:s20+$0xFFFFFF10];
	[tilespmem:s18+$0x0] =	vst v16  }
0x1b0: {  	v17 =	vld [tilespmem:s20+$0xE0];
	[tilespmem:s18+$0xFFFFFF30] =	vst v18  }
0x1b1: {  	s21 =	sshra.s32 s21, $0x2;
	v12 =	vld [tilespmem:s20+$0xFFFFFF40];
	[tilespmem:s18+$0x10] =	vst v21;
	s18 =	smov.u32 s20  }
0x1b2: {  	v3 =	vld.idx.msk [tilespmem:v6+s21+$0x0 ss:$0x1], $0xffff  }
0x1b3: {  	v4 =	vld [tilespmem:s20+$0xFFFFFF90]  }
0x1b4: {  	v11 =	vld [tilespmem:s20+$0xFFFFFFC0]  }
0x1b5: {  	v14 =	vld [tilespmem:s20+$0xFFFFFF00]  }
0x1b6: {  	v15 =	vld [tilespmem:s20+$0xD0]  }
.Ltmp6:
0x1b7: {  	v24 =	vld [tilespmem:s20+$0xC0];
	(pc) =	sbr.rel @p1 .LBB2_13-.Ltmp6, $4  }
0x1b8: {  	v20 =	vbroadcast v3, $0x0;
	v7 =	vbroadcast v3, $0xF;
	v22 =	vld [tilespmem:s20+$0x90]  }
0x1b9: {  	v21 =	vbroadcast v3, $0x2;
	v19 =	vbroadcast v3, $0xE;
	v23 =	vld [tilespmem:s20+$0xFFFFFF50]  }
0x1ba: {  	v26 =	vmul.f32 v20, v14;
	v14 =	vbroadcast v3, $0xD;
	v18 =	vld [tilespmem:s20+$0xB0]  }
0x1bb: {  	v16 =	vbroadcast v3, $0xC;
	v25 =	vmul.f32 v12, v21;
	v12 =	vld [tilespmem:s20+$0x60]  }
0x1bc: {  	[tilespmem:s18+$0xFFFFFF00] =	vst v26;
	v6 =	vmul.f32 v17, v7  }
0x1bd: {  	v28 =	vmul.f32 v24, v19;
	[tilespmem:s18+$0xFFFFFF40] =	vst v25  }
0x1be: {  	v13 =	vmul.f32 v13, v20;
	[tilespmem:s18+$0xE0] =	vst v6  }
0x1bf: {  	v33 =	vmul.f32 v15, v19;
	[tilespmem:s18+$0xC0] =	vst v28  }
0x1c0: {  	v31 =	vmul.f32 v22, v16;
	[tilespmem:s18+$0xFFFFFF10] =	vst v13  }
0x1c1: {  	v39 =	vbroadcast v3, $0x6;
	v10 =	vmul.f32 v10, v16;
	[tilespmem:s18+$0xD0] =	vst v33  }
0x1c2: {  	v21 =	vmul.f32 v23, v21;
	[tilespmem:s18+$0x90] =	vst v31  }
0x1c3: {  	v43 =	vbroadcast v3, $0x5;
	v9 =	vmul.f32 v9, v39;
	[tilespmem:s18+$0x80] =	vst v10  }
0x1c4: {  	v45 =	vbroadcast v3, $0x7;
	v11 =	vmul.f32 v11, v39;
	[tilespmem:s18+$0xFFFFFF50] =	vst v21  }
0x1c5: {  	v52 =	vbroadcast v3, $0x3;
	v8 =	vmul.f32 v8, v43;
	[tilespmem:s18+$0xFFFFFFD0] =	vst v9  }
0x1c6: {  	v29 =	vld [tilespmem:s18+$0xA0];
	v57 =	vbroadcast v3, $0x4;
	v5 =	vmul.f32 v5, v45;
	[tilespmem:s18+$0xFFFFFFC0] =	vst v11  }
0x1c7: {  	v30 =	vld [tilespmem:s18+$0x70];
	v2 =	vmul.f32 v2, v52;
	[tilespmem:s18+$0xFFFFFFA0] =	vst v8  }
0x1c8: {  	v32 =	vld [tilespmem:s18+$0xFFFFFFB0];
	v35 =	vbroadcast v3, $0xB;
	v4 =	vmul.f32 v4, v57;
	[tilespmem:s18+$0xFFFFFFF0] =	vst v5  }
0x1c9: {  	v34 =	vld [tilespmem:s18+$0xFFFFFF20];
	v41 =	vmul.f32 v18, v14;
	[tilespmem:s18+$0xFFFFFF60] =	vst v2  }
0x1ca: {  	v38 =	vld [tilespmem:s18+$0x40];
	v12 =	vmul.f32 v12, v35;
	[tilespmem:s18+$0xFFFFFF90] =	vst v4  }
0x1cb: {  	v36 =	vld [tilespmem:s18+$0xFFFFFFE0];
	v37 =	vmul.f32 v29, v14;
	[tilespmem:s18+$0xB0] =	vst v41  }
0x1cc: {  	v50 =	vbroadcast v3, $0x1;
	v53 =	vld [tilespmem:s18+$0xF0];
	v20 =	vmul.f32 v30, v35;
	[tilespmem:s18+$0x60] =	vst v12  }
0x1cd: {  	v47 =	vld [tilespmem:s18+$0xFFFFFF70];
	v54 =	vbroadcast v3, $0xA;
	v51 =	vmul.f32 v32, v43;
	[tilespmem:s18+$0xA0] =	vst v37  }
0x1ce: {  	v44 =	vld [tilespmem:s18+$0x30];
	v15 =	vmul.f32 v34, v50;
	[tilespmem:s18+$0x70] =	vst v20  }
0x1cf: {  	v48 =	vld [tilespmem:s18+$0xFFFFFF80];
	v56 =	vmul.f32 v38, v54;
	[tilespmem:s18+$0xFFFFFFB0] =	vst v51  }
0x1d0: {  	v42 =	vld [tilespmem:s18+$0x20];
	v6 =	vmul.f32 v36, v45;
	[tilespmem:s18+$0xFFFFFF20] =	vst v15  }
0x1d1: {  	v46 =	vld [tilespmem:s18+$0x0];
	v58 =	vbroadcast v3, $0x9;
	v2 =	vmul.f32 v53, v7;
	[tilespmem:s18+$0x40] =	vst v56  }
0x1d2: {  	v40 =	vld [tilespmem:s18+$0x50];
	v59 =	vmul.f32 v47, v52;
	[tilespmem:s18+$0xFFFFFFE0] =	vst v6  }
0x1d3: {  	v55 =	vld [tilespmem:s18+$0xFFFFFF30];
	v60 =	vmul.f32 v44, v58;
	[tilespmem:s18+$0xF0] =	vst v2  }
0x1d4: {  	v49 =	vld [tilespmem:s18+$0x10];
	v3 =	vbroadcast v3, $0x8;
	v61 =	vmul.f32 v48, v57;
	[tilespmem:s18+$0xFFFFFF70] =	vst v59  }
0x1d5: {  	v2 =	vmul.f32 v42, v58;
	[tilespmem:s18+$0x30] =	vst v60  }
0x1d6: {  	s13 =	sadd.s32 $0x1, s13;
	v62 =	vmul.f32 v46, v3;
	[tilespmem:s18+$0xFFFFFF80] =	vst v61  }
0x1d7: {  	p1 =	sne.s32 s13, $0x16;
	[tilespmem:s18+$0x20] =	vst v2;
	v2 =	vmul.f32 v40, v54  }
.Ltmp7:
0x1d8: {  	v63 =	vmul.f32 v55, v50;
	[tilespmem:s18+$0x0] =	vst v62;
	(pc) =	sbr.rel @p1 .LBB2_8-.Ltmp7, $4  }
0x1d9: {  	[tilespmem:s18+$0x50] =	vst v2;
	v2 =	vmul.f32 v49, v3  }
0x1da: {  	s17 =	sadd.s32 $0x2100, s17;
	[tilespmem:s18+$0xFFFFFF30] =	vst v63  }
0x1db: {  	s3 =	sadd.s32 $0x180, s3;
	s14 =	sadd.s32 $0x180, s14;
	s16 =	sadd.s32 $0x180, s16;
	[tilespmem:s18+$0x10] =	vst v2  }
0x1dc: {  	[spmem:s2] =	stream.indirect.scatter.add.f32 [tilespmem:s5], [sflag:$0xA], $0x20, s17, s31, $0xb8;
	[tilespmem:$0x19300] =	vst v63  }
0x1dd: {  	_ =	swait.ge [sflag:s8], $0x1000  }
0x1de: {  	[sflag:s8] =	ssyncset.done $0x0  }
0x1df: {  	[sflag:s8] =	ssyncadd.s32 $0xFFFFF000  }
0x1e0: {  	_ =	swait.ge [sflag:s9], $0x1000  }
0x1e1: {  	[sflag:s9] =	ssyncset.done $0x0  }
0x1e2: {  	[sflag:s9] =	ssyncadd.s32 $0xFFFFF000  }
0x1e3: {  	_ =	swait.ge [sflag:s10], $0x1000  }
0x1e4: {  	[sflag:s10] =	ssyncset.done $0x0  }
0x1e5: {  	[sflag:s10] =	ssyncadd.s32 $0xFFFFF000  }
0x1e6: {  	[bflag:$0x0] =	sbarrier.arrive $0xFFFF  }
0x1e7: {  	s3 =	sor.u32 $0x1C0B, s12;
	s22 =	sshrl.u32 s15, $0x3;
	s13 =	rddreg [dreg:$0x10]  }
0x1e8: {  	[hbm:s13], [sflag:s3] =	dma.local [spmem:s22], $0x1000  }
0x1e9: {  	_ =	swait.ge [sflag:s29], $0x1000  }
0x1ea: {  	s11 =	sadd.s32 $0x1, s11;
	s23 =	rddreg [dreg:$0x11]  }
0x1eb: {  	p1 =	sne.s32 s11, s23  }
.Ltmp8:
0x1ec: {  	_ = 	snop;
	(pc) =	sbr.rel @p1 .LBB2_1-.Ltmp8, $3  }
0x1ed: {  	_ =	sdelay $0x1  }
0x1ee: {  	[sflag:s29] =	ssyncset.done $0x0  }
0x1ef: {  	[sflag:s29] =	ssyncadd.s32 $0xFFFFF000  }
0x1f0: {  	_ =	sfence.sel $0x180000  }
0x1f1: {  	[bflag:$0x0] =	sbarrier.arrive $0xFFFF  }
0x1f2: {  	_ =	strace $0x90000047  }
0x1f3: {  	s0 =	stileid.u32;
	[bflag:$0x2] =	sbarrier.arrive $0xFFFF  }
0x1f4: {  	p0 =	sne.s32 s0, $0x0;
	s0 =	rddreg [dreg:$0x5]  }
0x1f5: {  	s0 =	sadd.s32 @!p0 $0x100000, s0  }
0x1f6: {  	[sflag:s0] =	ssyncadd.tile.s32 @!p0 $0x1;
	_ =	shalt  }
.Lfunc_end2:
_tile_overlayer_lowered:
.L_overlay_start_2:
0x1f7: {  	(tag) =	ssettag $0x2  }
0x1f8: {  	s0 =	rddreg [dreg:$0x0];
	s2 =	stileid.u32  }
0x1f9: {  	s1 =	rddreg [dreg:$0x1];
	p0 =	sne.s32 s2, $0x0  }
0x1fa: {  	s3 =	rddreg [dreg:$0x2];
	[bflag:$0x3] =	sbarrier.arrive $0xFFFF;
	s2 =	simm.s32 @!p0 $0x1C0B  }
0x1fb: {  	[timem:s3], [sflag:s2] =	dma.local @!p0 [hbm:s0], s1  }
0x1fc: {  	s0 =	simm.s32 @!p0 $0xB  }
0x1fd: {  	_ =	swait.ge @!p0 [sflag:s0], s1  }
0x1fe: {  	s1 =	ssub.s32 @!p0 $0x0, s1;
	[sflag:s0] =	ssyncset.done @!p0 $0x0  }
0x1ff: {  	[sflag:s0] =	ssyncadd.s32 @!p0 s1  }
0x200: {  	[bflag:$0x3] =	sbarrier.arrive $0xFFFF  }
0x201: {  	_ =	shalt  }

// kernel: kernel.8.cloned.1.call-start
scs
__scs_entry_jumppad:
0x0: {  	(pc) =	sbr.rel $0x88, $3  }
0x1: {  	(tag) =	ssettag $0x0;
	lr =	simm.s32 $0x1  }
0x2: {  	[smem:$0x3F9C] =	sst lr;
	_ =	strace $0xD0000000  }
0x3: {  	_ = 	snop  }
0x4: {  	_ = 	snop  }
0x5: {  	_ = 	snop  }
0x6: {  	_ = 	snop  }
0x7: {  	_ = 	snop  }
__scs_overlays_trampoline_lowered:
0x8: {  	[smem:$0x3FAB] =	sst s0  }
0x9: {  	[smem:$0x3FAC] =	sst s1  }
0xa: {  	[smem:$0x3FAD] =	sst s2  }
0xb: {  	[smem:$0x3FAE] =	sst s3  }
0xc: {  	[smem:$0x3FAF] =	sst s4  }
0xd: {  	[smem:$0x3FB0] =	sst s5  }
0xe: {  	[smem:$0x3FB1] =	sst s6  }
0xf: {  	[smem:$0x3FB2] =	sst s7  }
0x10: {  	[smem:$0x3FB3] =	sst s8  }
0x11: {  	[smem:$0x3FB4] =	sst s9;
	s0 =	simm.s32 @!p0 $0x0  }
0x12: {  	s1 =	sld [smem:$0x3F9A];
	s0 =	simm.s32 @p0 $0x1  }
0x13: {  	[smem:$0x3FB5] =	sst s0;
	s0 =	simm.s32 @!p1 $0x0  }
0x14: {  	s2 =	sld [smem:$0x3F99];
	s0 =	simm.s32 @p1 $0x1  }
0x15: {  	[smem:$0x3FB6] =	sst s0;
	s0 =	simm.s32 @!p2 $0x0  }
0x16: {  	s3 =	sld [smem:$0x3FDB];
	s0 =	simm.s32 @p2 $0x1  }
0x17: {  	s4 =	simm.s32 $0x1BF5;
	[smem:$0x3FB8] =	sst s0  }
0x18: {  	s0 =	sld [smem:$0x3F9B];
	_ =	swait.ge [sflag:s4], $0x0  }
0x19: {  	s7 =	sld [smem:$0x3F9C]  }
0x1a: {  	s8 =	sadd.s32 $0xFFFFE003, lr  }
0x1b: {  	s9 =	sadd.s32 $0xFFFFFEF7, lr;
	s5 =	simm.s32 $0xFFFFFFFF;
	p2 =	slt.u32 s8, $0xFFFFF086  }
0x1c: {  	p1 =	slt.u32 s9, $0xF7A;
	s5 =	simm.s32 @!p2 $0x0  }
0x1d: {  	s5 =	simm.s32 @p1 $0x1;
	p0 =	seq.s32 s7, s2  }
0x1e: {  	s7 =	smul.u32 @!p0 $0xF7A, s2;
	p2 =	seq.s32 @!p0 s5, $0x0  }
0x1f: {  	s9 =	smul.u32 $0xF7A, s1;
	s8 =	simm.s32 @!p0 $0x1BF5;
	p2 =	por !p2, p0  }
0x20: {  	[sflag:s8] =	ssyncset.s32 @!p0 $0xFFFFF086;
	s6 =	sadd.s32 @!p0 s3, s7;
	s7 =	simm.s32 @!p0 $0x108  }
0x21: {  	s3 =	sadd.s32 s3, s9;
	s6 =	sadd.s32 @!p0 $0x88, s6;
	s7 =	simm.s32 @p2 $0x1082  }
0x22: {  	[simem:s7], [sflag:s8] =	dma.local @!p0 [hbm:s6], $0xF7A  }
0x23: {  	s9 =	sor.u32 $0xD0000000, s2;
	s6 =	simm.s32 $0x108;
	_ =	swait.ge @!p0 [sflag:s8], $0x0  }
0x24: {  	s3 =	sadd.s32 $0x88, s3;
	s6 =	simm.s32 @!p1 $0x1082;
	[sflag:s4] =	ssyncset.s32 $0xFFFFF086  }
0x25: {  	[simem:s6], [sflag:s4] =	dma.local [hbm:s3], $0xF7A  }
0x26: {  	[smem:$0x3F9C] =	sst s1;
	(tag) =	ssettag s2;
	_ =	strace s9  }
0x27: {  	s1 =	sld [smem:$0x3FAC]  }
0x28: {  	s2 =	sld [smem:$0x3FAD]  }
0x29: {  	s4 =	sld [smem:$0x3FAF]  }
0x2a: {  	p0 =	seq.s32 s5, $0x0;
	s5 =	sld [smem:$0x3FB0]  }
0x2b: {  	s6 =	sld [smem:$0x3FB1]  }
0x2c: {  	s7 =	sld [smem:$0x3FB2]  }
0x2d: {  	s3 =	simm.s32 $0x108;
	s8 =	sld [smem:$0x3FB3]  }
0x2e: {  	s3 =	simm.s32 @!p0 $0x1082;
	s9 =	sld [smem:$0x3FB4]  }
0x2f: {  	lr =	sadd.s32 s0, s3;
	s0 =	sld [smem:$0x3FAB]  }
0x30: {  	s3 =	sld [smem:$0x3FAE]  }
0x31: {  	[smem:$0x3FB7] =	sst s10  }
0x32: {  	s10 =	sld [smem:$0x3FB5];
	_ =	sdelay $0x3  }
0x33: {  	p0 =	seq.s32 s10, $0x1;
	s10 =	sld [smem:$0x3FB7];
	_ =	sdelay $0x3  }
0x34: {  	[smem:$0x3FB7] =	sst s10  }
0x35: {  	s10 =	sld [smem:$0x3FB6];
	_ =	sdelay $0x3  }
0x36: {  	p1 =	seq.s32 s10, $0x1;
	s10 =	sld [smem:$0x3FB7];
	_ =	sdelay $0x3  }
0x37: {  	[smem:$0x3FB7] =	sst s10  }
0x38: {  	s10 =	sld [smem:$0x3FB8]  }
0x39: {  	_ = 	snop;
	(pc) =	sbr.ind lr, $3  }
0x3a: {  	_ = 	snop  }
0x3b: {  	_ = 	snop  }
0x3c: {  	p2 =	seq.s32 s10, $0x1;
	s10 =	sld [smem:$0x3FB7]  }
0x3d: {  	_ =	shalt  }
0x3e: {  	_ =	shalt  }
0x3f: {  	_ =	shalt  }
0x40: {  	_ =	shalt  }
0x41: {  	_ =	shalt  }
0x42: {  	_ =	shalt  }
0x43: {  	_ =	shalt  }
0x44: {  	_ =	shalt  }
0x45: {  	_ =	shalt  }
0x46: {  	_ =	shalt  }
0x47: {  	_ =	shalt  }
0x48: {  	_ =	shalt  }
0x49: {  	_ =	shalt  }
0x4a: {  	_ =	shalt  }
0x4b: {  	_ =	shalt  }
0x4c: {  	_ =	shalt  }
0x4d: {  	_ =	shalt  }
0x4e: {  	_ =	shalt  }
0x4f: {  	_ =	shalt  }
0x50: {  	_ =	shalt  }
0x51: {  	_ =	shalt  }
0x52: {  	_ =	shalt  }
0x53: {  	_ =	shalt  }
0x54: {  	_ =	shalt  }
0x55: {  	_ =	shalt  }
0x56: {  	_ =	shalt  }
0x57: {  	_ =	shalt  }
0x58: {  	_ =	shalt  }
0x59: {  	_ =	shalt  }
0x5a: {  	_ =	shalt  }
0x5b: {  	_ =	shalt  }
0x5c: {  	_ =	shalt  }
0x5d: {  	_ =	shalt  }
0x5e: {  	_ =	shalt  }
0x5f: {  	_ =	shalt  }
0x60: {  	_ =	shalt  }
0x61: {  	_ =	shalt  }
0x62: {  	_ =	shalt  }
0x63: {  	_ =	shalt  }
0x64: {  	_ =	shalt  }
0x65: {  	_ =	shalt  }
0x66: {  	_ =	shalt  }
0x67: {  	_ =	shalt  }
0x68: {  	_ =	shalt  }
0x69: {  	_ =	shalt  }
0x6a: {  	_ =	shalt  }
0x6b: {  	_ =	shalt  }
0x6c: {  	_ =	shalt  }
0x6d: {  	_ =	shalt  }
0x6e: {  	_ =	shalt  }
0x6f: {  	_ =	shalt  }
0x70: {  	_ =	shalt  }
0x71: {  	_ =	shalt  }
0x72: {  	_ =	shalt  }
0x73: {  	_ =	shalt  }
0x74: {  	_ =	shalt  }
0x75: {  	_ =	shalt  }
0x76: {  	_ =	shalt  }
0x77: {  	_ =	shalt  }
0x78: {  	_ =	shalt  }
0x79: {  	_ =	shalt  }
0x7a: {  	_ =	shalt  }
0x7b: {  	_ =	shalt  }
0x7c: {  	_ =	shalt  }
0x7d: {  	_ =	shalt  }
0x7e: {  	_ =	shalt  }
0x7f: {  	_ =	shalt  }
0x80: {  	_ =	shalt  }
0x81: {  	_ =	shalt  }
0x82: {  	_ =	shalt  }
0x83: {  	_ =	shalt  }
0x84: {  	_ =	shalt  }
0x85: {  	_ =	shalt  }
0x86: {  	_ =	shalt  }
0x87: {  	_ =	shalt  }
.Lfunc_end0:
.L_simem_size_0:
called_computation.1_lowered:
.L_overlay_start_0:
0x88: {  	s2 =	sld [smem:$0x3FD9]  }
0x89: {  	s3 =	sld [smem:$0x3FFE];
	_ =	sdelay $0x1  }
0x8a: {  	s1 =	srdreg.scid  }
0x8b: {  	s0 =	sand.u32 $0x1, s1  }
0x8c: {  	s17 =	sshll.u32 s0, $0xA;
	s2 =	sadd.s32 s3, s2  }
0x8d: {  	s2 =	sadd.s32 s2, s17  }
0x8e: {  	[smem:$0x3FC3] =	sst s2  }
0x8f: {  	_ = 	snop  }
0x90: {  	s2 =	sld [smem:$0x3FD0];
	(tm) =	ssettm $0x1  }
0x91: {  	s18 =	sld [smem:$0x3FFB];
	_ =	sdelay $0x3  }
0x92: {  	_ =	strace s18  }
0x93: {  	s3 =	sld [smem:$0x3FFC];
	_ =	sdelay $0x3  }
0x94: {  	_ =	strace s3  }
0x95: {  	s3 =	sld [smem:$0x3FFD];
	_ =	sdelay $0x3  }
0x96: {  	_ =	strace s3  }
0x97: {  	_ =	strace $0x8FFFFFFF  }
0x98: {  	s19 =	sld [smem:$0x3FDB];
	_ =	sdelay $0x1  }
0x99: {  	s4 =	simm.s32 $_scs_section_size  }
0x9a: {  	s5 =	simm.s32 $_size__tile_overlayer_lowered;
	s6 =	simm.s32 $_tile_overlayer_lowered  }
0x9b: {  	s22 =	simm.s32 $0x1BFF;
	s21 =	sshll.u32 s6, $0x1;
	s3 =	sadd.s32 s4, s19  }
0x9c: {  	s7 =	simm.s32 $0x0;
	s20 =	sshll.u32 s5, $0x1;
	s5 =	sadd.s32 s21, s3  }
0x9d: {  	[timem:s7], [sflag:s22] =	dma.local [hbm:s5], s20  }
0x9e: {  	_ =	swait.ge [sflag:s22], s20  }
0x9f: {  	s4 =	ssub.s32 $0x0, s20;
	[sflag:s22] =	ssyncset.done $0x0  }
0xa0: {  	[sflag:s22] =	ssyncadd.s32 s4;
	_ =	sdelay $0x1  }
0xa1: {  	s23 =	simm.s32 $0x1B8B  }
0xa2: {  	_ =	swait.ge [sflag:s23], $0x1  }
0xa3: {  	[sflag:s23] =	ssyncset.done $0x0  }
0xa4: {  	s25 =	simm.s32 $0x1B8E;
	s24 =	sld [smem:$0x3FFE];
	[sflag:s23] =	ssyncadd.s32 $0xFFFFFFFF  }
0xa5: {  	s26 =	simm.s32 $execute0_lowered;
	[smem:$0x3FD2] =	sst s25  }
0xa6: {  	s5 =	sshll.u32 s26, $0x1;
	_ =	strace $0x80000049;
	[dreg:$0x1] =	wrdreg $0xFFFFFFFF  }
0xa7: {  	s28 =	simm.s32 $_size_execute0_lowered;
	s3 =	sadd.s32 s3, s5;
	[dreg:$0x0] =	wrdreg $0x0  }
0xa8: {  	s5 =	sshll.u32 s28, $0x1;
	[dreg:$0x2] =	wrdreg s3  }
0xa9: {  	[dreg:$0x3] =	wrdreg s5  }
0xaa: {  	[dreg:$0x4] =	wrdreg $0xC0  }
0xab: {  	_ =	task [dreg:s7], $0x5FFFF  }
0xac: {  	[dreg:$0x1] =	wrdreg $0xFFFFFFFF  }
0xad: {  	[dreg:$0x0] =	wrdreg $0x60  }
0xae: {  	[dreg:$0x2] =	wrdreg s24  }
0xaf: {  	[dreg:$0x3] =	wrdreg s2  }
0xb0: {  	[dreg:$0x4] =	wrdreg $0x9  }
0xb1: {  	_ =	task.clear_ibuf [dreg:s7], $0x5FFFF;
	_ =	strace $0x90000049  }
0xb2: {  	s29 =	simm.s32 $0x9;
	_ =	strace $0x8000004B  }
0xb3: {  	_ =	swait.ge [sflag:s29], $0x1  }
0xb4: {  	[sflag:s29] =	ssyncadd.s32 $0xFFFFFFFF  }
0xb5: {  	_ =	strace $0x9000004B  }
0xb6: {  	_ =	sfence  }
0xb7: {  	s30 =	sld [smem:$0x0];
	_ =	sdelay $0x2  }
0xb8: {  	s31 =	sshll.u32 s1, $0xD;
	s1 =	sshrl.u32 s1, $0x2  }
0xb9: {  	s3 =	sand.u32 $0x4000, s31;
	s1 =	sadd.s32 s1, s30  }
0xba: {  	s0 =	sor.u32 s3, s0;
	s1 =	sshll.u32 s1, $0x11  }
0xbb: {  	s0 =	sor.u32 s1, s0  }
0xbc: {  	s0 =	sadd.s32 $0x8F2B, s0  }
0xbd: {  	[sflag:s0] =	ssyncadd.remote.s32 $0x1  }
0xbe: {  	_ =	sfence.sel $0xFFFF  }
0xbf: {  	[dreg:$0x0] =	wrdreg $0xFFFFFFFF;
	(pc) =	sbr.abs _section_cstart, $3  }
0xc0: {  	[dreg:$0x1] =	wrdreg $0xFFFFFFFF  }
0xc1: {  	_ =	task.clear_ibuf [dreg:s7], $0x2FFFF;
	_ =	strace $0x9FFFFFFF  }
0xc2: {  	(tm) =	ssettm $0x7FFFFFFF  }
0xc3: {  	_ =	shalt  }
tec
execute0_lowered:
.L_overlay_start_1:
0x0: {  	(tag) =	ssettag $0x1  }
0x1: {  	s3 =	rddreg [dreg:$0x0]  }
0x2: {  	s5 =	rddreg [dreg:$0x1]  }
0x3: {  	s0 =	rddreg [dreg:$0x2];
	s4 =	srdreg.scid  }
0x4: {  	s2 =	simm.s32 $0x0;
	s1 =	stileid.u32;
	s9 =	simm.s32 $0x2  }
0x5: {  	s10 =	simm.s32 $0x3;
	s11 =	simm.s32 $0x0;
	s4 =	sand.u32 $0x1, s4  }
0x6: {  	s7 =	sshll.u32 s1, $0xB;
	s6 =	sshll.u32 s4, $0xF;
	s4 =	ssub.s32 $0x2, s4  }
0x7: {  	[smem:$0x7FF] =	sst s2;
	s6 =	sor.u32 s7, s6;
	s31 =	sshrl.u32 s4, $0x1  }
0x8: {  	_ =	strace $0x8000004A;
	s8 =	sadd.s32 s6, s3;
	s7 =	ssub.s32 s4, s31  }
0x9: {  	s5 =	sadd.s32 s5, s6;
	s3 =	sadd.s32 $0x10A00, s8;
	s4 =	sadd.s32 $0x20A00, s8  }
0xa: {  	s6 =	smax.u32 s7, $0x1;
	s7 =	simm.s32 $0x4000;
	s8 =	simm.s32 $0x1  }
.LBB2_1:
0xb: {  	[tilespmem:s2], [sflag:$0x1] =	stream.linear.gather [hbm4b:s3+s2], $0x4000, $0x38;
	[tilespmem:$0x8000] =	vst v63  }
0xc: {  	_ = 	snop  }
0xd: {  	[tilespmem:s7], [sflag:$0x2] =	stream.linear.gather [hbm4b:s4+s2], $0x4000, $0x38;
	[tilespmem:$0x8000] =	vst v63  }
0xe: {  	_ =	swait.ge [sflag:s8], $0x4000  }
0xf: {  	[sflag:s8] =	ssyncset.done $0x0  }
0x10: {  	[sflag:s8] =	ssyncadd.s32 $0xFFFFC000  }
0x11: {  	_ =	swait.ge [sflag:s9], $0x4000  }
0x12: {  	[sflag:s9] =	ssyncset.done $0x0  }
0x13: {  	s12 =	simm.s32 $0x40;
	[sflag:s9] =	ssyncadd.s32 $0xFFFFC000  }
0x14: {  	s13 =	simm.s32 $0x4040;
	v0 =	vld [tilespmem:s12+$0xFFFFFFC0]  }
0x15: {  	v1 =	vld [tilespmem:s13+$0xFFFFFFC0];
	_ =	sdelay $0x4  }
0x16: {  	v0 =	vadd.f32 v1, v0;
	_ =	sdelay $0x1  }
0x17: {  	[tilespmem:s12+$0xFFFFFFC0] =	vst v0;
	v0 =	vld [tilespmem:s12+$0xFFFFFFD0]  }
0x18: {  	v1 =	vld [tilespmem:s13+$0xFFFFFFD0];
	_ =	sdelay $0x4  }
0x19: {  	v0 =	vadd.f32 v1, v0;
	_ =	sdelay $0x1  }
0x1a: {  	[tilespmem:s12+$0xFFFFFFD0] =	vst v0;
	v0 =	vld [tilespmem:s12+$0xFFFFFFE0]  }
0x1b: {  	v1 =	vld [tilespmem:s13+$0xFFFFFFE0];
	_ =	sdelay $0x4  }
0x1c: {  	v0 =	vadd.f32 v1, v0;
	_ =	sdelay $0x1  }
0x1d: {  	[tilespmem:s12+$0xFFFFFFE0] =	vst v0;
	v0 =	vld [tilespmem:s12+$0xFFFFFFF0]  }
0x1e: {  	v1 =	vld [tilespmem:s13+$0xFFFFFFF0];
	_ =	sdelay $0x4  }
0x1f: {  	v0 =	vadd.f32 v1, v0;
	_ =	sdelay $0x1  }
0x20: {  	[tilespmem:s12+$0xFFFFFFF0] =	vst v0;
	v0 =	vld [tilespmem:s12+$0x0]  }
0x21: {  	v1 =	vld [tilespmem:s13+$0x0];
	_ =	sdelay $0x4  }
0x22: {  	v0 =	vadd.f32 v1, v0;
	_ =	sdelay $0x1  }
0x23: {  	[tilespmem:s12+$0x0] =	vst v0;
	v0 =	vld [tilespmem:s12+$0x10]  }
0x24: {  	v1 =	vld [tilespmem:s13+$0x10];
	_ =	sdelay $0x4  }
0x25: {  	v0 =	vadd.f32 v1, v0;
	_ =	sdelay $0x1  }
0x26: {  	[tilespmem:s12+$0x10] =	vst v0;
	v0 =	vld [tilespmem:s12+$0x20]  }
0x27: {  	v1 =	vld [tilespmem:s13+$0x20];
	_ =	sdelay $0x4  }
0x28: {  	v0 =	vadd.f32 v1, v0;
	_ =	sdelay $0x1  }
0x29: {  	[tilespmem:s12+$0x20] =	vst v0;
	v0 =	vld [tilespmem:s12+$0x30]  }
0x2a: {  	v1 =	vld [tilespmem:s13+$0x30];
	_ =	sdelay $0x4  }
0x2b: {  	v0 =	vadd.f32 v1, v0  }
0x2c: {  	s14 =	simm.s32 $0x0;
	s15 =	simm.s32 $0xC0  }
.LBB2_2:
0x2d: {  	v1 =	vld [tilespmem:s15+$0xFFFFFFC0];
	[tilespmem:s12+$0x30] =	vst v0;
	s13 =	sadd.s32 $0x80, s13;
	s12 =	smov.u32 s15  }
0x2e: {  	s14 =	sadd.s32 $0x4, s14;
	v0 =	vld [tilespmem:s13+$0xFFFFFFC0]  }
0x2f: {  	p0 =	slt.u32 s14, $0x1FC;
	_ =	sdelay $0x3  }
0x30: {  	v0 =	vadd.f32 v0, v1;
	_ =	sdelay $0x1  }
0x31: {  	[tilespmem:s15+$0xFFFFFFC0] =	vst v0;
	v0 =	vld [tilespmem:s15+$0xFFFFFFD0]  }
0x32: {  	v1 =	vld [tilespmem:s13+$0xFFFFFFD0];
	_ =	sdelay $0x4  }
0x33: {  	v0 =	vadd.f32 v1, v0;
	_ =	sdelay $0x1  }
0x34: {  	[tilespmem:s15+$0xFFFFFFD0] =	vst v0;
	v0 =	vld [tilespmem:s15+$0xFFFFFFE0]  }
0x35: {  	v1 =	vld [tilespmem:s13+$0xFFFFFFE0];
	_ =	sdelay $0x4  }
0x36: {  	v0 =	vadd.f32 v1, v0;
	_ =	sdelay $0x1  }
0x37: {  	[tilespmem:s15+$0xFFFFFFE0] =	vst v0;
	v0 =	vld [tilespmem:s15+$0xFFFFFFF0]  }
0x38: {  	v1 =	vld [tilespmem:s13+$0xFFFFFFF0];
	_ =	sdelay $0x4  }
0x39: {  	v0 =	vadd.f32 v1, v0;
	_ =	sdelay $0x1  }
0x3a: {  	[tilespmem:s15+$0xFFFFFFF0] =	vst v0;
	v0 =	vld [tilespmem:s15+$0x0]  }
0x3b: {  	v1 =	vld [tilespmem:s13+$0x0];
	_ =	sdelay $0x4  }
0x3c: {  	v0 =	vadd.f32 v1, v0;
	_ =	sdelay $0x1  }
0x3d: {  	[tilespmem:s15+$0x0] =	vst v0;
	v0 =	vld [tilespmem:s15+$0x10]  }
0x3e: {  	v1 =	vld [tilespmem:s13+$0x10];
	_ =	sdelay $0x4  }
0x3f: {  	v0 =	vadd.f32 v1, v0;
	_ =	sdelay $0x1  }
0x40: {  	[tilespmem:s15+$0x10] =	vst v0;
	v0 =	vld [tilespmem:s15+$0x20]  }
0x41: {  	v1 =	vld [tilespmem:s13+$0x20];
	_ =	sdelay $0x4  }
0x42: {  	v0 =	vadd.f32 v1, v0;
	_ =	sdelay $0x1  }
0x43: {  	[tilespmem:s15+$0x20] =	vst v0;
	v0 =	vld [tilespmem:s15+$0x30]  }
0x44: {  	v1 =	vld [tilespmem:s13+$0x30];
	_ =	sdelay $0x1  }
.Ltmp0:
0x45: {  	(pc) =	sbr.rel @p0 .LBB2_2-.Ltmp0, $3  }
0x46: {  	_ =	sdelay $0x1  }
0x47: {  	v0 =	vadd.f32 v1, v0  }
0x48: {  	s15 =	sadd.s32 $0x80, s15  }
0x49: {  	s11 =	sadd.s32 $0x1, s11  }
0x4a: {  	p0 =	sne.s32 s11, s6  }
.Ltmp1:
0x4b: {  	[tilespmem:s12+$0x30] =	vst v0;
	(pc) =	sbr.rel @p0 .LBB2_1-.Ltmp1, $4  }
0x4c: {  	[hbm4b:s5+s2] =	stream.linear.scatter [tilespmem:s2], [sflag:$0x3], $0x4000, $0x38;
	[tilespmem:$0x8000] =	vst v63  }
0x4d: {  	_ =	swait.ge [sflag:s10], $0x4000  }
0x4e: {  	[sflag:s10] =	ssyncset.done $0x0  }
0x4f: {  	[sflag:s10] =	ssyncadd.s32 $0xFFFFC000  }
0x50: {  	_ =	sfence.sel $0x180000  }
0x51: {  	[bflag:$0x0] =	sbarrier.arrive $0xFFFF  }
0x52: {  	p0 =	sne.s32 s1, $0x0;
	_ =	strace $0x9000004A  }
0x53: {  	s0 =	sadd.s32 @!p0 $0x100000, s0;
	[bflag:$0x2] =	sbarrier.arrive $0xFFFF  }
0x54: {  	[sflag:s0] =	ssyncadd.tile.s32 @!p0 $0x1;
	_ =	shalt  }
.Lfunc_end2:
_tile_overlayer_lowered:
.L_overlay_start_2:
0x55: {  	(tag) =	ssettag $0x2  }
0x56: {  	s0 =	rddreg [dreg:$0x0];
	s2 =	stileid.u32  }
0x57: {  	s1 =	rddreg [dreg:$0x1];
	p0 =	sne.s32 s2, $0x0  }
0x58: {  	s3 =	rddreg [dreg:$0x2];
	[bflag:$0x3] =	sbarrier.arrive $0xFFFF;
	s2 =	simm.s32 @!p0 $0x1C03  }
0x59: {  	[timem:s3], [sflag:s2] =	dma.local @!p0 [hbm:s0], s1  }
0x5a: {  	s0 =	simm.s32 @!p0 $0x3  }
0x5b: {  	_ =	swait.ge @!p0 [sflag:s0], s1  }
0x5c: {  	s1 =	ssub.s32 @!p0 $0x0, s1;
	[sflag:s0] =	ssyncset.done @!p0 $0x0  }
0x5d: {  	[sflag:s0] =	ssyncadd.s32 @!p0 s1  }
0x5e: {  	[bflag:$0x3] =	sbarrier.arrive $0xFFFF  }
0x5f: {  	_ =	shalt  }

</sc_bundles>
